<compile_context>
chip_gen: v7x
topology: tpu7x:2x2x1
jax: 0.10.2.dev20260603
libtpu: 0.0.44.dev20260713+nightly
codegen_flags: <defaults>
</compile_context>

<pallas_src>
import jax
import jax.numpy as jnp
from jax.experimental import pallas as pl
from jax.experimental.pallas import tpu as pltpu
from jax.experimental.pallas import tpu_sc as plsc

T = 2048
H = 1024
E = 16
K = 2
NG = 4
GS = E // NG
I = 512
IS = 1024
RSF = 2.5
P = T * K
BM = 128
NBMAX = P // BM + E
PPAD = NBMAX * BM
BT = 256
SR = 4
HS = H // SR
HSW = HS // 2
SCW = 128

_NEG = float("-inf")


def _router_body(scores_ref, bias_ref, pos_ref, w_ref, be_ref, na_ref):
    s_raw = scores_ref[...]
    s = s_raw + bias_ref[...]
    lane = jax.lax.broadcasted_iota(jnp.int32, (T, E), 1)

    gscores = []
    for g in range(NG):
        sub = jnp.where((lane // GS) == g, s, _NEG)
        m1 = jnp.max(sub, axis=1, keepdims=True)
        i1 = jnp.min(jnp.where(sub == m1, lane, E), axis=1, keepdims=True)
        m2 = jnp.max(jnp.where(lane == i1, _NEG, sub), axis=1, keepdims=True)
        gscores.append(m1 + m2)

    gm1 = gscores[0]
    for g in range(1, NG):
        gm1 = jnp.maximum(gm1, gscores[g])
    gi1 = jnp.full((T, 1), NG, jnp.int32)
    for g in reversed(range(NG)):
        gi1 = jnp.where(gscores[g] == gm1, g, gi1)
    gm2 = jnp.full((T, 1), _NEG)
    for g in range(NG):
        gm2 = jnp.maximum(gm2, jnp.where(gi1 == g, _NEG, gscores[g]))
    gi2 = jnp.full((T, 1), NG, jnp.int32)
    for g in reversed(range(NG)):
        gi2 = jnp.where((gscores[g] == gm2) & (gi1 != g), g, gi2)

    group_of_lane = lane // GS
    smask = (group_of_lane == gi1) | (group_of_lane == gi2)
    ms = jnp.where(smask, s, _NEG)

    m1 = jnp.max(ms, axis=1, keepdims=True)
    e1 = jnp.min(jnp.where(ms == m1, lane, E), axis=1, keepdims=True)
    ms2 = jnp.where(lane == e1, _NEG, ms)
    m2 = jnp.max(ms2, axis=1, keepdims=True)
    e2 = jnp.min(jnp.where(ms2 == m2, lane, E), axis=1, keepdims=True)
    oh1 = lane == e1
    oh2 = lane == e2

    w1 = jnp.sum(jnp.where(oh1, s_raw, 0.0), axis=1, keepdims=True)
    w2 = jnp.sum(jnp.where(oh2, s_raw, 0.0), axis=1, keepdims=True)
    denom = w1 + w2 + jnp.float32(1e-20)
    w1n = w1 / denom * jnp.float32(RSF)
    w2n = w2 / denom * jnp.float32(RSF)

    a1 = oh1.astype(jnp.float32)
    a2 = oh2.astype(jnp.float32)
    C = 128
    r = jax.lax.broadcasted_iota(jnp.int32, (C, C), 0)
    c = jax.lax.broadcasted_iota(jnp.int32, (C, C), 1)
    lexc = (r > c).astype(jnp.float32)
    off = jnp.zeros((1, E), jnp.float32)
    rank_chunks = []
    for a in (a1, a2):
        chunks = []
        for i in range(T // C):
            ch = a[i * C:(i + 1) * C, :]
            exc = jax.lax.dot_general(lexc, ch, (((1,), (0,)), ((), ())),
                                      preferred_element_type=jnp.float32)
            chunks.append(exc + off)
            off = off + jnp.sum(ch, axis=0, keepdims=True)
        rank_chunks.append(jnp.concatenate(chunks, axis=0))
    rank1, rank2 = rank_chunks
    counts = off

    nb = jnp.floor((counts + jnp.float32(BM - 1)) * jnp.float32(1.0 / BM))
    padded = nb * jnp.float32(BM)
    offs = []
    acc = jnp.zeros((1, 1), jnp.float32)
    for e in range(E):
        offs.append(acc)
        acc = acc + padded[:, e:e + 1]
    pad_off = jnp.concatenate(offs, axis=1)

    po1 = jnp.sum(jnp.where(oh1, pad_off, 0.0), axis=1, keepdims=True)
    po2 = jnp.sum(jnp.where(oh2, pad_off, 0.0), axis=1, keepdims=True)
    r1 = jnp.sum(jnp.where(oh1, rank1, 0.0), axis=1, keepdims=True)
    r2 = jnp.sum(jnp.where(oh2, rank2, 0.0), axis=1, keepdims=True)
    pos1 = (po1 + r1).astype(jnp.int32)
    pos2 = (po2 + r2).astype(jnp.int32)

    pos_ref[...] = jnp.concatenate([pos1, pos2], axis=1)
    w_ref[...] = jnp.concatenate([w1n, w2n], axis=1)

    bl = jax.lax.broadcasted_iota(jnp.int32, (1, NBMAX), 1).astype(jnp.float32)
    be = jnp.zeros((1, NBMAX), jnp.int32)
    na = jnp.zeros((1, 1), jnp.float32)
    last_e = jnp.zeros((1, 1), jnp.int32)
    for e in range(E):
        start = pad_off[:, e:e + 1] * jnp.float32(1.0 / BM)
        nbe = nb[:, e:e + 1]
        be = jnp.where((bl >= start) & (bl < start + nbe), e, be)
        na = na + nbe
        last_e = jnp.where(nbe > 0, e, last_e)
    be = jnp.where(bl >= na, last_e, be)
    be_ref[...] = be
    na_ref[...] = na.astype(jnp.int32)


def _router(scores, bias):
    return pl.pallas_call(
        _router_body,
        out_shape=(
            jax.ShapeDtypeStruct((T, K), jnp.int32),
            jax.ShapeDtypeStruct((T, K), jnp.float32),
            jax.ShapeDtypeStruct((1, NBMAX), jnp.int32),
            jax.ShapeDtypeStruct((1, 1), jnp.int32),
        ),
    )(scores, bias)


def _gmm_body(be_ref, na_ref, x_ref, wg_ref, wu_ref, wd_ref, y_ref):
    b = pl.program_id(0)

    @pl.when(b < na_ref[0])
    def _():
        x = x_ref[...].astype(jnp.bfloat16)
        wg = wg_ref[0].astype(jnp.bfloat16)
        wu = wu_ref[0].astype(jnp.bfloat16)
        wd = wd_ref[0].astype(jnp.bfloat16)
        g = jax.lax.dot_general(x, wg, (((1,), (1,)), ((), ())),
                                preferred_element_type=jnp.float32)
        u = jax.lax.dot_general(x, wu, (((1,), (1,)), ((), ())),
                                preferred_element_type=jnp.float32)
        h = (g * jax.nn.sigmoid(g) * u).astype(jnp.bfloat16)
        y_ref[...] = jax.lax.dot_general(h, wd, (((1,), (1,)), ((), ())),
                                         preferred_element_type=jnp.float32)


def _gmm(be, na, x_sorted, W_gate, W_up, W_down):
    def _xy_idx(b, be, na):
        return (jnp.minimum(b, na[0] - 1), 0)

    def _w_idx(b, be, na):
        return (be[b], 0, 0)

    grid_spec = pltpu.PrefetchScalarGridSpec(
        num_scalar_prefetch=2,
        grid=(NBMAX,),
        in_specs=[
            pl.BlockSpec((BM, H), _xy_idx),
            pl.BlockSpec((1, I, H), _w_idx),
            pl.BlockSpec((1, I, H), _w_idx),
            pl.BlockSpec((1, H, I), _w_idx),
        ],
        out_specs=pl.BlockSpec((BM, H), _xy_idx),
    )
    return pl.pallas_call(
        _gmm_body,
        grid_spec=grid_spec,
        out_shape=jax.ShapeDtypeStruct((PPAD, H), jnp.float32),
    )(be, na, x_sorted, W_gate, W_up, W_down)


def _shared_body(x_ref, wsg_ref, wsu_ref, wsd_ref, o_ref):
    x = x_ref[...].astype(jnp.bfloat16)
    wsg = wsg_ref[...].astype(jnp.bfloat16)
    wsu = wsu_ref[...].astype(jnp.bfloat16)
    wsd = wsd_ref[...].astype(jnp.bfloat16)
    g = jax.lax.dot_general(x, wsg, (((1,), (1,)), ((), ())),
                            preferred_element_type=jnp.float32)
    u = jax.lax.dot_general(x, wsu, (((1,), (1,)), ((), ())),
                            preferred_element_type=jnp.float32)
    h = (g * jax.nn.sigmoid(g) * u).astype(jnp.bfloat16)
    o_ref[...] = jax.lax.dot_general(h, wsd, (((1,), (1,)), ((), ())),
                                     preferred_element_type=jnp.float32)


def _shared(x, Ws_gate, Ws_up, Ws_down):
    return pl.pallas_call(
        _shared_body,
        grid=(T // BT,),
        in_specs=[
            pl.BlockSpec((BT, H), lambda i: (i, 0)),
            pl.BlockSpec((IS, H), lambda i: (0, 0)),
            pl.BlockSpec((IS, H), lambda i: (0, 0)),
            pl.BlockSpec((H, IS), lambda i: (0, 0)),
        ],
        out_specs=pl.BlockSpec((BT, H), lambda i: (i, 0)),
        out_shape=jax.ShapeDtypeStruct((T, H), jnp.float32),
    )(x, Ws_gate, Ws_up, Ws_down)


DR = 32
GR = 16
IW = 128


def _sc_dispatch(x, pos0p, pos1p):
    mesh = plsc.VectorSubcoreMesh(core_axis_name="core", subcore_axis_name="subcore")

    @pl.kernel(out_type=jax.ShapeDtypeStruct((PPAD, H), jnp.float32),
               mesh=mesh)
    def k(x_hbm, p0_hbm, p1_hbm, o_hbm):
        def body(x_vmem, p0_vmem, p1_vmem):
            pltpu.sync_copy(x_vmem, o_hbm.at[p0_vmem.at[0, pl.ds(0, DR)]])
            pltpu.sync_copy(x_vmem, o_hbm.at[p1_vmem.at[0, pl.ds(0, DR)]])

        pltpu.emit_pipeline(
            body,
            grid=(T // DR,),
            in_specs=[
                pl.BlockSpec((DR, H), lambda i: (i, 0)),
                pl.BlockSpec((1, IW), lambda i: (i, 0)),
                pl.BlockSpec((1, IW), lambda i: (i, 0)),
            ],
            out_specs=[],
            core_axis_name=("core", "subcore"),
            dimension_semantics=(pltpu.PARALLEL,),
        )(x_hbm, p0_hbm, p1_hbm)

    return k(x, pos0p, pos1p)


def _sc_gather(y_sorted, pos0p, pos1p):
    mesh = plsc.VectorSubcoreMesh(core_axis_name="core", subcore_axis_name="subcore")

    @pl.kernel(out_type=(jax.ShapeDtypeStruct((T, H), jnp.float32),
                         jax.ShapeDtypeStruct((T, H), jnp.float32)),
               mesh=mesh)
    def k(y_hbm, p0_hbm, p1_hbm, o0_hbm, o1_hbm):
        def body(p0_vmem, p1_vmem, o0_vmem, o1_vmem):
            pltpu.sync_copy(y_hbm.at[p0_vmem.at[0, pl.ds(0, GR)]], o0_vmem)
            pltpu.sync_copy(y_hbm.at[p1_vmem.at[0, pl.ds(0, GR)]], o1_vmem)

        pltpu.emit_pipeline(
            body,
            grid=(T // GR,),
            in_specs=[
                pl.BlockSpec((1, IW), lambda i: (i, 0)),
                pl.BlockSpec((1, IW), lambda i: (i, 0)),
            ],
            out_specs=[
                pl.BlockSpec((GR, H), lambda i: (i, 0)),
                pl.BlockSpec((GR, H), lambda i: (i, 0)),
            ],
            core_axis_name=("core", "subcore"),
            dimension_semantics=(pltpu.PARALLEL,),
        )(p0_hbm, p1_hbm, o0_hbm, o1_hbm)

    return k(y_sorted, pos0p, pos1p)


def _epilogue_body(sh_ref, y0_ref, y1_ref, w_ref, o_ref):
    w = w_ref[...]
    o_ref[...] = (sh_ref[...]
                  + w[:, 0:1] * y0_ref[...]
                  + w[:, 1:2] * y1_ref[...])


def _epilogue(shared, y0, y1, w):
    return pl.pallas_call(
        _epilogue_body,
        grid=(T // BT,),
        in_specs=[
            pl.BlockSpec((BT, H), lambda i: (i, 0)),
            pl.BlockSpec((BT, H), lambda i: (i, 0)),
            pl.BlockSpec((BT, H), lambda i: (i, 0)),
            pl.BlockSpec((BT, K), lambda i: (i, 0)),
        ],
        out_specs=pl.BlockSpec((BT, H), lambda i: (i, 0)),
        out_shape=jax.ShapeDtypeStruct((T, H), jnp.float32),
    )(shared, y0, y1, w)


def kernel(hidden_states, Wg_router, bias_corr, W_gate, W_up, W_down,
           Ws_gate, Ws_up, Ws_down):
    x = hidden_states
    logits = jnp.dot(x, Wg_router.T).astype(jnp.float32)
    scores = jax.nn.sigmoid(logits)

    pos, w, be, na = _router(scores, bias_corr.reshape(1, E))
    zpad = ((0, 0), (0, IW - DR))
    d0 = jnp.pad(pos[:, 0].reshape(T // DR, DR), zpad)
    d1 = jnp.pad(pos[:, 1].reshape(T // DR, DR), zpad)
    gpad = ((0, 0), (0, IW - GR))
    g0 = jnp.pad(pos[:, 0].reshape(T // GR, GR), gpad)
    g1 = jnp.pad(pos[:, 1].reshape(T // GR, GR), gpad)

    x_sorted = _sc_dispatch(x, d0, d1)
    shared = _shared(x, Ws_gate, Ws_up, Ws_down)
    y_sorted = _gmm(be.reshape(NBMAX), na.reshape(1), x_sorted,
                    W_gate, W_up, W_down)
    y0, y1 = _sc_gather(y_sorted, g0, g1)
    return _epilogue(shared, y0, y1, w)

# --- scband reference (transcript-rebuilt; emitter-appended) ---
"""Pipeline reference for scband-axk1-mo-e-7060926235238 (READ-ONLY COPY).

The authoritative reference and input builder live on the scoring server;
editing this copy changes nothing except your own understanding.
"""

import jax, jax.numpy as jnp
import numpy as np

T = 2048        # tokens (batch=1, seq_len=2048)
H = 1024        # hidden_size
E = 16          # n_routed_experts
TOPK = 2        # num_experts_per_tok
NG = 4          # n_group
TG = 2          # topk_group
I = 512         # moe_intermediate_size
NSH = 2         # n_shared_experts
IS = I * NSH    # shared expert intermediate size
RSF = 2.5       # routed_scaling_factor


def setup_inputs(seed: int = 0) -> dict:
    key = jax.random.key(seed)
    ks = jax.random.split(key, 9)
    return {
        "hidden_states": jax.random.normal(ks[0], (T, H), dtype=jnp.float32),
        "Wg_router": jax.random.normal(ks[1], (E, H), dtype=jnp.float32) * 0.02,
        "bias_corr": jax.random.normal(ks[2], (E,), dtype=jnp.float32) * 0.02,
        "W_gate": jax.random.normal(ks[3], (E, I, H), dtype=jnp.float32) * 0.02,
        "W_up": jax.random.normal(ks[4], (E, I, H), dtype=jnp.float32) * 0.02,
        "W_down": jax.random.normal(ks[5], (E, H, I), dtype=jnp.float32) * 0.02,
        "Ws_gate": jax.random.normal(ks[6], (IS, H), dtype=jnp.float32) * 0.02,
        "Ws_up": jax.random.normal(ks[7], (IS, H), dtype=jnp.float32) * 0.02,
        "Ws_down": jax.random.normal(ks[8], (H, IS), dtype=jnp.float32) * 0.02,
    }


def _silu(x):
    return x * jax.nn.sigmoid(x)


def _noaux_tc_grouped_topk(scores, bias):
    # DeepseekV3-style grouped top-k with no-aux correction bias (sigmoid scoring)
    t = scores.shape[0]
    s = scores + bias[None, :]                           # [T, E] selection scores
    g = s.reshape(t, NG, E // NG)
    group_scores = jax.lax.top_k(g, 2)[0].sum(axis=-1)   # [T, NG] sum of top-2 per group
    _, gidx = jax.lax.top_k(group_scores, TG)            # [T, TG]
    gmask = jnp.zeros((t, NG), dtype=scores.dtype).at[jnp.arange(t)[:, None], gidx].set(1.0)
    smask = jnp.repeat(gmask, E // NG, axis=1)           # [T, E]
    masked = jnp.where(smask > 0, s, -jnp.inf)
    _, topk_ids = jax.lax.top_k(masked, TOPK)            # [T, TOPK]
    topk_w = jnp.take_along_axis(scores, topk_ids, axis=1)  # weights from raw sigmoid scores
    # norm_topk_prob = True -> renormalize
    topk_w = topk_w / (jnp.sum(topk_w, axis=-1, keepdims=True) + 1e-20)
    return topk_w, topk_ids


def reference(hidden_states, Wg_router, bias_corr, W_gate, W_up, W_down,
              Ws_gate, Ws_up, Ws_down):
    x = hidden_states  # [T, H]
    # router gate (ReplicatedLinear, no bias), scoring in float32
    router_logits = jnp.dot(x, Wg_router.T).astype(jnp.float32)  # [T, E]
    scores = jax.nn.sigmoid(router_logits)                        # scoring_func='sigmoid'
    topk_w, topk_ids = _noaux_tc_grouped_topk(scores, bias_corr)
    # combine weights scattered into dense [T, E]
    t = x.shape[0]
    combine = jnp.zeros((t, E), dtype=x.dtype).at[jnp.arange(t)[:, None], topk_ids].add(topk_w)
    # routed experts (silu gated MLP per expert, dense dispatch)
    g = jnp.einsum('th,eih->eti', x, W_gate)
    u = jnp.einsum('th,eih->eti', x, W_up)
    h = _silu(g) * u
    y = jnp.einsum('eti,ehi->eth', h, W_down)     # [E, T, H]
    routed = jnp.einsum('eth,te->th', y, combine)  # [T, H]
    # shared experts (reduce_results=False)
    hs = _silu(jnp.dot(x, Ws_gate.T)) * jnp.dot(x, Ws_up.T)
    shared = jnp.dot(hs, Ws_down.T)
    # dtype is float32 (not fp16) and not rocm-aiter -> scale routed output, then add shared
    final = routed * RSF + shared
    return final.reshape(t, H)

if __name__ == "__main__":
    import jax
    _d = setup_inputs()
    print(jax.jit(kernel)(*tuple(_d.values())))

</pallas_src>

<mosaic_0001>
#map = affine_map<(d0, d1) -> (0, 0)>
module attributes {stable_mosaic.version = 14 : i64} {
  func.func @k(%arg0: i32, %arg1: i32, %arg2: memref<6144x1024xf32, #tpu.memory_space<hbm>>, %arg3: memref<128x128xi32, #tpu.memory_space<hbm>>, %arg4: memref<128x128xi32, #tpu.memory_space<hbm>>, %arg5: memref<2048x1024xf32, #tpu.memory_space<hbm>>, %arg6: memref<2048x1024xf32, #tpu.memory_space<hbm>>) attributes {dimension_semantics = [#tpu.dimension_semantics<core_parallel>, #tpu.dimension_semantics<subcore_parallel>], iteration_bounds = array<i64: 2, 16>, scalar_prefetch = 0 : i64, scratch_operands = 0 : i64, tpu.core_type = #tpu.core_type<sc_vector_subcore>, window_params = [{transform_indices = #map}, {transform_indices = #map}, {transform_indices = #map}, {transform_indices = #map}, {transform_indices = #map}]} {
    %mul3A = arith.constant 1 : i32
    %mul3A_0 = arith.muli %arg1, %mul3A : i32
    %add3A = arith.constant 0 : i32
    %add3A_1 = arith.addi %add3A, %mul3A_0 : i32
    %mul3A_2 = arith.constant 16 : i32
    %mul3A_3 = arith.muli %arg0, %mul3A_2 : i32
    %add3A_4 = arith.addi %add3A_1, %mul3A_3 : i32
    %mul3A_5 = arith.constant 4 : i32
    %mul3A_6 = arith.muli %add3A_4, %mul3A_5 : i32
    "tpu.region"() ({
      %run_scoped3A = memref.alloca() : memref<2x1x128xi32, #tpu.memory_space<vmem>>
      %run_scoped3A_7 = tpu.sem_alloc : memref<2x!tpu.dma_semaphore, #tpu.memory_space<semaphore_mem>>
      %run_scoped3A_8 = memref.alloca() : memref<2x1x128xi32, #tpu.memory_space<vmem>>
      %run_scoped3A_9 = tpu.sem_alloc : memref<2x!tpu.dma_semaphore, #tpu.memory_space<semaphore_mem>>
      %run_scoped3A_10 = memref.alloca() : memref<2x16x1024xf32, #tpu.memory_space<vmem>>
      %run_scoped3A_11 = tpu.sem_alloc : memref<2x!tpu.dma_semaphore, #tpu.memory_space<semaphore_mem>>
      %run_scoped3A_12 = memref.alloca() : memref<2x16x1024xf32, #tpu.memory_space<vmem>>
      %run_scoped3A_13 = tpu.sem_alloc : memref<2x!tpu.dma_semaphore, #tpu.memory_space<semaphore_mem>>
      %add3A_14 = arith.constant 0 : i32
      %add3A_15 = arith.addi %add3A_14, %mul3A_6 : i32
      %select_n3A = arith.constant true
      %select_n3A_16 = arith.constant 0 : i32
      %select_n3A_17 = arith.constant -1 : i32
      %select_n3A_18 = arith.select %select_n3A, %select_n3A_17, %select_n3A_16 : i32
      %eq3A = arith.constant -1 : i32
      %eq3A_19 = arith.cmpi eq, %select_n3A_18, %eq3A : i32
      %select_n3A_20 = arith.constant 3 : i32
      %select_n3A_21 = arith.select %eq3A_19, %select_n3A_20, %select_n3A_18 : i32
      %add3A_22 = arith.addi %select_n3A_21, %mul3A_6 : i32
      %select_n3A_23 = arith.constant true
      %select_n3A_24 = arith.constant 0 : i32
      %select_n3A_25 = arith.constant 1 : i32
      %select_n3A_26 = arith.select %select_n3A_23, %select_n3A_25, %select_n3A_24 : i32
      %eq3A_27 = arith.constant 4 : i32
      %eq3A_28 = arith.cmpi eq, %select_n3A_26, %eq3A_27 : i32
      %select_n3A_29 = arith.constant 0 : i32
      %select_n3A_30 = arith.select %eq3A_28, %select_n3A_29, %select_n3A_26 : i32
      %add3A_31 = arith.addi %select_n3A_30, %mul3A_6 : i32
      %add3A_32 = arith.constant 1 : i32
      %add3A_33 = arith.addi %select_n3A_30, %add3A_32 : i32
      %select_n3A_34 = arith.constant true
      %select_n3A_35 = arith.select %select_n3A_34, %add3A_33, %select_n3A_30 : i32
      %eq3A_36 = arith.constant 4 : i32
      %eq3A_37 = arith.cmpi eq, %select_n3A_35, %eq3A_36 : i32
      %select_n3A_38 = arith.constant 0 : i32
      %select_n3A_39 = arith.select %eq3A_37, %select_n3A_38, %select_n3A_35 : i32
      %add3A_40 = arith.addi %select_n3A_39, %mul3A_6 : i32
      "tpu.trace_start"() <{level = 10 : i32, message = "ep_initialize_0"}> : () -> ()
      %rem3A = arith.constant 0 : i32
      %rem3A_41 = arith.constant 2 : i32
      %rem3A_42 = arith.remui %rem3A, %rem3A_41 : i32
      %mul3A_43 = arith.constant 1 : i32
      %mul3A_44 = arith.muli %mul3A_43, %add3A_15 : i32
      %dma_start3A = arith.constant 0 : i32
      %dma_start3A_45 = arith.constant 0 : i32
      %dma_start3A_46 = tpu.memref_slice %run_scoped3A[%rem3A_42, %dma_start3A, %dma_start3A_45] : memref<2x1x128xi32, #tpu.memory_space<vmem>> -> memref<1x1x128xi32, #tpu.memory_space<vmem>>
      %dma_start3A_47 = tpu.memref_squeeze %dma_start3A_46 : memref<1x1x128xi32, #tpu.memory_space<vmem>> -> memref<1x128xi32, #tpu.memory_space<vmem>>
      %dma_start3A_48 = arith.constant 0 : i32
      %dma_start3A_49 = tpu.memref_slice %arg3[%mul3A_44, %dma_start3A_48] : memref<128x128xi32, #tpu.memory_space<hbm>> -> memref<1x128xi32, #tpu.memory_space<hbm>>
      %dma_start3A_50 = tpu.memref_slice %run_scoped3A_7[%rem3A_42] : memref<2x!tpu.dma_semaphore, #tpu.memory_space<semaphore_mem>> -> memref<1x!tpu.dma_semaphore, #tpu.memory_space<semaphore_mem>>
      %dma_start3A_51 = tpu.memref_squeeze %dma_start3A_50 : memref<1x!tpu.dma_semaphore, #tpu.memory_space<semaphore_mem>> -> memref<!tpu.dma_semaphore, #tpu.memory_space<semaphore_mem>>
      %dma_start3A_52 = arith.constant 0 : i32
      %dma_start3A_53 = arith.constant 0 : i32
      %dma_start3A_54 = tpu.memref_slice %run_scoped3A[%rem3A_42, %dma_start3A_52, %dma_start3A_53] : memref<2x1x128xi32, #tpu.memory_space<vmem>> -> memref<1x1x128xi32, #tpu.memory_space<vmem>>
      %dma_start3A_55 = tpu.memref_squeeze %dma_start3A_54 : memref<1x1x128xi32, #tpu.memory_space<vmem>> -> memref<1x128xi32, #tpu.memory_space<vmem>>
      %dma_start3A_56 = arith.constant 0 : i32
      %dma_start3A_57 = tpu.memref_slice %arg3[%mul3A_44, %dma_start3A_56] : memref<128x128xi32, #tpu.memory_space<hbm>> -> memref<1x128xi32, #tpu.memory_space<hbm>>
      tpu.enqueue_dma source(%dma_start3A_57 : memref<1x128xi32, #tpu.memory_space<hbm>>) target(%dma_start3A_55 : memref<1x128xi32, #tpu.memory_space<vmem>>) target_semaphore(%dma_start3A_51 : memref<!tpu.dma_semaphore, #tpu.memory_space<semaphore_mem>>)
      %add3A_58 = arith.constant 0 : i32
      %add3A_59 = arith.constant 1 : i32
      %add3A_60 = arith.addi %add3A_58, %add3A_59 : i32
      %select_n3A_61 = arith.constant true
      %select_n3A_62 = arith.constant 0 : i32
      %select_n3A_63 = arith.select %select_n3A_61, %add3A_60, %select_n3A_62 : i32
      %rem3A_64 = arith.constant 0 : i32
      %rem3A_65 = arith.constant 2 : i32
      %rem3A_66 = arith.remui %rem3A_64, %rem3A_65 : i32
      %mul3A_67 = arith.constant 1 : i32
      %mul3A_68 = arith.muli %mul3A_67, %add3A_15 : i32
      %dma_start3A_69 = arith.constant 0 : i32
      %dma_start3A_70 = arith.constant 0 : i32
      %dma_start3A_71 = tpu.memref_slice %run_scoped3A_8[%rem3A_66, %dma_start3A_69, %dma_start3A_70] : memref<2x1x128xi32, #tpu.memory_space<vmem>> -> memref<1x1x128xi32, #tpu.memory_space<vmem>>
      %dma_start3A_72 = tpu.memref_squeeze %dma_start3A_71 : memref<1x1x128xi32, #tpu.memory_space<vmem>> -> memref<1x128xi32, #tpu.memory_space<vmem>>
      %dma_start3A_73 = arith.constant 0 : i32
      %dma_start3A_74 = tpu.memref_slice %arg4[%mul3A_68, %dma_start3A_73] : memref<128x128xi32, #tpu.memory_space<hbm>> -> memref<1x128xi32, #tpu.memory_space<hbm>>
      %dma_start3A_75 = tpu.memref_slice %run_scoped3A_9[%rem3A_66] : memref<2x!tpu.dma_semaphore, #tpu.memory_space<semaphore_mem>> -> memref<1x!tpu.dma_semaphore, #tpu.memory_space<semaphore_mem>>
      %dma_start3A_76 = tpu.memref_squeeze %dma_start3A_75 : memref<1x!tpu.dma_semaphore, #tpu.memory_space<semaphore_mem>> -> memref<!tpu.dma_semaphore, #tpu.memory_space<semaphore_mem>>
      %dma_start3A_77 = arith.constant 0 : i32
      %dma_start3A_78 = arith.constant 0 : i32
      %dma_start3A_79 = tpu.memref_slice %run_scoped3A_8[%rem3A_66, %dma_start3A_77, %dma_start3A_78] : memref<2x1x128xi32, #tpu.memory_space<vmem>> -> memref<1x1x128xi32, #tpu.memory_space<vmem>>
      %dma_start3A_80 = tpu.memref_squeeze %dma_start3A_79 : memref<1x1x128xi32, #tpu.memory_space<vmem>> -> memref<1x128xi32, #tpu.memory_space<vmem>>
      %dma_start3A_81 = arith.constant 0 : i32
      %dma_start3A_82 = tpu.memref_slice %arg4[%mul3A_68, %dma_start3A_81] : memref<128x128xi32, #tpu.memory_space<hbm>> -> memref<1x128xi32, #tpu.memory_space<hbm>>
      tpu.enqueue_dma source(%dma_start3A_82 : memref<1x128xi32, #tpu.memory_space<hbm>>) target(%dma_start3A_80 : memref<1x128xi32, #tpu.memory_space<vmem>>) target_semaphore(%dma_start3A_76 : memref<!tpu.dma_semaphore, #tpu.memory_space<semaphore_mem>>)
      %add3A_83 = arith.constant 0 : i32
      %add3A_84 = arith.constant 1 : i32
      %add3A_85 = arith.addi %add3A_83, %add3A_84 : i32
      %select_n3A_86 = arith.constant true
      %select_n3A_87 = arith.constant 0 : i32
      %select_n3A_88 = arith.select %select_n3A_86, %add3A_85, %select_n3A_87 : i32
      "tpu.trace_stop"() : () -> ()
      %scan3A = arith.constant 0 : i32
      %scan3A_89 = arith.constant 0 : i32
      %scan3A_90 = arith.constant 0 : i32
      %scan3A_91 = arith.constant 0 : i32
      %scan3A_92 = arith.constant 0 : i32
      %scan3A_93 = arith.constant 0 : i32
      %scan3A_94 = arith.constant 0 : i32
      %scan3A_95 = arith.constant 0 : i32
      %scan3A_96 = arith.constant 4 : i32
      %scan3A_97 = arith.addi %scan3A_95, %scan3A_96 : i32
      %scan3A_98 = arith.constant 1 : i32
      %scan3A_99:9 = scf.for %scan3A_171 = %scan3A_95 to %scan3A_97 step %scan3A_98 iter_args(%scan3A_172 = %select_n3A_63, %scan3A_173 = %scan3A, %scan3A_174 = %select_n3A_88, %scan3A_175 = %scan3A_89, %scan3A_176 = %scan3A_90, %scan3A_177 = %scan3A_91, %scan3A_178 = %scan3A_92, %scan3A_179 = %scan3A_93, %scan3A_180 = %scan3A_94) -> (i32, i32, i32, i32, i32, i32, i32, i32, i32)  : i32 {
        %eq3A_181 = arith.constant 0 : i32
        %eq3A_182 = arith.cmpi eq, %scan3A_171, %eq3A_181 : i32
        %eq3A_183 = arith.constant 3 : i32
        %eq3A_184 = arith.cmpi eq, %scan3A_171, %eq3A_183 : i32
        %add3A_185 = arith.addi %scan3A_180, %mul3A_6 : i32
        %sub3A_186 = arith.constant 1 : i32
        %sub3A_187 = arith.subi %scan3A_180, %sub3A_186 : i32
        %select_n3A_188 = arith.constant true
        %select_n3A_189 = arith.select %select_n3A_188, %sub3A_187, %scan3A_180 : i32
        %eq3A_190 = arith.constant -1 : i32
        %eq3A_191 = arith.cmpi eq, %select_n3A_189, %eq3A_190 : i32
        %select_n3A_192 = arith.constant 3 : i32
        %select_n3A_193 = arith.select %eq3A_191, %select_n3A_192, %select_n3A_189 : i32
        %add3A_194 = arith.addi %select_n3A_193, %mul3A_6 : i32
        %add3A_195 = arith.constant 1 : i32
        %add3A_196 = arith.addi %scan3A_180, %add3A_195 : i32
        %select_n3A_197 = arith.constant true
        %select_n3A_198 = arith.select %select_n3A_197, %add3A_196, %scan3A_180 : i32
        %eq3A_199 = arith.constant 4 : i32
        %eq3A_200 = arith.cmpi eq, %select_n3A_198, %eq3A_199 : i32
        %select_n3A_201 = arith.constant 0 : i32
        %select_n3A_202 = arith.select %eq3A_200, %select_n3A_201, %select_n3A_198 : i32
        %add3A_203 = arith.addi %select_n3A_202, %mul3A_6 : i32
        %add3A_204 = arith.constant 1 : i32
        %add3A_205 = arith.addi %select_n3A_202, %add3A_204 : i32
        %select_n3A_206 = arith.constant true
        %select_n3A_207 = arith.select %select_n3A_206, %add3A_205, %select_n3A_202 : i32
        %eq3A_208 = arith.constant 4 : i32
        %eq3A_209 = arith.cmpi eq, %select_n3A_207, %eq3A_208 : i32
        %select_n3A_210 = arith.constant 0 : i32
        %select_n3A_211 = arith.select %eq3A_209, %select_n3A_210, %select_n3A_207 : i32
        %add3A_212 = arith.addi %select_n3A_211, %mul3A_6 : i32
        %ne3A = arith.cmpi ne, %add3A_185, %add3A_203 : i32
        %or3A = arith.constant false
        %or3A_213 = arith.ori %or3A, %ne3A : i1
        %or3A_214 = arith.constant false
        %or3A_215 = arith.ori %or3A_213, %or3A_214 : i1
        %ge3A = arith.constant 3 : i32
        %ge3A_216 = arith.cmpi sge, %scan3A_171, %ge3A : i32
        %not3A = arith.constant true
        %not3A_217 = arith.xori %ge3A_216, %not3A : i1
        %and3A = arith.andi %or3A_215, %not3A_217 : i1
        %convert_element_type3A = arith.extui %and3A : i1 to i32
        %cond3A = arith.constant 0 : i32
        %cond3A_218 = arith.cmpi ne, %convert_element_type3A, %cond3A : i32
        scf.if %cond3A_218 {
          "tpu.trace_start"() <{level = 10 : i32, message = "ep_copy_in"}> : () -> ()
          %rem3A_442 = arith.constant 2 : i32
          %rem3A_443 = arith.remui %scan3A_172, %rem3A_442 : i32
          %mul3A_444 = arith.constant 1 : i32
          %mul3A_445 = arith.muli %mul3A_444, %add3A_203 : i32
          %dma_start3A_446 = arith.constant 0 : i32
          %dma_start3A_447 = arith.constant 0 : i32
          %dma_start3A_448 = tpu.memref_slice %run_scoped3A[%rem3A_443, %dma_start3A_446, %dma_start3A_447] : memref<2x1x128xi32, #tpu.memory_space<vmem>> -> memref<1x1x128xi32, #tpu.memory_space<vmem>>
          %dma_start3A_449 = tpu.memref_squeeze %dma_start3A_448 : memref<1x1x128xi32, #tpu.memory_space<vmem>> -> memref<1x128xi32, #tpu.memory_space<vmem>>
          %dma_start3A_450 = arith.constant 0 : i32
          %dma_start3A_451 = tpu.memref_slice %arg3[%mul3A_445, %dma_start3A_450] : memref<128x128xi32, #tpu.memory_space<hbm>> -> memref<1x128xi32, #tpu.memory_space<hbm>>
          %dma_start3A_452 = tpu.memref_slice %run_scoped3A_7[%rem3A_443] : memref<2x!tpu.dma_semaphore, #tpu.memory_space<semaphore_mem>> -> memref<1x!tpu.dma_semaphore, #tpu.memory_space<semaphore_mem>>
          %dma_start3A_453 = tpu.memref_squeeze %dma_start3A_452 : memref<1x!tpu.dma_semaphore, #tpu.memory_space<semaphore_mem>> -> memref<!tpu.dma_semaphore, #tpu.memory_space<semaphore_mem>>
          %dma_start3A_454 = arith.constant 0 : i32
          %dma_start3A_455 = arith.constant 0 : i32
          %dma_start3A_456 = tpu.memref_slice %run_scoped3A[%rem3A_443, %dma_start3A_454, %dma_start3A_455] : memref<2x1x128xi32, #tpu.memory_space<vmem>> -> memref<1x1x128xi32, #tpu.memory_space<vmem>>
          %dma_start3A_457 = tpu.memref_squeeze %dma_start3A_456 : memref<1x1x128xi32, #tpu.memory_space<vmem>> -> memref<1x128xi32, #tpu.memory_space<vmem>>
          %dma_start3A_458 = arith.constant 0 : i32
          %dma_start3A_459 = tpu.memref_slice %arg3[%mul3A_445, %dma_start3A_458] : memref<128x128xi32, #tpu.memory_space<hbm>> -> memref<1x128xi32, #tpu.memory_space<hbm>>
          tpu.enqueue_dma source(%dma_start3A_459 : memref<1x128xi32, #tpu.memory_space<hbm>>) target(%dma_start3A_457 : memref<1x128xi32, #tpu.memory_space<vmem>>) target_semaphore(%dma_start3A_453 : memref<!tpu.dma_semaphore, #tpu.memory_space<semaphore_mem>>)
          "tpu.trace_stop"() : () -> ()
        } else {
        }
        %and3A_219 = arith.constant true
        %and3A_220 = arith.andi %and3A, %and3A_219 : i1
        %add3A_221 = arith.constant 1 : i32
        %add3A_222 = arith.addi %scan3A_172, %add3A_221 : i32
        %select_n3A_223 = arith.select %and3A_220, %add3A_222, %scan3A_172 : i32
        %ne3A_224 = arith.cmpi ne, %add3A_185, %add3A_203 : i32
        %or3A_225 = arith.constant false
        %or3A_226 = arith.ori %or3A_225, %ne3A_224 : i1
        %or3A_227 = arith.constant false
        %or3A_228 = arith.ori %or3A_226, %or3A_227 : i1
        %ge3A_229 = arith.constant 3 : i32
        %ge3A_230 = arith.cmpi sge, %scan3A_171, %ge3A_229 : i32
        %not3A_231 = arith.constant true
        %not3A_232 = arith.xori %ge3A_230, %not3A_231 : i1
        %and3A_233 = arith.andi %or3A_228, %not3A_232 : i1
        %convert_element_type3A_234 = arith.extui %and3A_233 : i1 to i32
        %cond3A_235 = arith.constant 0 : i32
        %cond3A_236 = arith.cmpi ne, %convert_element_type3A_234, %cond3A_235 : i32
        scf.if %cond3A_236 {
          "tpu.trace_start"() <{level = 10 : i32, message = "ep_copy_in"}> : () -> ()
          %rem3A_442 = arith.constant 2 : i32
          %rem3A_443 = arith.remui %scan3A_174, %rem3A_442 : i32
          %mul3A_444 = arith.constant 1 : i32
          %mul3A_445 = arith.muli %mul3A_444, %add3A_203 : i32
          %dma_start3A_446 = arith.constant 0 : i32
          %dma_start3A_447 = arith.constant 0 : i32
          %dma_start3A_448 = tpu.memref_slice %run_scoped3A_8[%rem3A_443, %dma_start3A_446, %dma_start3A_447] : memref<2x1x128xi32, #tpu.memory_space<vmem>> -> memref<1x1x128xi32, #tpu.memory_space<vmem>>
          %dma_start3A_449 = tpu.memref_squeeze %dma_start3A_448 : memref<1x1x128xi32, #tpu.memory_space<vmem>> -> memref<1x128xi32, #tpu.memory_space<vmem>>
          %dma_start3A_450 = arith.constant 0 : i32
          %dma_start3A_451 = tpu.memref_slice %arg4[%mul3A_445, %dma_start3A_450] : memref<128x128xi32, #tpu.memory_space<hbm>> -> memref<1x128xi32, #tpu.memory_space<hbm>>
          %dma_start3A_452 = tpu.memref_slice %run_scoped3A_9[%rem3A_443] : memref<2x!tpu.dma_semaphore, #tpu.memory_space<semaphore_mem>> -> memref<1x!tpu.dma_semaphore, #tpu.memory_space<semaphore_mem>>
          %dma_start3A_453 = tpu.memref_squeeze %dma_start3A_452 : memref<1x!tpu.dma_semaphore, #tpu.memory_space<semaphore_mem>> -> memref<!tpu.dma_semaphore, #tpu.memory_space<semaphore_mem>>
          %dma_start3A_454 = arith.constant 0 : i32
          %dma_start3A_455 = arith.constant 0 : i32
          %dma_start3A_456 = tpu.memref_slice %run_scoped3A_8[%rem3A_443, %dma_start3A_454, %dma_start3A_455] : memref<2x1x128xi32, #tpu.memory_space<vmem>> -> memref<1x1x128xi32, #tpu.memory_space<vmem>>
          %dma_start3A_457 = tpu.memref_squeeze %dma_start3A_456 : memref<1x1x128xi32, #tpu.memory_space<vmem>> -> memref<1x128xi32, #tpu.memory_space<vmem>>
          %dma_start3A_458 = arith.constant 0 : i32
          %dma_start3A_459 = tpu.memref_slice %arg4[%mul3A_445, %dma_start3A_458] : memref<128x128xi32, #tpu.memory_space<hbm>> -> memref<1x128xi32, #tpu.memory_space<hbm>>
          tpu.enqueue_dma source(%dma_start3A_459 : memref<1x128xi32, #tpu.memory_space<hbm>>) target(%dma_start3A_457 : memref<1x128xi32, #tpu.memory_space<vmem>>) target_semaphore(%dma_start3A_453 : memref<!tpu.dma_semaphore, #tpu.memory_space<semaphore_mem>>)
          "tpu.trace_stop"() : () -> ()
        } else {
        }
        %and3A_237 = arith.constant true
        %and3A_238 = arith.andi %and3A_233, %and3A_237 : i1
        %add3A_239 = arith.constant 1 : i32
        %add3A_240 = arith.addi %scan3A_174, %add3A_239 : i32
        %select_n3A_241 = arith.select %and3A_238, %add3A_240, %scan3A_174 : i32
        %ne3A_242 = arith.cmpi ne, %add3A_185, %add3A_203 : i32
        %or3A_243 = arith.constant false
        %or3A_244 = arith.ori %or3A_243, %ne3A_242 : i1
        %or3A_245 = arith.constant false
        %or3A_246 = arith.ori %or3A_244, %or3A_245 : i1
        %ge3A_247 = arith.constant 3 : i32
        %ge3A_248 = arith.cmpi sge, %scan3A_171, %ge3A_247 : i32
        %not3A_249 = arith.constant true
        %not3A_250 = arith.xori %ge3A_248, %not3A_249 : i1
        %and3A_251 = arith.andi %or3A_246, %not3A_250 : i1
        %ne3A_252 = arith.cmpi ne, %add3A_185, %add3A_203 : i32
        %or3A_253 = arith.constant false
        %or3A_254 = arith.ori %or3A_253, %ne3A_252 : i1
        %or3A_255 = arith.constant false
        %or3A_256 = arith.ori %or3A_254, %or3A_255 : i1
        %ge3A_257 = arith.constant 3 : i32
        %ge3A_258 = arith.cmpi sge, %scan3A_171, %ge3A_257 : i32
        %not3A_259 = arith.constant true
        %not3A_260 = arith.xori %ge3A_258, %not3A_259 : i1
        %and3A_261 = arith.andi %or3A_256, %not3A_260 : i1
        %ne3A_262 = arith.cmpi ne, %add3A_185, %add3A_194 : i32
        %or3A_263 = arith.constant false
        %or3A_264 = arith.ori %or3A_263, %ne3A_262 : i1
        %or3A_265 = arith.constant false
        %or3A_266 = arith.ori %or3A_264, %or3A_265 : i1
        %or3A_267 = arith.ori %or3A_266, %eq3A_182 : i1
        %convert_element_type3A_268 = arith.extui %or3A_267 : i1 to i32
        %cond3A_269 = arith.constant 0 : i32
        %cond3A_270 = arith.cmpi ne, %convert_element_type3A_268, %cond3A_269 : i32
        scf.if %cond3A_270 {
          "tpu.trace_start"() <{level = 10 : i32, message = "ep_wait_in"}> : () -> ()
          %mul3A_442 = arith.constant 1 : i32
          %mul3A_443 = arith.muli %mul3A_442, %add3A_185 : i32
          %rem3A_444 = arith.constant 2 : i32
          %rem3A_445 = arith.remui %scan3A_173, %rem3A_444 : i32
          %dma_wait3A_446 = arith.constant 0 : i32
          %dma_wait3A_447 = arith.constant 0 : i32
          %dma_wait3A_448 = tpu.memref_slice %run_scoped3A[%rem3A_445, %dma_wait3A_446, %dma_wait3A_447] : memref<2x1x128xi32, #tpu.memory_space<vmem>> -> memref<1x1x128xi32, #tpu.memory_space<vmem>>
          %dma_wait3A_449 = tpu.memref_squeeze %dma_wait3A_448 : memref<1x1x128xi32, #tpu.memory_space<vmem>> -> memref<1x128xi32, #tpu.memory_space<vmem>>
          %dma_wait3A_450 = arith.constant 0 : i32
          %dma_wait3A_451 = tpu.memref_slice %arg3[%mul3A_443, %dma_wait3A_450] : memref<128x128xi32, #tpu.memory_space<hbm>> -> memref<1x128xi32, #tpu.memory_space<hbm>>
          %dma_wait3A_452 = tpu.memref_slice %run_scoped3A_7[%rem3A_445] : memref<2x!tpu.dma_semaphore, #tpu.memory_space<semaphore_mem>> -> memref<1x!tpu.dma_semaphore, #tpu.memory_space<semaphore_mem>>
          %dma_wait3A_453 = tpu.memref_squeeze %dma_wait3A_452 : memref<1x!tpu.dma_semaphore, #tpu.memory_space<semaphore_mem>> -> memref<!tpu.dma_semaphore, #tpu.memory_space<semaphore_mem>>
          %dma_wait3A_454 = arith.constant 0 : i32
          %dma_wait3A_455 = arith.constant 0 : i32
          %dma_wait3A_456 = tpu.memref_slice %run_scoped3A[%rem3A_445, %dma_wait3A_454, %dma_wait3A_455] : memref<2x1x128xi32, #tpu.memory_space<vmem>> -> memref<1x1x128xi32, #tpu.memory_space<vmem>>
          %dma_wait3A_457 = tpu.memref_squeeze %dma_wait3A_456 : memref<1x1x128xi32, #tpu.memory_space<vmem>> -> memref<1x128xi32, #tpu.memory_space<vmem>>
          %dma_wait3A_458 = arith.constant 0 : i32
          %dma_wait3A_459 = tpu.memref_slice %arg3[%mul3A_443, %dma_wait3A_458] : memref<128x128xi32, #tpu.memory_space<hbm>> -> memref<1x128xi32, #tpu.memory_space<hbm>>
          tpu.wait_dma2 semaphore(%dma_wait3A_453 : memref<!tpu.dma_semaphore, #tpu.memory_space<semaphore_mem>>) src(%dma_wait3A_459 : memref<1x128xi32, #tpu.memory_space<hbm>>) dst(%dma_wait3A_457 : memref<1x128xi32, #tpu.memory_space<vmem>>)
          "tpu.trace_stop"() : () -> ()
        } else {
        }
        %ne3A_271 = arith.cmpi ne, %add3A_185, %add3A_194 : i32
        %or3A_272 = arith.constant false
        %or3A_273 = arith.ori %or3A_272, %ne3A_271 : i1
        %or3A_274 = arith.constant false
        %or3A_275 = arith.ori %or3A_273, %or3A_274 : i1
        %or3A_276 = arith.ori %or3A_275, %eq3A_182 : i1
        %convert_element_type3A_277 = arith.extui %or3A_276 : i1 to i32
        %cond3A_278 = arith.constant 0 : i32
        %cond3A_279 = arith.cmpi ne, %convert_element_type3A_277, %cond3A_278 : i32
        scf.if %cond3A_279 {
          "tpu.trace_start"() <{level = 10 : i32, message = "ep_wait_in"}> : () -> ()
          %mul3A_442 = arith.constant 1 : i32
          %mul3A_443 = arith.muli %mul3A_442, %add3A_185 : i32
          %rem3A_444 = arith.constant 2 : i32
          %rem3A_445 = arith.remui %scan3A_175, %rem3A_444 : i32
          %dma_wait3A_446 = arith.constant 0 : i32
          %dma_wait3A_447 = arith.constant 0 : i32
          %dma_wait3A_448 = tpu.memref_slice %run_scoped3A_8[%rem3A_445, %dma_wait3A_446, %dma_wait3A_447] : memref<2x1x128xi32, #tpu.memory_space<vmem>> -> memref<1x1x128xi32, #tpu.memory_space<vmem>>
          %dma_wait3A_449 = tpu.memref_squeeze %dma_wait3A_448 : memref<1x1x128xi32, #tpu.memory_space<vmem>> -> memref<1x128xi32, #tpu.memory_space<vmem>>
          %dma_wait3A_450 = arith.constant 0 : i32
          %dma_wait3A_451 = tpu.memref_slice %arg4[%mul3A_443, %dma_wait3A_450] : memref<128x128xi32, #tpu.memory_space<hbm>> -> memref<1x128xi32, #tpu.memory_space<hbm>>
          %dma_wait3A_452 = tpu.memref_slice %run_scoped3A_9[%rem3A_445] : memref<2x!tpu.dma_semaphore, #tpu.memory_space<semaphore_mem>> -> memref<1x!tpu.dma_semaphore, #tpu.memory_space<semaphore_mem>>
          %dma_wait3A_453 = tpu.memref_squeeze %dma_wait3A_452 : memref<1x!tpu.dma_semaphore, #tpu.memory_space<semaphore_mem>> -> memref<!tpu.dma_semaphore, #tpu.memory_space<semaphore_mem>>
          %dma_wait3A_454 = arith.constant 0 : i32
          %dma_wait3A_455 = arith.constant 0 : i32
          %dma_wait3A_456 = tpu.memref_slice %run_scoped3A_8[%rem3A_445, %dma_wait3A_454, %dma_wait3A_455] : memref<2x1x128xi32, #tpu.memory_space<vmem>> -> memref<1x1x128xi32, #tpu.memory_space<vmem>>
          %dma_wait3A_457 = tpu.memref_squeeze %dma_wait3A_456 : memref<1x1x128xi32, #tpu.memory_space<vmem>> -> memref<1x128xi32, #tpu.memory_space<vmem>>
          %dma_wait3A_458 = arith.constant 0 : i32
          %dma_wait3A_459 = tpu.memref_slice %arg4[%mul3A_443, %dma_wait3A_458] : memref<128x128xi32, #tpu.memory_space<hbm>> -> memref<1x128xi32, #tpu.memory_space<hbm>>
          tpu.wait_dma2 semaphore(%dma_wait3A_453 : memref<!tpu.dma_semaphore, #tpu.memory_space<semaphore_mem>>) src(%dma_wait3A_459 : memref<1x128xi32, #tpu.memory_space<hbm>>) dst(%dma_wait3A_457 : memref<1x128xi32, #tpu.memory_space<vmem>>)
          "tpu.trace_stop"() : () -> ()
        } else {
        }
        %ne3A_280 = arith.cmpi ne, %add3A_185, %add3A_194 : i32
        %or3A_281 = arith.constant false
        %or3A_282 = arith.ori %or3A_281, %ne3A_280 : i1
        %or3A_283 = arith.constant false
        %or3A_284 = arith.ori %or3A_282, %or3A_283 : i1
        %or3A_285 = arith.ori %or3A_284, %eq3A_182 : i1
        %convert_element_type3A_286 = arith.extui %or3A_285 : i1 to i32
        %cond3A_287 = arith.constant 0 : i32
        %cond3A_288 = arith.cmpi ne, %convert_element_type3A_286, %cond3A_287 : i32
        scf.if %cond3A_288 {
        } else {
        }
        %ne3A_289 = arith.cmpi ne, %add3A_185, %add3A_194 : i32
        %or3A_290 = arith.constant false
        %or3A_291 = arith.ori %or3A_290, %ne3A_289 : i1
        %or3A_292 = arith.constant false
        %or3A_293 = arith.ori %or3A_291, %or3A_292 : i1
        %or3A_294 = arith.ori %or3A_293, %eq3A_182 : i1
        %convert_element_type3A_295 = arith.extui %or3A_294 : i1 to i32
        %cond3A_296 = arith.constant 0 : i32
        %cond3A_297 = arith.cmpi ne, %convert_element_type3A_295, %cond3A_296 : i32
        scf.if %cond3A_297 {
        } else {
        }
        %rem3A_298 = arith.constant 2 : i32
        %rem3A_299 = arith.remui %scan3A_173, %rem3A_298 : i32
        %rem3A_300 = arith.constant 2 : i32
        %rem3A_301 = arith.remui %scan3A_175, %rem3A_300 : i32
        %rem3A_302 = arith.constant 2 : i32
        %rem3A_303 = arith.remui %scan3A_176, %rem3A_302 : i32
        %rem3A_304 = arith.constant 2 : i32
        %rem3A_305 = arith.remui %scan3A_178, %rem3A_304 : i32
        %run_scoped3A_306 = arith.constant 0 : i32
        "tpu.trace_start"() <{level = 10 : i32, message = "ep_run_kernel"}> : () -> ()
        "tpu.region"() ({
          %run_scoped3A_442 = tpu.sem_alloc : memref<!tpu.dma_semaphore, #tpu.memory_space<semaphore_mem>>
          %dma_start3A_443 = arith.constant 0 : i32
          %dma_start3A_444 = arith.constant 0 : i32
          %dma_start3A_445 = tpu.memref_slice %run_scoped3A_10[%rem3A_303, %dma_start3A_443, %dma_start3A_444] : memref<2x16x1024xf32, #tpu.memory_space<vmem>> -> memref<1x16x1024xf32, #tpu.memory_space<vmem>>
          %dma_start3A_446 = tpu.memref_squeeze %dma_start3A_445 : memref<1x16x1024xf32, #tpu.memory_space<vmem>> -> memref<16x1024xf32, #tpu.memory_space<vmem>>
          %dma_start3A_447 = arith.constant 0 : i32
          %dma_start3A_448 = arith.constant 0 : i32
          %dma_start3A_449 = tpu.memref_slice %run_scoped3A[%rem3A_299, %dma_start3A_447, %dma_start3A_448] : memref<2x1x128xi32, #tpu.memory_space<vmem>> -> memref<1x1x128xi32, #tpu.memory_space<vmem>>
          %dma_start3A_450 = tpu.memref_squeeze %dma_start3A_449 : memref<1x1x128xi32, #tpu.memory_space<vmem>> -> memref<1x128xi32, #tpu.memory_space<vmem>>
          %dma_start3A_451 = arith.constant 0 : i32
          %dma_start3A_452 = tpu.memref_slice %dma_start3A_450[%run_scoped3A_306, %dma_start3A_451] : memref<1x128xi32, #tpu.memory_space<vmem>> -> memref<1x16xi32, #tpu.memory_space<vmem>>
          %dma_start3A_453 = tpu.memref_squeeze %dma_start3A_452 : memref<1x16xi32, #tpu.memory_space<vmem>> -> memref<16xi32, #tpu.memory_space<vmem>>
          %dma_start3A_454 = arith.constant 0 : i32
          %dma_start3A_455 = arith.constant 0 : i32
          %dma_start3A_456 = tpu.memref_slice %arg2[%dma_start3A_454, %dma_start3A_455] : memref<6144x1024xf32, #tpu.memory_space<hbm>> -> memref<6144x1024xf32, #tpu.memory_space<hbm>>
          tpu.enqueue_indirect_dma source(%dma_start3A_456 : memref<6144x1024xf32, #tpu.memory_space<hbm>>) target(%dma_start3A_446 : memref<16x1024xf32, #tpu.memory_space<vmem>>) offsets(%dma_start3A_453 : memref<16xi32, #tpu.memory_space<vmem>>) semaphore(%run_scoped3A_442 : memref<!tpu.dma_semaphore, #tpu.memory_space<semaphore_mem>>)
          %dma_wait3A_457 = arith.constant 0 : i32
          %dma_wait3A_458 = arith.constant 0 : i32
          %dma_wait3A_459 = tpu.memref_slice %run_scoped3A_10[%rem3A_303, %dma_wait3A_457, %dma_wait3A_458] : memref<2x16x1024xf32, #tpu.memory_space<vmem>> -> memref<1x16x1024xf32, #tpu.memory_space<vmem>>
          %dma_wait3A_460 = tpu.memref_squeeze %dma_wait3A_459 : memref<1x16x1024xf32, #tpu.memory_space<vmem>> -> memref<16x1024xf32, #tpu.memory_space<vmem>>
          %dma_wait3A_461 = arith.constant 0 : i32
          %dma_wait3A_462 = arith.constant 0 : i32
          %dma_wait3A_463 = tpu.memref_slice %run_scoped3A[%rem3A_299, %dma_wait3A_461, %dma_wait3A_462] : memref<2x1x128xi32, #tpu.memory_space<vmem>> -> memref<1x1x128xi32, #tpu.memory_space<vmem>>
          %dma_wait3A_464 = tpu.memref_squeeze %dma_wait3A_463 : memref<1x1x128xi32, #tpu.memory_space<vmem>> -> memref<1x128xi32, #tpu.memory_space<vmem>>
          %dma_wait3A_465 = arith.constant 0 : i32
          %dma_wait3A_466 = tpu.memref_slice %dma_wait3A_464[%run_scoped3A_306, %dma_wait3A_465] : memref<1x128xi32, #tpu.memory_space<vmem>> -> memref<1x16xi32, #tpu.memory_space<vmem>>
          %dma_wait3A_467 = tpu.memref_squeeze %dma_wait3A_466 : memref<1x16xi32, #tpu.memory_space<vmem>> -> memref<16xi32, #tpu.memory_space<vmem>>
          %dma_wait3A_468 = arith.constant 0 : i32
          %dma_wait3A_469 = arith.constant 0 : i32
          %dma_wait3A_470 = tpu.memref_slice %arg2[%dma_wait3A_468, %dma_wait3A_469] : memref<6144x1024xf32, #tpu.memory_space<hbm>> -> memref<6144x1024xf32, #tpu.memory_space<hbm>>
          tpu.wait_indirect_dma semaphore(%run_scoped3A_442 : memref<!tpu.dma_semaphore, #tpu.memory_space<semaphore_mem>>) src(%dma_wait3A_470 : memref<6144x1024xf32, #tpu.memory_space<hbm>>) dst(%dma_wait3A_460 : memref<16x1024xf32, #tpu.memory_space<vmem>>)
          tpu.yield
        }) : () -> ()
        %run_scoped3A_307 = arith.constant 0 : i32
        "tpu.region"() ({
          %run_scoped3A_442 = tpu.sem_alloc : memref<!tpu.dma_semaphore, #tpu.memory_space<semaphore_mem>>
          %dma_start3A_443 = arith.constant 0 : i32
          %dma_start3A_444 = arith.constant 0 : i32
          %dma_start3A_445 = tpu.memref_slice %run_scoped3A_12[%rem3A_305, %dma_start3A_443, %dma_start3A_444] : memref<2x16x1024xf32, #tpu.memory_space<vmem>> -> memref<1x16x1024xf32, #tpu.memory_space<vmem>>
          %dma_start3A_446 = tpu.memref_squeeze %dma_start3A_445 : memref<1x16x1024xf32, #tpu.memory_space<vmem>> -> memref<16x1024xf32, #tpu.memory_space<vmem>>
          %dma_start3A_447 = arith.constant 0 : i32
          %dma_start3A_448 = arith.constant 0 : i32
          %dma_start3A_449 = tpu.memref_slice %run_scoped3A_8[%rem3A_301, %dma_start3A_447, %dma_start3A_448] : memref<2x1x128xi32, #tpu.memory_space<vmem>> -> memref<1x1x128xi32, #tpu.memory_space<vmem>>
          %dma_start3A_450 = tpu.memref_squeeze %dma_start3A_449 : memref<1x1x128xi32, #tpu.memory_space<vmem>> -> memref<1x128xi32, #tpu.memory_space<vmem>>
          %dma_start3A_451 = arith.constant 0 : i32
          %dma_start3A_452 = tpu.memref_slice %dma_start3A_450[%run_scoped3A_307, %dma_start3A_451] : memref<1x128xi32, #tpu.memory_space<vmem>> -> memref<1x16xi32, #tpu.memory_space<vmem>>
          %dma_start3A_453 = tpu.memref_squeeze %dma_start3A_452 : memref<1x16xi32, #tpu.memory_space<vmem>> -> memref<16xi32, #tpu.memory_space<vmem>>
          %dma_start3A_454 = arith.constant 0 : i32
          %dma_start3A_455 = arith.constant 0 : i32
          %dma_start3A_456 = tpu.memref_slice %arg2[%dma_start3A_454, %dma_start3A_455] : memref<6144x1024xf32, #tpu.memory_space<hbm>> -> memref<6144x1024xf32, #tpu.memory_space<hbm>>
          tpu.enqueue_indirect_dma source(%dma_start3A_456 : memref<6144x1024xf32, #tpu.memory_space<hbm>>) target(%dma_start3A_446 : memref<16x1024xf32, #tpu.memory_space<vmem>>) offsets(%dma_start3A_453 : memref<16xi32, #tpu.memory_space<vmem>>) semaphore(%run_scoped3A_442 : memref<!tpu.dma_semaphore, #tpu.memory_space<semaphore_mem>>)
          %dma_wait3A_457 = arith.constant 0 : i32
          %dma_wait3A_458 = arith.constant 0 : i32
          %dma_wait3A_459 = tpu.memref_slice %run_scoped3A_12[%rem3A_305, %dma_wait3A_457, %dma_wait3A_458] : memref<2x16x1024xf32, #tpu.memory_space<vmem>> -> memref<1x16x1024xf32, #tpu.memory_space<vmem>>
          %dma_wait3A_460 = tpu.memref_squeeze %dma_wait3A_459 : memref<1x16x1024xf32, #tpu.memory_space<vmem>> -> memref<16x1024xf32, #tpu.memory_space<vmem>>
          %dma_wait3A_461 = arith.constant 0 : i32
          %dma_wait3A_462 = arith.constant 0 : i32
          %dma_wait3A_463 = tpu.memref_slice %run_scoped3A_8[%rem3A_301, %dma_wait3A_461, %dma_wait3A_462] : memref<2x1x128xi32, #tpu.memory_space<vmem>> -> memref<1x1x128xi32, #tpu.memory_space<vmem>>
          %dma_wait3A_464 = tpu.memref_squeeze %dma_wait3A_463 : memref<1x1x128xi32, #tpu.memory_space<vmem>> -> memref<1x128xi32, #tpu.memory_space<vmem>>
          %dma_wait3A_465 = arith.constant 0 : i32
          %dma_wait3A_466 = tpu.memref_slice %dma_wait3A_464[%run_scoped3A_307, %dma_wait3A_465] : memref<1x128xi32, #tpu.memory_space<vmem>> -> memref<1x16xi32, #tpu.memory_space<vmem>>
          %dma_wait3A_467 = tpu.memref_squeeze %dma_wait3A_466 : memref<1x16xi32, #tpu.memory_space<vmem>> -> memref<16xi32, #tpu.memory_space<vmem>>
          %dma_wait3A_468 = arith.constant 0 : i32
          %dma_wait3A_469 = arith.constant 0 : i32
          %dma_wait3A_470 = tpu.memref_slice %arg2[%dma_wait3A_468, %dma_wait3A_469] : memref<6144x1024xf32, #tpu.memory_space<hbm>> -> memref<6144x1024xf32, #tpu.memory_space<hbm>>
          tpu.wait_indirect_dma semaphore(%run_scoped3A_442 : memref<!tpu.dma_semaphore, #tpu.memory_space<semaphore_mem>>) src(%dma_wait3A_470 : memref<6144x1024xf32, #tpu.memory_space<hbm>>) dst(%dma_wait3A_460 : memref<16x1024xf32, #tpu.memory_space<vmem>>)
          tpu.yield
        }) : () -> ()
        "tpu.trace_stop"() : () -> ()
        %ne3A_308 = arith.cmpi ne, %add3A_185, %add3A_203 : i32
        %or3A_309 = arith.constant false
        %or3A_310 = arith.ori %or3A_309, %ne3A_308 : i1
        %or3A_311 = arith.constant false
        %or3A_312 = arith.ori %or3A_310, %or3A_311 : i1
        %or3A_313 = arith.ori %or3A_312, %eq3A_184 : i1
        %convert_element_type3A_314 = arith.extui %or3A_313 : i1 to i32
        %cond3A_315 = arith.constant 0 : i32
        %cond3A_316 = arith.cmpi ne, %convert_element_type3A_314, %cond3A_315 : i32
        scf.if %cond3A_316 {
        } else {
        }
        %and3A_317 = arith.constant false
        %and3A_318 = arith.andi %or3A_313, %and3A_317 : i1
        %ne3A_319 = arith.cmpi ne, %add3A_185, %add3A_203 : i32
        %or3A_320 = arith.constant false
        %or3A_321 = arith.ori %or3A_320, %ne3A_319 : i1
        %or3A_322 = arith.constant false
        %or3A_323 = arith.ori %or3A_321, %or3A_322 : i1
        %or3A_324 = arith.ori %or3A_323, %eq3A_184 : i1
        %convert_element_type3A_325 = arith.extui %or3A_324 : i1 to i32
        %cond3A_326 = arith.constant 0 : i32
        %cond3A_327 = arith.cmpi ne, %convert_element_type3A_325, %cond3A_326 : i32
        scf.if %cond3A_327 {
        } else {
        }
        %and3A_328 = arith.constant false
        %and3A_329 = arith.andi %or3A_324, %and3A_328 : i1
        %ne3A_330 = arith.cmpi ne, %add3A_185, %add3A_203 : i32
        %or3A_331 = arith.constant false
        %or3A_332 = arith.ori %or3A_331, %ne3A_330 : i1
        %or3A_333 = arith.constant false
        %or3A_334 = arith.ori %or3A_332, %or3A_333 : i1
        %or3A_335 = arith.ori %or3A_334, %eq3A_184 : i1
        %convert_element_type3A_336 = arith.extui %or3A_335 : i1 to i32
        %cond3A_337 = arith.constant 0 : i32
        %cond3A_338 = arith.cmpi ne, %convert_element_type3A_336, %cond3A_337 : i32
        scf.if %cond3A_338 {
          "tpu.trace_start"() <{level = 10 : i32, message = "ep_copy_out"}> : () -> ()
          %rem3A_442 = arith.constant 2 : i32
          %rem3A_443 = arith.remui %scan3A_176, %rem3A_442 : i32
          %mul3A_444 = arith.constant 16 : i32
          %mul3A_445 = arith.muli %mul3A_444, %add3A_185 : i32
          %dma_start3A_446 = arith.constant 0 : i32
          %dma_start3A_447 = arith.constant 0 : i32
          %dma_start3A_448 = tpu.memref_slice %run_scoped3A_10[%rem3A_443, %dma_start3A_446, %dma_start3A_447] : memref<2x16x1024xf32, #tpu.memory_space<vmem>> -> memref<1x16x1024xf32, #tpu.memory_space<vmem>>
          %dma_start3A_449 = tpu.memref_squeeze %dma_start3A_448 : memref<1x16x1024xf32, #tpu.memory_space<vmem>> -> memref<16x1024xf32, #tpu.memory_space<vmem>>
          %dma_start3A_450 = arith.constant 0 : i32
          %dma_start3A_451 = tpu.memref_slice %arg5[%mul3A_445, %dma_start3A_450] : memref<2048x1024xf32, #tpu.memory_space<hbm>> -> memref<16x1024xf32, #tpu.memory_space<hbm>>
          %dma_start3A_452 = tpu.memref_slice %run_scoped3A_11[%rem3A_443] : memref<2x!tpu.dma_semaphore, #tpu.memory_space<semaphore_mem>> -> memref<1x!tpu.dma_semaphore, #tpu.memory_space<semaphore_mem>>
          %dma_start3A_453 = tpu.memref_squeeze %dma_start3A_452 : memref<1x!tpu.dma_semaphore, #tpu.memory_space<semaphore_mem>> -> memref<!tpu.dma_semaphore, #tpu.memory_space<semaphore_mem>>
          %dma_start3A_454 = arith.constant 0 : i32
          %dma_start3A_455 = tpu.memref_slice %arg5[%mul3A_445, %dma_start3A_454] : memref<2048x1024xf32, #tpu.memory_space<hbm>> -> memref<16x1024xf32, #tpu.memory_space<hbm>>
          %dma_start3A_456 = arith.constant 0 : i32
          %dma_start3A_457 = arith.constant 0 : i32
          %dma_start3A_458 = tpu.memref_slice %run_scoped3A_10[%rem3A_443, %dma_start3A_456, %dma_start3A_457] : memref<2x16x1024xf32, #tpu.memory_space<vmem>> -> memref<1x16x1024xf32, #tpu.memory_space<vmem>>
          %dma_start3A_459 = tpu.memref_squeeze %dma_start3A_458 : memref<1x16x1024xf32, #tpu.memory_space<vmem>> -> memref<16x1024xf32, #tpu.memory_space<vmem>>
          tpu.enqueue_dma source(%dma_start3A_459 : memref<16x1024xf32, #tpu.memory_space<vmem>>) target(%dma_start3A_455 : memref<16x1024xf32, #tpu.memory_space<hbm>>) target_semaphore(%dma_start3A_453 : memref<!tpu.dma_semaphore, #tpu.memory_space<semaphore_mem>>)
          "tpu.trace_stop"() : () -> ()
        } else {
        }
        %and3A_339 = arith.constant true
        %and3A_340 = arith.andi %or3A_335, %and3A_339 : i1
        %add3A_341 = arith.constant 1 : i32
        %add3A_342 = arith.addi %scan3A_176, %add3A_341 : i32
        %select_n3A_343 = arith.select %and3A_340, %add3A_342, %scan3A_176 : i32
        %ne3A_344 = arith.cmpi ne, %add3A_185, %add3A_203 : i32
        %or3A_345 = arith.constant false
        %or3A_346 = arith.ori %or3A_345, %ne3A_344 : i1
        %or3A_347 = arith.constant false
        %or3A_348 = arith.ori %or3A_346, %or3A_347 : i1
        %or3A_349 = arith.ori %or3A_348, %eq3A_184 : i1
        %convert_element_type3A_350 = arith.extui %or3A_349 : i1 to i32
        %cond3A_351 = arith.constant 0 : i32
        %cond3A_352 = arith.cmpi ne, %convert_element_type3A_350, %cond3A_351 : i32
        scf.if %cond3A_352 {
          "tpu.trace_start"() <{level = 10 : i32, message = "ep_copy_out"}> : () -> ()
          %rem3A_442 = arith.constant 2 : i32
          %rem3A_443 = arith.remui %scan3A_178, %rem3A_442 : i32
          %mul3A_444 = arith.constant 16 : i32
          %mul3A_445 = arith.muli %mul3A_444, %add3A_185 : i32
          %dma_start3A_446 = arith.constant 0 : i32
          %dma_start3A_447 = arith.constant 0 : i32
          %dma_start3A_448 = tpu.memref_slice %run_scoped3A_12[%rem3A_443, %dma_start3A_446, %dma_start3A_447] : memref<2x16x1024xf32, #tpu.memory_space<vmem>> -> memref<1x16x1024xf32, #tpu.memory_space<vmem>>
          %dma_start3A_449 = tpu.memref_squeeze %dma_start3A_448 : memref<1x16x1024xf32, #tpu.memory_space<vmem>> -> memref<16x1024xf32, #tpu.memory_space<vmem>>
          %dma_start3A_450 = arith.constant 0 : i32
          %dma_start3A_451 = tpu.memref_slice %arg6[%mul3A_445, %dma_start3A_450] : memref<2048x1024xf32, #tpu.memory_space<hbm>> -> memref<16x1024xf32, #tpu.memory_space<hbm>>
          %dma_start3A_452 = tpu.memref_slice %run_scoped3A_13[%rem3A_443] : memref<2x!tpu.dma_semaphore, #tpu.memory_space<semaphore_mem>> -> memref<1x!tpu.dma_semaphore, #tpu.memory_space<semaphore_mem>>
          %dma_start3A_453 = tpu.memref_squeeze %dma_start3A_452 : memref<1x!tpu.dma_semaphore, #tpu.memory_space<semaphore_mem>> -> memref<!tpu.dma_semaphore, #tpu.memory_space<semaphore_mem>>
          %dma_start3A_454 = arith.constant 0 : i32
          %dma_start3A_455 = tpu.memref_slice %arg6[%mul3A_445, %dma_start3A_454] : memref<2048x1024xf32, #tpu.memory_space<hbm>> -> memref<16x1024xf32, #tpu.memory_space<hbm>>
          %dma_start3A_456 = arith.constant 0 : i32
          %dma_start3A_457 = arith.constant 0 : i32
          %dma_start3A_458 = tpu.memref_slice %run_scoped3A_12[%rem3A_443, %dma_start3A_456, %dma_start3A_457] : memref<2x16x1024xf32, #tpu.memory_space<vmem>> -> memref<1x16x1024xf32, #tpu.memory_space<vmem>>
          %dma_start3A_459 = tpu.memref_squeeze %dma_start3A_458 : memref<1x16x1024xf32, #tpu.memory_space<vmem>> -> memref<16x1024xf32, #tpu.memory_space<vmem>>
          tpu.enqueue_dma source(%dma_start3A_459 : memref<16x1024xf32, #tpu.memory_space<vmem>>) target(%dma_start3A_455 : memref<16x1024xf32, #tpu.memory_space<hbm>>) target_semaphore(%dma_start3A_453 : memref<!tpu.dma_semaphore, #tpu.memory_space<semaphore_mem>>)
          "tpu.trace_stop"() : () -> ()
        } else {
        }
        %and3A_353 = arith.constant true
        %and3A_354 = arith.andi %or3A_349, %and3A_353 : i1
        %add3A_355 = arith.constant 1 : i32
        %add3A_356 = arith.addi %scan3A_178, %add3A_355 : i32
        %select_n3A_357 = arith.select %and3A_354, %add3A_356, %scan3A_178 : i32
        %ne3A_358 = arith.cmpi ne, %add3A_185, %add3A_194 : i32
        %or3A_359 = arith.constant false
        %or3A_360 = arith.ori %or3A_359, %ne3A_358 : i1
        %or3A_361 = arith.constant false
        %or3A_362 = arith.ori %or3A_360, %or3A_361 : i1
        %not3A_363 = arith.constant true
        %not3A_364 = arith.xori %eq3A_182, %not3A_363 : i1
        %and3A_365 = arith.andi %or3A_362, %not3A_364 : i1
        %convert_element_type3A_366 = arith.extui %and3A_365 : i1 to i32
        %cond3A_367 = arith.constant 0 : i32
        %cond3A_368 = arith.cmpi ne, %convert_element_type3A_366, %cond3A_367 : i32
        scf.if %cond3A_368 {
        } else {
        }
        %and3A_369 = arith.constant false
        %and3A_370 = arith.andi %and3A_365, %and3A_369 : i1
        %ne3A_371 = arith.cmpi ne, %add3A_185, %add3A_194 : i32
        %or3A_372 = arith.constant false
        %or3A_373 = arith.ori %or3A_372, %ne3A_371 : i1
        %or3A_374 = arith.constant false
        %or3A_375 = arith.ori %or3A_373, %or3A_374 : i1
        %not3A_376 = arith.constant true
        %not3A_377 = arith.xori %eq3A_182, %not3A_376 : i1
        %and3A_378 = arith.andi %or3A_375, %not3A_377 : i1
        %convert_element_type3A_379 = arith.extui %and3A_378 : i1 to i32
        %cond3A_380 = arith.constant 0 : i32
        %cond3A_381 = arith.cmpi ne, %convert_element_type3A_379, %cond3A_380 : i32
        scf.if %cond3A_381 {
        } else {
        }
        %and3A_382 = arith.constant false
        %and3A_383 = arith.andi %and3A_378, %and3A_382 : i1
        %ne3A_384 = arith.cmpi ne, %add3A_185, %add3A_194 : i32
        %or3A_385 = arith.constant false
        %or3A_386 = arith.ori %or3A_385, %ne3A_384 : i1
        %or3A_387 = arith.constant false
        %or3A_388 = arith.ori %or3A_386, %or3A_387 : i1
        %not3A_389 = arith.constant true
        %not3A_390 = arith.xori %eq3A_182, %not3A_389 : i1
        %and3A_391 = arith.andi %or3A_388, %not3A_390 : i1
        %convert_element_type3A_392 = arith.extui %and3A_391 : i1 to i32
        %cond3A_393 = arith.constant 0 : i32
        %cond3A_394 = arith.cmpi ne, %convert_element_type3A_392, %cond3A_393 : i32
        scf.if %cond3A_394 {
          "tpu.trace_start"() <{level = 10 : i32, message = "ep_wait_out"}> : () -> ()
          %rem3A_442 = arith.constant 2 : i32
          %rem3A_443 = arith.remui %scan3A_177, %rem3A_442 : i32
          %mul3A_444 = arith.constant 16 : i32
          %mul3A_445 = arith.muli %mul3A_444, %add3A_194 : i32
          %dma_wait3A_446 = arith.constant 0 : i32
          %dma_wait3A_447 = arith.constant 0 : i32
          %dma_wait3A_448 = tpu.memref_slice %run_scoped3A_10[%rem3A_443, %dma_wait3A_446, %dma_wait3A_447] : memref<2x16x1024xf32, #tpu.memory_space<vmem>> -> memref<1x16x1024xf32, #tpu.memory_space<vmem>>
          %dma_wait3A_449 = tpu.memref_squeeze %dma_wait3A_448 : memref<1x16x1024xf32, #tpu.memory_space<vmem>> -> memref<16x1024xf32, #tpu.memory_space<vmem>>
          %dma_wait3A_450 = arith.constant 0 : i32
          %dma_wait3A_451 = tpu.memref_slice %arg5[%mul3A_445, %dma_wait3A_450] : memref<2048x1024xf32, #tpu.memory_space<hbm>> -> memref<16x1024xf32, #tpu.memory_space<hbm>>
          %dma_wait3A_452 = tpu.memref_slice %run_scoped3A_11[%rem3A_443] : memref<2x!tpu.dma_semaphore, #tpu.memory_space<semaphore_mem>> -> memref<1x!tpu.dma_semaphore, #tpu.memory_space<semaphore_mem>>
          %dma_wait3A_453 = tpu.memref_squeeze %dma_wait3A_452 : memref<1x!tpu.dma_semaphore, #tpu.memory_space<semaphore_mem>> -> memref<!tpu.dma_semaphore, #tpu.memory_space<semaphore_mem>>
          %dma_wait3A_454 = arith.constant 0 : i32
          %dma_wait3A_455 = tpu.memref_slice %arg5[%mul3A_445, %dma_wait3A_454] : memref<2048x1024xf32, #tpu.memory_space<hbm>> -> memref<16x1024xf32, #tpu.memory_space<hbm>>
          %dma_wait3A_456 = arith.constant 0 : i32
          %dma_wait3A_457 = arith.constant 0 : i32
          %dma_wait3A_458 = tpu.memref_slice %run_scoped3A_10[%rem3A_443, %dma_wait3A_456, %dma_wait3A_457] : memref<2x16x1024xf32, #tpu.memory_space<vmem>> -> memref<1x16x1024xf32, #tpu.memory_space<vmem>>
          %dma_wait3A_459 = tpu.memref_squeeze %dma_wait3A_458 : memref<1x16x1024xf32, #tpu.memory_space<vmem>> -> memref<16x1024xf32, #tpu.memory_space<vmem>>
          tpu.wait_dma2 semaphore(%dma_wait3A_453 : memref<!tpu.dma_semaphore, #tpu.memory_space<semaphore_mem>>) src(%dma_wait3A_459 : memref<16x1024xf32, #tpu.memory_space<vmem>>) dst(%dma_wait3A_455 : memref<16x1024xf32, #tpu.memory_space<hbm>>)
          "tpu.trace_stop"() : () -> ()
        } else {
        }
        %and3A_395 = arith.constant true
        %and3A_396 = arith.andi %and3A_391, %and3A_395 : i1
        %add3A_397 = arith.constant 1 : i32
        %add3A_398 = arith.addi %scan3A_177, %add3A_397 : i32
        %select_n3A_399 = arith.select %and3A_396, %add3A_398, %scan3A_177 : i32
        %ne3A_400 = arith.cmpi ne, %add3A_185, %add3A_194 : i32
        %or3A_401 = arith.constant false
        %or3A_402 = arith.ori %or3A_401, %ne3A_400 : i1
        %or3A_403 = arith.constant false
        %or3A_404 = arith.ori %or3A_402, %or3A_403 : i1
        %not3A_405 = arith.constant true
        %not3A_406 = arith.xori %eq3A_182, %not3A_405 : i1
        %and3A_407 = arith.andi %or3A_404, %not3A_406 : i1
        %convert_element_type3A_408 = arith.extui %and3A_407 : i1 to i32
        %cond3A_409 = arith.constant 0 : i32
        %cond3A_410 = arith.cmpi ne, %convert_element_type3A_408, %cond3A_409 : i32
        scf.if %cond3A_410 {
          "tpu.trace_start"() <{level = 10 : i32, message = "ep_wait_out"}> : () -> ()
          %rem3A_442 = arith.constant 2 : i32
          %rem3A_443 = arith.remui %scan3A_179, %rem3A_442 : i32
          %mul3A_444 = arith.constant 16 : i32
          %mul3A_445 = arith.muli %mul3A_444, %add3A_194 : i32
          %dma_wait3A_446 = arith.constant 0 : i32
          %dma_wait3A_447 = arith.constant 0 : i32
          %dma_wait3A_448 = tpu.memref_slice %run_scoped3A_12[%rem3A_443, %dma_wait3A_446, %dma_wait3A_447] : memref<2x16x1024xf32, #tpu.memory_space<vmem>> -> memref<1x16x1024xf32, #tpu.memory_space<vmem>>
          %dma_wait3A_449 = tpu.memref_squeeze %dma_wait3A_448 : memref<1x16x1024xf32, #tpu.memory_space<vmem>> -> memref<16x1024xf32, #tpu.memory_space<vmem>>
          %dma_wait3A_450 = arith.constant 0 : i32
          %dma_wait3A_451 = tpu.memref_slice %arg6[%mul3A_445, %dma_wait3A_450] : memref<2048x1024xf32, #tpu.memory_space<hbm>> -> memref<16x1024xf32, #tpu.memory_space<hbm>>
          %dma_wait3A_452 = tpu.memref_slice %run_scoped3A_13[%rem3A_443] : memref<2x!tpu.dma_semaphore, #tpu.memory_space<semaphore_mem>> -> memref<1x!tpu.dma_semaphore, #tpu.memory_space<semaphore_mem>>
          %dma_wait3A_453 = tpu.memref_squeeze %dma_wait3A_452 : memref<1x!tpu.dma_semaphore, #tpu.memory_space<semaphore_mem>> -> memref<!tpu.dma_semaphore, #tpu.memory_space<semaphore_mem>>
          %dma_wait3A_454 = arith.constant 0 : i32
          %dma_wait3A_455 = tpu.memref_slice %arg6[%mul3A_445, %dma_wait3A_454] : memref<2048x1024xf32, #tpu.memory_space<hbm>> -> memref<16x1024xf32, #tpu.memory_space<hbm>>
          %dma_wait3A_456 = arith.constant 0 : i32
          %dma_wait3A_457 = arith.constant 0 : i32
          %dma_wait3A_458 = tpu.memref_slice %run_scoped3A_12[%rem3A_443, %dma_wait3A_456, %dma_wait3A_457] : memref<2x16x1024xf32, #tpu.memory_space<vmem>> -> memref<1x16x1024xf32, #tpu.memory_space<vmem>>
          %dma_wait3A_459 = tpu.memref_squeeze %dma_wait3A_458 : memref<1x16x1024xf32, #tpu.memory_space<vmem>> -> memref<16x1024xf32, #tpu.memory_space<vmem>>
          tpu.wait_dma2 semaphore(%dma_wait3A_453 : memref<!tpu.dma_semaphore, #tpu.memory_space<semaphore_mem>>) src(%dma_wait3A_459 : memref<16x1024xf32, #tpu.memory_space<vmem>>) dst(%dma_wait3A_455 : memref<16x1024xf32, #tpu.memory_space<hbm>>)
          "tpu.trace_stop"() : () -> ()
        } else {
        }
        %and3A_411 = arith.constant true
        %and3A_412 = arith.andi %and3A_407, %and3A_411 : i1
        %add3A_413 = arith.constant 1 : i32
        %add3A_414 = arith.addi %scan3A_179, %add3A_413 : i32
        %select_n3A_415 = arith.select %and3A_412, %add3A_414, %scan3A_179 : i32
        %ne3A_416 = arith.cmpi ne, %add3A_185, %add3A_203 : i32
        %or3A_417 = arith.constant false
        %or3A_418 = arith.ori %or3A_417, %ne3A_416 : i1
        %or3A_419 = arith.constant false
        %or3A_420 = arith.ori %or3A_418, %or3A_419 : i1
        %or3A_421 = arith.ori %or3A_420, %eq3A_184 : i1
        %add3A_422 = arith.constant 1 : i32
        %add3A_423 = arith.addi %scan3A_173, %add3A_422 : i32
        %select_n3A_424 = arith.select %or3A_421, %add3A_423, %scan3A_173 : i32
        %ne3A_425 = arith.cmpi ne, %add3A_185, %add3A_203 : i32
        %or3A_426 = arith.constant false
        %or3A_427 = arith.ori %or3A_426, %ne3A_425 : i1
        %or3A_428 = arith.constant false
        %or3A_429 = arith.ori %or3A_427, %or3A_428 : i1
        %or3A_430 = arith.ori %or3A_429, %eq3A_184 : i1
        %add3A_431 = arith.constant 1 : i32
        %add3A_432 = arith.addi %scan3A_175, %add3A_431 : i32
        %select_n3A_433 = arith.select %or3A_430, %add3A_432, %scan3A_175 : i32
        %add3A_434 = arith.constant 1 : i32
        %add3A_435 = arith.addi %scan3A_180, %add3A_434 : i32
        %select_n3A_436 = arith.constant true
        %select_n3A_437 = arith.select %select_n3A_436, %add3A_435, %scan3A_180 : i32
        %eq3A_438 = arith.constant 4 : i32
        %eq3A_439 = arith.cmpi eq, %select_n3A_437, %eq3A_438 : i32
        %select_n3A_440 = arith.constant 0 : i32
        %select_n3A_441 = arith.select %eq3A_439, %select_n3A_440, %select_n3A_437 : i32
        scf.yield %select_n3A_223, %select_n3A_424, %select_n3A_241, %select_n3A_433, %select_n3A_343, %select_n3A_399, %select_n3A_357, %select_n3A_415, %select_n3A_441 : i32, i32, i32, i32, i32, i32, i32, i32, i32
      }
      %scan3A_100 = arith.constant 4 : i32
      %sub3A = arith.constant 1 : i32
      %sub3A_101 = arith.subi %scan3A_99#8, %sub3A : i32
      %select_n3A_102 = arith.constant true
      %select_n3A_103 = arith.select %select_n3A_102, %sub3A_101, %scan3A_99#8 : i32
      %eq3A_104 = arith.constant -1 : i32
      %eq3A_105 = arith.cmpi eq, %select_n3A_103, %eq3A_104 : i32
      %select_n3A_106 = arith.constant 3 : i32
      %select_n3A_107 = arith.select %eq3A_105, %select_n3A_106, %select_n3A_103 : i32
      %add3A_108 = arith.addi %select_n3A_107, %mul3A_6 : i32
      %sub3A_109 = arith.constant 1 : i32
      %sub3A_110 = arith.subi %select_n3A_107, %sub3A_109 : i32
      %select_n3A_111 = arith.constant true
      %select_n3A_112 = arith.select %select_n3A_111, %sub3A_110, %select_n3A_107 : i32
      %eq3A_113 = arith.constant -1 : i32
      %eq3A_114 = arith.cmpi eq, %select_n3A_112, %eq3A_113 : i32
      %select_n3A_115 = arith.constant 3 : i32
      %select_n3A_116 = arith.select %eq3A_114, %select_n3A_115, %select_n3A_112 : i32
      %add3A_117 = arith.addi %select_n3A_116, %mul3A_6 : i32
      %add3A_118 = arith.constant 1 : i32
      %add3A_119 = arith.addi %select_n3A_107, %add3A_118 : i32
      %select_n3A_120 = arith.constant true
      %select_n3A_121 = arith.select %select_n3A_120, %add3A_119, %select_n3A_107 : i32
      %eq3A_122 = arith.constant 4 : i32
      %eq3A_123 = arith.cmpi eq, %select_n3A_121, %eq3A_122 : i32
      %select_n3A_124 = arith.constant 0 : i32
      %select_n3A_125 = arith.select %eq3A_123, %select_n3A_124, %select_n3A_121 : i32
      %add3A_126 = arith.addi %select_n3A_125, %mul3A_6 : i32
      %add3A_127 = arith.constant 1 : i32
      %add3A_128 = arith.addi %select_n3A_125, %add3A_127 : i32
      %select_n3A_129 = arith.constant true
      %select_n3A_130 = arith.select %select_n3A_129, %add3A_128, %select_n3A_125 : i32
      %eq3A_131 = arith.constant 4 : i32
      %eq3A_132 = arith.cmpi eq, %select_n3A_130, %eq3A_131 : i32
      %select_n3A_133 = arith.constant 0 : i32
      %select_n3A_134 = arith.select %eq3A_132, %select_n3A_133, %select_n3A_130 : i32
      %add3A_135 = arith.addi %select_n3A_134, %mul3A_6 : i32
      "tpu.trace_start"() <{level = 10 : i32, message = "ep_finalize"}> : () -> ()
      %rem3A_136 = arith.constant 2 : i32
      %rem3A_137 = arith.remui %scan3A_99#5, %rem3A_136 : i32
      %mul3A_138 = arith.constant 16 : i32
      %mul3A_139 = arith.muli %mul3A_138, %add3A_108 : i32
      %dma_wait3A = arith.constant 0 : i32
      %dma_wait3A_140 = arith.constant 0 : i32
      %dma_wait3A_141 = tpu.memref_slice %run_scoped3A_10[%rem3A_137, %dma_wait3A, %dma_wait3A_140] : memref<2x16x1024xf32, #tpu.memory_space<vmem>> -> memref<1x16x1024xf32, #tpu.memory_space<vmem>>
      %dma_wait3A_142 = tpu.memref_squeeze %dma_wait3A_141 : memref<1x16x1024xf32, #tpu.memory_space<vmem>> -> memref<16x1024xf32, #tpu.memory_space<vmem>>
      %dma_wait3A_143 = arith.constant 0 : i32
      %dma_wait3A_144 = tpu.memref_slice %arg5[%mul3A_139, %dma_wait3A_143] : memref<2048x1024xf32, #tpu.memory_space<hbm>> -> memref<16x1024xf32, #tpu.memory_space<hbm>>
      %dma_wait3A_145 = tpu.memref_slice %run_scoped3A_11[%rem3A_137] : memref<2x!tpu.dma_semaphore, #tpu.memory_space<semaphore_mem>> -> memref<1x!tpu.dma_semaphore, #tpu.memory_space<semaphore_mem>>
      %dma_wait3A_146 = tpu.memref_squeeze %dma_wait3A_145 : memref<1x!tpu.dma_semaphore, #tpu.memory_space<semaphore_mem>> -> memref<!tpu.dma_semaphore, #tpu.memory_space<semaphore_mem>>
      %dma_wait3A_147 = arith.constant 0 : i32
      %dma_wait3A_148 = tpu.memref_slice %arg5[%mul3A_139, %dma_wait3A_147] : memref<2048x1024xf32, #tpu.memory_space<hbm>> -> memref<16x1024xf32, #tpu.memory_space<hbm>>
      %dma_wait3A_149 = arith.constant 0 : i32
      %dma_wait3A_150 = arith.constant 0 : i32
      %dma_wait3A_151 = tpu.memref_slice %run_scoped3A_10[%rem3A_137, %dma_wait3A_149, %dma_wait3A_150] : memref<2x16x1024xf32, #tpu.memory_space<vmem>> -> memref<1x16x1024xf32, #tpu.memory_space<vmem>>
      %dma_wait3A_152 = tpu.memref_squeeze %dma_wait3A_151 : memref<1x16x1024xf32, #tpu.memory_space<vmem>> -> memref<16x1024xf32, #tpu.memory_space<vmem>>
      tpu.wait_dma2 semaphore(%dma_wait3A_146 : memref<!tpu.dma_semaphore, #tpu.memory_space<semaphore_mem>>) src(%dma_wait3A_152 : memref<16x1024xf32, #tpu.memory_space<vmem>>) dst(%dma_wait3A_148 : memref<16x1024xf32, #tpu.memory_space<hbm>>)
      %rem3A_153 = arith.constant 2 : i32
      %rem3A_154 = arith.remui %scan3A_99#7, %rem3A_153 : i32
      %mul3A_155 = arith.constant 16 : i32
      %mul3A_156 = arith.muli %mul3A_155, %add3A_108 : i32
      %dma_wait3A_157 = arith.constant 0 : i32
      %dma_wait3A_158 = arith.constant 0 : i32
      %dma_wait3A_159 = tpu.memref_slice %run_scoped3A_12[%rem3A_154, %dma_wait3A_157, %dma_wait3A_158] : memref<2x16x1024xf32, #tpu.memory_space<vmem>> -> memref<1x16x1024xf32, #tpu.memory_space<vmem>>
      %dma_wait3A_160 = tpu.memref_squeeze %dma_wait3A_159 : memref<1x16x1024xf32, #tpu.memory_space<vmem>> -> memref<16x1024xf32, #tpu.memory_space<vmem>>
      %dma_wait3A_161 = arith.constant 0 : i32
      %dma_wait3A_162 = tpu.memref_slice %arg6[%mul3A_156, %dma_wait3A_161] : memref<2048x1024xf32, #tpu.memory_space<hbm>> -> memref<16x1024xf32, #tpu.memory_space<hbm>>
      %dma_wait3A_163 = tpu.memref_slice %run_scoped3A_13[%rem3A_154] : memref<2x!tpu.dma_semaphore, #tpu.memory_space<semaphore_mem>> -> memref<1x!tpu.dma_semaphore, #tpu.memory_space<semaphore_mem>>
      %dma_wait3A_164 = tpu.memref_squeeze %dma_wait3A_163 : memref<1x!tpu.dma_semaphore, #tpu.memory_space<semaphore_mem>> -> memref<!tpu.dma_semaphore, #tpu.memory_space<semaphore_mem>>
      %dma_wait3A_165 = arith.constant 0 : i32
      %dma_wait3A_166 = tpu.memref_slice %arg6[%mul3A_156, %dma_wait3A_165] : memref<2048x1024xf32, #tpu.memory_space<hbm>> -> memref<16x1024xf32, #tpu.memory_space<hbm>>
      %dma_wait3A_167 = arith.constant 0 : i32
      %dma_wait3A_168 = arith.constant 0 : i32
      %dma_wait3A_169 = tpu.memref_slice %run_scoped3A_12[%rem3A_154, %dma_wait3A_167, %dma_wait3A_168] : memref<2x16x1024xf32, #tpu.memory_space<vmem>> -> memref<1x16x1024xf32, #tpu.memory_space<vmem>>
      %dma_wait3A_170 = tpu.memref_squeeze %dma_wait3A_169 : memref<1x16x1024xf32, #tpu.memory_space<vmem>> -> memref<16x1024xf32, #tpu.memory_space<vmem>>
      tpu.wait_dma2 semaphore(%dma_wait3A_164 : memref<!tpu.dma_semaphore, #tpu.memory_space<semaphore_mem>>) src(%dma_wait3A_170 : memref<16x1024xf32, #tpu.memory_space<vmem>>) dst(%dma_wait3A_166 : memref<16x1024xf32, #tpu.memory_space<hbm>>)
      "tpu.trace_stop"() : () -> ()
      tpu.yield
    }) : () -> ()
    return
  }
}

#map = affine_map<(d0, d1) -> (0, 0)>
module attributes {stable_mosaic.version = 14 : i64} {
  func.func @k(%arg0: i32, %arg1: i32, %arg2: memref<2048x1024xf32, #tpu.memory_space<hbm>>, %arg3: memref<64x128xi32, #tpu.memory_space<hbm>>, %arg4: memref<64x128xi32, #tpu.memory_space<hbm>>, %arg5: memref<6144x1024xf32, #tpu.memory_space<hbm>>) attributes {dimension_semantics = [#tpu.dimension_semantics<core_parallel>, #tpu.dimension_semantics<subcore_parallel>], iteration_bounds = array<i64: 2, 16>, scalar_prefetch = 0 : i64, scratch_operands = 0 : i64, tpu.core_type = #tpu.core_type<sc_vector_subcore>, window_params = [{transform_indices = #map}, {transform_indices = #map}, {transform_indices = #map}, {transform_indices = #map}]} {
    %mul3A = arith.constant 1 : i32
    %mul3A_0 = arith.muli %arg1, %mul3A : i32
    %add3A = arith.constant 0 : i32
    %add3A_1 = arith.addi %add3A, %mul3A_0 : i32
    %mul3A_2 = arith.constant 16 : i32
    %mul3A_3 = arith.muli %arg0, %mul3A_2 : i32
    %add3A_4 = arith.addi %add3A_1, %mul3A_3 : i32
    %mul3A_5 = arith.constant 2 : i32
    %mul3A_6 = arith.muli %add3A_4, %mul3A_5 : i32
    "tpu.region"() ({
      %run_scoped3A = memref.alloca() : memref<2x32x1024xf32, #tpu.memory_space<vmem>>
      %run_scoped3A_7 = tpu.sem_alloc : memref<2x!tpu.dma_semaphore, #tpu.memory_space<semaphore_mem>>
      %run_scoped3A_8 = memref.alloca() : memref<2x1x128xi32, #tpu.memory_space<vmem>>
      %run_scoped3A_9 = tpu.sem_alloc : memref<2x!tpu.dma_semaphore, #tpu.memory_space<semaphore_mem>>
      %run_scoped3A_10 = memref.alloca() : memref<2x1x128xi32, #tpu.memory_space<vmem>>
      %run_scoped3A_11 = tpu.sem_alloc : memref<2x!tpu.dma_semaphore, #tpu.memory_space<semaphore_mem>>
      %add3A_12 = arith.constant 0 : i32
      %add3A_13 = arith.addi %add3A_12, %mul3A_6 : i32
      %select_n3A = arith.constant true
      %select_n3A_14 = arith.constant 0 : i32
      %select_n3A_15 = arith.constant -1 : i32
      %select_n3A_16 = arith.select %select_n3A, %select_n3A_15, %select_n3A_14 : i32
      %eq3A = arith.constant -1 : i32
      %eq3A_17 = arith.cmpi eq, %select_n3A_16, %eq3A : i32
      %select_n3A_18 = arith.constant 1 : i32
      %select_n3A_19 = arith.select %eq3A_17, %select_n3A_18, %select_n3A_16 : i32
      %add3A_20 = arith.addi %select_n3A_19, %mul3A_6 : i32
      %select_n3A_21 = arith.constant true
      %select_n3A_22 = arith.constant 0 : i32
      %select_n3A_23 = arith.constant 1 : i32
      %select_n3A_24 = arith.select %select_n3A_21, %select_n3A_23, %select_n3A_22 : i32
      %eq3A_25 = arith.constant 2 : i32
      %eq3A_26 = arith.cmpi eq, %select_n3A_24, %eq3A_25 : i32
      %select_n3A_27 = arith.constant 0 : i32
      %select_n3A_28 = arith.select %eq3A_26, %select_n3A_27, %select_n3A_24 : i32
      %add3A_29 = arith.addi %select_n3A_28, %mul3A_6 : i32
      %add3A_30 = arith.constant 1 : i32
      %add3A_31 = arith.addi %select_n3A_28, %add3A_30 : i32
      %select_n3A_32 = arith.constant true
      %select_n3A_33 = arith.select %select_n3A_32, %add3A_31, %select_n3A_28 : i32
      %eq3A_34 = arith.constant 2 : i32
      %eq3A_35 = arith.cmpi eq, %select_n3A_33, %eq3A_34 : i32
      %select_n3A_36 = arith.constant 0 : i32
      %select_n3A_37 = arith.select %eq3A_35, %select_n3A_36, %select_n3A_33 : i32
      %add3A_38 = arith.addi %select_n3A_37, %mul3A_6 : i32
      "tpu.trace_start"() <{level = 10 : i32, message = "ep_initialize_0"}> : () -> ()
      %rem3A = arith.constant 0 : i32
      %rem3A_39 = arith.constant 2 : i32
      %rem3A_40 = arith.remui %rem3A, %rem3A_39 : i32
      %mul3A_41 = arith.constant 32 : i32
      %mul3A_42 = arith.muli %mul3A_41, %add3A_13 : i32
      %dma_start3A = arith.constant 0 : i32
      %dma_start3A_43 = arith.constant 0 : i32
      %dma_start3A_44 = tpu.memref_slice %run_scoped3A[%rem3A_40, %dma_start3A, %dma_start3A_43] : memref<2x32x1024xf32, #tpu.memory_space<vmem>> -> memref<1x32x1024xf32, #tpu.memory_space<vmem>>
      %dma_start3A_45 = tpu.memref_squeeze %dma_start3A_44 : memref<1x32x1024xf32, #tpu.memory_space<vmem>> -> memref<32x1024xf32, #tpu.memory_space<vmem>>
      %dma_start3A_46 = arith.constant 0 : i32
      %dma_start3A_47 = tpu.memref_slice %arg2[%mul3A_42, %dma_start3A_46] : memref<2048x1024xf32, #tpu.memory_space<hbm>> -> memref<32x1024xf32, #tpu.memory_space<hbm>>
      %dma_start3A_48 = tpu.memref_slice %run_scoped3A_7[%rem3A_40] : memref<2x!tpu.dma_semaphore, #tpu.memory_space<semaphore_mem>> -> memref<1x!tpu.dma_semaphore, #tpu.memory_space<semaphore_mem>>
      %dma_start3A_49 = tpu.memref_squeeze %dma_start3A_48 : memref<1x!tpu.dma_semaphore, #tpu.memory_space<semaphore_mem>> -> memref<!tpu.dma_semaphore, #tpu.memory_space<semaphore_mem>>
      %dma_start3A_50 = arith.constant 0 : i32
      %dma_start3A_51 = arith.constant 0 : i32
      %dma_start3A_52 = tpu.memref_slice %run_scoped3A[%rem3A_40, %dma_start3A_50, %dma_start3A_51] : memref<2x32x1024xf32, #tpu.memory_space<vmem>> -> memref<1x32x1024xf32, #tpu.memory_space<vmem>>
      %dma_start3A_53 = tpu.memref_squeeze %dma_start3A_52 : memref<1x32x1024xf32, #tpu.memory_space<vmem>> -> memref<32x1024xf32, #tpu.memory_space<vmem>>
      %dma_start3A_54 = arith.constant 0 : i32
      %dma_start3A_55 = tpu.memref_slice %arg2[%mul3A_42, %dma_start3A_54] : memref<2048x1024xf32, #tpu.memory_space<hbm>> -> memref<32x1024xf32, #tpu.memory_space<hbm>>
      tpu.enqueue_dma source(%dma_start3A_55 : memref<32x1024xf32, #tpu.memory_space<hbm>>) target(%dma_start3A_53 : memref<32x1024xf32, #tpu.memory_space<vmem>>) target_semaphore(%dma_start3A_49 : memref<!tpu.dma_semaphore, #tpu.memory_space<semaphore_mem>>)
      %add3A_56 = arith.constant 0 : i32
      %add3A_57 = arith.constant 1 : i32
      %add3A_58 = arith.addi %add3A_56, %add3A_57 : i32
      %select_n3A_59 = arith.constant true
      %select_n3A_60 = arith.constant 0 : i32
      %select_n3A_61 = arith.select %select_n3A_59, %add3A_58, %select_n3A_60 : i32
      %rem3A_62 = arith.constant 0 : i32
      %rem3A_63 = arith.constant 2 : i32
      %rem3A_64 = arith.remui %rem3A_62, %rem3A_63 : i32
      %mul3A_65 = arith.constant 1 : i32
      %mul3A_66 = arith.muli %mul3A_65, %add3A_13 : i32
      %dma_start3A_67 = arith.constant 0 : i32
      %dma_start3A_68 = arith.constant 0 : i32
      %dma_start3A_69 = tpu.memref_slice %run_scoped3A_8[%rem3A_64, %dma_start3A_67, %dma_start3A_68] : memref<2x1x128xi32, #tpu.memory_space<vmem>> -> memref<1x1x128xi32, #tpu.memory_space<vmem>>
      %dma_start3A_70 = tpu.memref_squeeze %dma_start3A_69 : memref<1x1x128xi32, #tpu.memory_space<vmem>> -> memref<1x128xi32, #tpu.memory_space<vmem>>
      %dma_start3A_71 = arith.constant 0 : i32
      %dma_start3A_72 = tpu.memref_slice %arg3[%mul3A_66, %dma_start3A_71] : memref<64x128xi32, #tpu.memory_space<hbm>> -> memref<1x128xi32, #tpu.memory_space<hbm>>
      %dma_start3A_73 = tpu.memref_slice %run_scoped3A_9[%rem3A_64] : memref<2x!tpu.dma_semaphore, #tpu.memory_space<semaphore_mem>> -> memref<1x!tpu.dma_semaphore, #tpu.memory_space<semaphore_mem>>
      %dma_start3A_74 = tpu.memref_squeeze %dma_start3A_73 : memref<1x!tpu.dma_semaphore, #tpu.memory_space<semaphore_mem>> -> memref<!tpu.dma_semaphore, #tpu.memory_space<semaphore_mem>>
      %dma_start3A_75 = arith.constant 0 : i32
      %dma_start3A_76 = arith.constant 0 : i32
      %dma_start3A_77 = tpu.memref_slice %run_scoped3A_8[%rem3A_64, %dma_start3A_75, %dma_start3A_76] : memref<2x1x128xi32, #tpu.memory_space<vmem>> -> memref<1x1x128xi32, #tpu.memory_space<vmem>>
      %dma_start3A_78 = tpu.memref_squeeze %dma_start3A_77 : memref<1x1x128xi32, #tpu.memory_space<vmem>> -> memref<1x128xi32, #tpu.memory_space<vmem>>
      %dma_start3A_79 = arith.constant 0 : i32
      %dma_start3A_80 = tpu.memref_slice %arg3[%mul3A_66, %dma_start3A_79] : memref<64x128xi32, #tpu.memory_space<hbm>> -> memref<1x128xi32, #tpu.memory_space<hbm>>
      tpu.enqueue_dma source(%dma_start3A_80 : memref<1x128xi32, #tpu.memory_space<hbm>>) target(%dma_start3A_78 : memref<1x128xi32, #tpu.memory_space<vmem>>) target_semaphore(%dma_start3A_74 : memref<!tpu.dma_semaphore, #tpu.memory_space<semaphore_mem>>)
      %add3A_81 = arith.constant 0 : i32
      %add3A_82 = arith.constant 1 : i32
      %add3A_83 = arith.addi %add3A_81, %add3A_82 : i32
      %select_n3A_84 = arith.constant true
      %select_n3A_85 = arith.constant 0 : i32
      %select_n3A_86 = arith.select %select_n3A_84, %add3A_83, %select_n3A_85 : i32
      %rem3A_87 = arith.constant 0 : i32
      %rem3A_88 = arith.constant 2 : i32
      %rem3A_89 = arith.remui %rem3A_87, %rem3A_88 : i32
      %mul3A_90 = arith.constant 1 : i32
      %mul3A_91 = arith.muli %mul3A_90, %add3A_13 : i32
      %dma_start3A_92 = arith.constant 0 : i32
      %dma_start3A_93 = arith.constant 0 : i32
      %dma_start3A_94 = tpu.memref_slice %run_scoped3A_10[%rem3A_89, %dma_start3A_92, %dma_start3A_93] : memref<2x1x128xi32, #tpu.memory_space<vmem>> -> memref<1x1x128xi32, #tpu.memory_space<vmem>>
      %dma_start3A_95 = tpu.memref_squeeze %dma_start3A_94 : memref<1x1x128xi32, #tpu.memory_space<vmem>> -> memref<1x128xi32, #tpu.memory_space<vmem>>
      %dma_start3A_96 = arith.constant 0 : i32
      %dma_start3A_97 = tpu.memref_slice %arg4[%mul3A_91, %dma_start3A_96] : memref<64x128xi32, #tpu.memory_space<hbm>> -> memref<1x128xi32, #tpu.memory_space<hbm>>
      %dma_start3A_98 = tpu.memref_slice %run_scoped3A_11[%rem3A_89] : memref<2x!tpu.dma_semaphore, #tpu.memory_space<semaphore_mem>> -> memref<1x!tpu.dma_semaphore, #tpu.memory_space<semaphore_mem>>
      %dma_start3A_99 = tpu.memref_squeeze %dma_start3A_98 : memref<1x!tpu.dma_semaphore, #tpu.memory_space<semaphore_mem>> -> memref<!tpu.dma_semaphore, #tpu.memory_space<semaphore_mem>>
      %dma_start3A_100 = arith.constant 0 : i32
      %dma_start3A_101 = arith.constant 0 : i32
      %dma_start3A_102 = tpu.memref_slice %run_scoped3A_10[%rem3A_89, %dma_start3A_100, %dma_start3A_101] : memref<2x1x128xi32, #tpu.memory_space<vmem>> -> memref<1x1x128xi32, #tpu.memory_space<vmem>>
      %dma_start3A_103 = tpu.memref_squeeze %dma_start3A_102 : memref<1x1x128xi32, #tpu.memory_space<vmem>> -> memref<1x128xi32, #tpu.memory_space<vmem>>
      %dma_start3A_104 = arith.constant 0 : i32
      %dma_start3A_105 = tpu.memref_slice %arg4[%mul3A_91, %dma_start3A_104] : memref<64x128xi32, #tpu.memory_space<hbm>> -> memref<1x128xi32, #tpu.memory_space<hbm>>
      tpu.enqueue_dma source(%dma_start3A_105 : memref<1x128xi32, #tpu.memory_space<hbm>>) target(%dma_start3A_103 : memref<1x128xi32, #tpu.memory_space<vmem>>) target_semaphore(%dma_start3A_99 : memref<!tpu.dma_semaphore, #tpu.memory_space<semaphore_mem>>)
      %add3A_106 = arith.constant 0 : i32
      %add3A_107 = arith.constant 1 : i32
      %add3A_108 = arith.addi %add3A_106, %add3A_107 : i32
      %select_n3A_109 = arith.constant true
      %select_n3A_110 = arith.constant 0 : i32
      %select_n3A_111 = arith.select %select_n3A_109, %add3A_108, %select_n3A_110 : i32
      "tpu.trace_stop"() : () -> ()
      %scan3A = arith.constant 0 : i32
      %scan3A_112 = arith.constant 0 : i32
      %scan3A_113 = arith.constant 0 : i32
      %scan3A_114 = arith.constant 0 : i32
      %scan3A_115 = arith.constant 0 : i32
      %scan3A_116 = arith.constant 2 : i32
      %scan3A_117 = arith.addi %scan3A_115, %scan3A_116 : i32
      %scan3A_118 = arith.constant 1 : i32
      %scan3A_119:7 = scf.for %scan3A_156 = %scan3A_115 to %scan3A_117 step %scan3A_118 iter_args(%scan3A_157 = %select_n3A_61, %scan3A_158 = %scan3A, %scan3A_159 = %select_n3A_86, %scan3A_160 = %scan3A_112, %scan3A_161 = %select_n3A_111, %scan3A_162 = %scan3A_113, %scan3A_163 = %scan3A_114) -> (i32, i32, i32, i32, i32, i32, i32)  : i32 {
        %eq3A_164 = arith.constant 0 : i32
        %eq3A_165 = arith.cmpi eq, %scan3A_156, %eq3A_164 : i32
        %eq3A_166 = arith.constant 1 : i32
        %eq3A_167 = arith.cmpi eq, %scan3A_156, %eq3A_166 : i32
        %add3A_168 = arith.addi %scan3A_163, %mul3A_6 : i32
        %sub3A_169 = arith.constant 1 : i32
        %sub3A_170 = arith.subi %scan3A_163, %sub3A_169 : i32
        %select_n3A_171 = arith.constant true
        %select_n3A_172 = arith.select %select_n3A_171, %sub3A_170, %scan3A_163 : i32
        %eq3A_173 = arith.constant -1 : i32
        %eq3A_174 = arith.cmpi eq, %select_n3A_172, %eq3A_173 : i32
        %select_n3A_175 = arith.constant 1 : i32
        %select_n3A_176 = arith.select %eq3A_174, %select_n3A_175, %select_n3A_172 : i32
        %add3A_177 = arith.addi %select_n3A_176, %mul3A_6 : i32
        %add3A_178 = arith.constant 1 : i32
        %add3A_179 = arith.addi %scan3A_163, %add3A_178 : i32
        %select_n3A_180 = arith.constant true
        %select_n3A_181 = arith.select %select_n3A_180, %add3A_179, %scan3A_163 : i32
        %eq3A_182 = arith.constant 2 : i32
        %eq3A_183 = arith.cmpi eq, %select_n3A_181, %eq3A_182 : i32
        %select_n3A_184 = arith.constant 0 : i32
        %select_n3A_185 = arith.select %eq3A_183, %select_n3A_184, %select_n3A_181 : i32
        %add3A_186 = arith.addi %select_n3A_185, %mul3A_6 : i32
        %add3A_187 = arith.constant 1 : i32
        %add3A_188 = arith.addi %select_n3A_185, %add3A_187 : i32
        %select_n3A_189 = arith.constant true
        %select_n3A_190 = arith.select %select_n3A_189, %add3A_188, %select_n3A_185 : i32
        %eq3A_191 = arith.constant 2 : i32
        %eq3A_192 = arith.cmpi eq, %select_n3A_190, %eq3A_191 : i32
        %select_n3A_193 = arith.constant 0 : i32
        %select_n3A_194 = arith.select %eq3A_192, %select_n3A_193, %select_n3A_190 : i32
        %add3A_195 = arith.addi %select_n3A_194, %mul3A_6 : i32
        %ne3A = arith.cmpi ne, %add3A_168, %add3A_186 : i32
        %or3A = arith.constant false
        %or3A_196 = arith.ori %or3A, %ne3A : i1
        %or3A_197 = arith.constant false
        %or3A_198 = arith.ori %or3A_196, %or3A_197 : i1
        %ge3A = arith.constant 1 : i32
        %ge3A_199 = arith.cmpi sge, %scan3A_156, %ge3A : i32
        %not3A = arith.constant true
        %not3A_200 = arith.xori %ge3A_199, %not3A : i1
        %and3A = arith.andi %or3A_198, %not3A_200 : i1
        %convert_element_type3A = arith.extui %and3A : i1 to i32
        %cond3A = arith.constant 0 : i32
        %cond3A_201 = arith.cmpi ne, %convert_element_type3A, %cond3A : i32
        scf.if %cond3A_201 {
          "tpu.trace_start"() <{level = 10 : i32, message = "ep_copy_in"}> : () -> ()
          %rem3A_385 = arith.constant 2 : i32
          %rem3A_386 = arith.remui %scan3A_157, %rem3A_385 : i32
          %mul3A_387 = arith.constant 32 : i32
          %mul3A_388 = arith.muli %mul3A_387, %add3A_186 : i32
          %dma_start3A_389 = arith.constant 0 : i32
          %dma_start3A_390 = arith.constant 0 : i32
          %dma_start3A_391 = tpu.memref_slice %run_scoped3A[%rem3A_386, %dma_start3A_389, %dma_start3A_390] : memref<2x32x1024xf32, #tpu.memory_space<vmem>> -> memref<1x32x1024xf32, #tpu.memory_space<vmem>>
          %dma_start3A_392 = tpu.memref_squeeze %dma_start3A_391 : memref<1x32x1024xf32, #tpu.memory_space<vmem>> -> memref<32x1024xf32, #tpu.memory_space<vmem>>
          %dma_start3A_393 = arith.constant 0 : i32
          %dma_start3A_394 = tpu.memref_slice %arg2[%mul3A_388, %dma_start3A_393] : memref<2048x1024xf32, #tpu.memory_space<hbm>> -> memref<32x1024xf32, #tpu.memory_space<hbm>>
          %dma_start3A_395 = tpu.memref_slice %run_scoped3A_7[%rem3A_386] : memref<2x!tpu.dma_semaphore, #tpu.memory_space<semaphore_mem>> -> memref<1x!tpu.dma_semaphore, #tpu.memory_space<semaphore_mem>>
          %dma_start3A_396 = tpu.memref_squeeze %dma_start3A_395 : memref<1x!tpu.dma_semaphore, #tpu.memory_space<semaphore_mem>> -> memref<!tpu.dma_semaphore, #tpu.memory_space<semaphore_mem>>
          %dma_start3A_397 = arith.constant 0 : i32
          %dma_start3A_398 = arith.constant 0 : i32
          %dma_start3A_399 = tpu.memref_slice %run_scoped3A[%rem3A_386, %dma_start3A_397, %dma_start3A_398] : memref<2x32x1024xf32, #tpu.memory_space<vmem>> -> memref<1x32x1024xf32, #tpu.memory_space<vmem>>
          %dma_start3A_400 = tpu.memref_squeeze %dma_start3A_399 : memref<1x32x1024xf32, #tpu.memory_space<vmem>> -> memref<32x1024xf32, #tpu.memory_space<vmem>>
          %dma_start3A_401 = arith.constant 0 : i32
          %dma_start3A_402 = tpu.memref_slice %arg2[%mul3A_388, %dma_start3A_401] : memref<2048x1024xf32, #tpu.memory_space<hbm>> -> memref<32x1024xf32, #tpu.memory_space<hbm>>
          tpu.enqueue_dma source(%dma_start3A_402 : memref<32x1024xf32, #tpu.memory_space<hbm>>) target(%dma_start3A_400 : memref<32x1024xf32, #tpu.memory_space<vmem>>) target_semaphore(%dma_start3A_396 : memref<!tpu.dma_semaphore, #tpu.memory_space<semaphore_mem>>)
          "tpu.trace_stop"() : () -> ()
        } else {
        }
        %and3A_202 = arith.constant true
        %and3A_203 = arith.andi %and3A, %and3A_202 : i1
        %add3A_204 = arith.constant 1 : i32
        %add3A_205 = arith.addi %scan3A_157, %add3A_204 : i32
        %select_n3A_206 = arith.select %and3A_203, %add3A_205, %scan3A_157 : i32
        %ne3A_207 = arith.cmpi ne, %add3A_168, %add3A_186 : i32
        %or3A_208 = arith.constant false
        %or3A_209 = arith.ori %or3A_208, %ne3A_207 : i1
        %or3A_210 = arith.constant false
        %or3A_211 = arith.ori %or3A_209, %or3A_210 : i1
        %ge3A_212 = arith.constant 1 : i32
        %ge3A_213 = arith.cmpi sge, %scan3A_156, %ge3A_212 : i32
        %not3A_214 = arith.constant true
        %not3A_215 = arith.xori %ge3A_213, %not3A_214 : i1
        %and3A_216 = arith.andi %or3A_211, %not3A_215 : i1
        %convert_element_type3A_217 = arith.extui %and3A_216 : i1 to i32
        %cond3A_218 = arith.constant 0 : i32
        %cond3A_219 = arith.cmpi ne, %convert_element_type3A_217, %cond3A_218 : i32
        scf.if %cond3A_219 {
          "tpu.trace_start"() <{level = 10 : i32, message = "ep_copy_in"}> : () -> ()
          %rem3A_385 = arith.constant 2 : i32
          %rem3A_386 = arith.remui %scan3A_159, %rem3A_385 : i32
          %mul3A_387 = arith.constant 1 : i32
          %mul3A_388 = arith.muli %mul3A_387, %add3A_186 : i32
          %dma_start3A_389 = arith.constant 0 : i32
          %dma_start3A_390 = arith.constant 0 : i32
          %dma_start3A_391 = tpu.memref_slice %run_scoped3A_8[%rem3A_386, %dma_start3A_389, %dma_start3A_390] : memref<2x1x128xi32, #tpu.memory_space<vmem>> -> memref<1x1x128xi32, #tpu.memory_space<vmem>>
          %dma_start3A_392 = tpu.memref_squeeze %dma_start3A_391 : memref<1x1x128xi32, #tpu.memory_space<vmem>> -> memref<1x128xi32, #tpu.memory_space<vmem>>
          %dma_start3A_393 = arith.constant 0 : i32
          %dma_start3A_394 = tpu.memref_slice %arg3[%mul3A_388, %dma_start3A_393] : memref<64x128xi32, #tpu.memory_space<hbm>> -> memref<1x128xi32, #tpu.memory_space<hbm>>
          %dma_start3A_395 = tpu.memref_slice %run_scoped3A_9[%rem3A_386] : memref<2x!tpu.dma_semaphore, #tpu.memory_space<semaphore_mem>> -> memref<1x!tpu.dma_semaphore, #tpu.memory_space<semaphore_mem>>
          %dma_start3A_396 = tpu.memref_squeeze %dma_start3A_395 : memref<1x!tpu.dma_semaphore, #tpu.memory_space<semaphore_mem>> -> memref<!tpu.dma_semaphore, #tpu.memory_space<semaphore_mem>>
          %dma_start3A_397 = arith.constant 0 : i32
          %dma_start3A_398 = arith.constant 0 : i32
          %dma_start3A_399 = tpu.memref_slice %run_scoped3A_8[%rem3A_386, %dma_start3A_397, %dma_start3A_398] : memref<2x1x128xi32, #tpu.memory_space<vmem>> -> memref<1x1x128xi32, #tpu.memory_space<vmem>>
          %dma_start3A_400 = tpu.memref_squeeze %dma_start3A_399 : memref<1x1x128xi32, #tpu.memory_space<vmem>> -> memref<1x128xi32, #tpu.memory_space<vmem>>
          %dma_start3A_401 = arith.constant 0 : i32
          %dma_start3A_402 = tpu.memref_slice %arg3[%mul3A_388, %dma_start3A_401] : memref<64x128xi32, #tpu.memory_space<hbm>> -> memref<1x128xi32, #tpu.memory_space<hbm>>
          tpu.enqueue_dma source(%dma_start3A_402 : memref<1x128xi32, #tpu.memory_space<hbm>>) target(%dma_start3A_400 : memref<1x128xi32, #tpu.memory_space<vmem>>) target_semaphore(%dma_start3A_396 : memref<!tpu.dma_semaphore, #tpu.memory_space<semaphore_mem>>)
          "tpu.trace_stop"() : () -> ()
        } else {
        }
        %and3A_220 = arith.constant true
        %and3A_221 = arith.andi %and3A_216, %and3A_220 : i1
        %add3A_222 = arith.constant 1 : i32
        %add3A_223 = arith.addi %scan3A_159, %add3A_222 : i32
        %select_n3A_224 = arith.select %and3A_221, %add3A_223, %scan3A_159 : i32
        %ne3A_225 = arith.cmpi ne, %add3A_168, %add3A_186 : i32
        %or3A_226 = arith.constant false
        %or3A_227 = arith.ori %or3A_226, %ne3A_225 : i1
        %or3A_228 = arith.constant false
        %or3A_229 = arith.ori %or3A_227, %or3A_228 : i1
        %ge3A_230 = arith.constant 1 : i32
        %ge3A_231 = arith.cmpi sge, %scan3A_156, %ge3A_230 : i32
        %not3A_232 = arith.constant true
        %not3A_233 = arith.xori %ge3A_231, %not3A_232 : i1
        %and3A_234 = arith.andi %or3A_229, %not3A_233 : i1
        %convert_element_type3A_235 = arith.extui %and3A_234 : i1 to i32
        %cond3A_236 = arith.constant 0 : i32
        %cond3A_237 = arith.cmpi ne, %convert_element_type3A_235, %cond3A_236 : i32
        scf.if %cond3A_237 {
          "tpu.trace_start"() <{level = 10 : i32, message = "ep_copy_in"}> : () -> ()
          %rem3A_385 = arith.constant 2 : i32
          %rem3A_386 = arith.remui %scan3A_161, %rem3A_385 : i32
          %mul3A_387 = arith.constant 1 : i32
          %mul3A_388 = arith.muli %mul3A_387, %add3A_186 : i32
          %dma_start3A_389 = arith.constant 0 : i32
          %dma_start3A_390 = arith.constant 0 : i32
          %dma_start3A_391 = tpu.memref_slice %run_scoped3A_10[%rem3A_386, %dma_start3A_389, %dma_start3A_390] : memref<2x1x128xi32, #tpu.memory_space<vmem>> -> memref<1x1x128xi32, #tpu.memory_space<vmem>>
          %dma_start3A_392 = tpu.memref_squeeze %dma_start3A_391 : memref<1x1x128xi32, #tpu.memory_space<vmem>> -> memref<1x128xi32, #tpu.memory_space<vmem>>
          %dma_start3A_393 = arith.constant 0 : i32
          %dma_start3A_394 = tpu.memref_slice %arg4[%mul3A_388, %dma_start3A_393] : memref<64x128xi32, #tpu.memory_space<hbm>> -> memref<1x128xi32, #tpu.memory_space<hbm>>
          %dma_start3A_395 = tpu.memref_slice %run_scoped3A_11[%rem3A_386] : memref<2x!tpu.dma_semaphore, #tpu.memory_space<semaphore_mem>> -> memref<1x!tpu.dma_semaphore, #tpu.memory_space<semaphore_mem>>
          %dma_start3A_396 = tpu.memref_squeeze %dma_start3A_395 : memref<1x!tpu.dma_semaphore, #tpu.memory_space<semaphore_mem>> -> memref<!tpu.dma_semaphore, #tpu.memory_space<semaphore_mem>>
          %dma_start3A_397 = arith.constant 0 : i32
          %dma_start3A_398 = arith.constant 0 : i32
          %dma_start3A_399 = tpu.memref_slice %run_scoped3A_10[%rem3A_386, %dma_start3A_397, %dma_start3A_398] : memref<2x1x128xi32, #tpu.memory_space<vmem>> -> memref<1x1x128xi32, #tpu.memory_space<vmem>>
          %dma_start3A_400 = tpu.memref_squeeze %dma_start3A_399 : memref<1x1x128xi32, #tpu.memory_space<vmem>> -> memref<1x128xi32, #tpu.memory_space<vmem>>
          %dma_start3A_401 = arith.constant 0 : i32
          %dma_start3A_402 = tpu.memref_slice %arg4[%mul3A_388, %dma_start3A_401] : memref<64x128xi32, #tpu.memory_space<hbm>> -> memref<1x128xi32, #tpu.memory_space<hbm>>
          tpu.enqueue_dma source(%dma_start3A_402 : memref<1x128xi32, #tpu.memory_space<hbm>>) target(%dma_start3A_400 : memref<1x128xi32, #tpu.memory_space<vmem>>) target_semaphore(%dma_start3A_396 : memref<!tpu.dma_semaphore, #tpu.memory_space<semaphore_mem>>)
          "tpu.trace_stop"() : () -> ()
        } else {
        }
        %and3A_238 = arith.constant true
        %and3A_239 = arith.andi %and3A_234, %and3A_238 : i1
        %add3A_240 = arith.constant 1 : i32
        %add3A_241 = arith.addi %scan3A_161, %add3A_240 : i32
        %select_n3A_242 = arith.select %and3A_239, %add3A_241, %scan3A_161 : i32
        %ne3A_243 = arith.cmpi ne, %add3A_168, %add3A_177 : i32
        %or3A_244 = arith.constant false
        %or3A_245 = arith.ori %or3A_244, %ne3A_243 : i1
        %or3A_246 = arith.constant false
        %or3A_247 = arith.ori %or3A_245, %or3A_246 : i1
        %or3A_248 = arith.ori %or3A_247, %eq3A_165 : i1
        %convert_element_type3A_249 = arith.extui %or3A_248 : i1 to i32
        %cond3A_250 = arith.constant 0 : i32
        %cond3A_251 = arith.cmpi ne, %convert_element_type3A_249, %cond3A_250 : i32
        scf.if %cond3A_251 {
          "tpu.trace_start"() <{level = 10 : i32, message = "ep_wait_in"}> : () -> ()
          %mul3A_385 = arith.constant 32 : i32
          %mul3A_386 = arith.muli %mul3A_385, %add3A_168 : i32
          %rem3A_387 = arith.constant 2 : i32
          %rem3A_388 = arith.remui %scan3A_158, %rem3A_387 : i32
          %dma_wait3A = arith.constant 0 : i32
          %dma_wait3A_389 = arith.constant 0 : i32
          %dma_wait3A_390 = tpu.memref_slice %run_scoped3A[%rem3A_388, %dma_wait3A, %dma_wait3A_389] : memref<2x32x1024xf32, #tpu.memory_space<vmem>> -> memref<1x32x1024xf32, #tpu.memory_space<vmem>>
          %dma_wait3A_391 = tpu.memref_squeeze %dma_wait3A_390 : memref<1x32x1024xf32, #tpu.memory_space<vmem>> -> memref<32x1024xf32, #tpu.memory_space<vmem>>
          %dma_wait3A_392 = arith.constant 0 : i32
          %dma_wait3A_393 = tpu.memref_slice %arg2[%mul3A_386, %dma_wait3A_392] : memref<2048x1024xf32, #tpu.memory_space<hbm>> -> memref<32x1024xf32, #tpu.memory_space<hbm>>
          %dma_wait3A_394 = tpu.memref_slice %run_scoped3A_7[%rem3A_388] : memref<2x!tpu.dma_semaphore, #tpu.memory_space<semaphore_mem>> -> memref<1x!tpu.dma_semaphore, #tpu.memory_space<semaphore_mem>>
          %dma_wait3A_395 = tpu.memref_squeeze %dma_wait3A_394 : memref<1x!tpu.dma_semaphore, #tpu.memory_space<semaphore_mem>> -> memref<!tpu.dma_semaphore, #tpu.memory_space<semaphore_mem>>
          %dma_wait3A_396 = arith.constant 0 : i32
          %dma_wait3A_397 = arith.constant 0 : i32
          %dma_wait3A_398 = tpu.memref_slice %run_scoped3A[%rem3A_388, %dma_wait3A_396, %dma_wait3A_397] : memref<2x32x1024xf32, #tpu.memory_space<vmem>> -> memref<1x32x1024xf32, #tpu.memory_space<vmem>>
          %dma_wait3A_399 = tpu.memref_squeeze %dma_wait3A_398 : memref<1x32x1024xf32, #tpu.memory_space<vmem>> -> memref<32x1024xf32, #tpu.memory_space<vmem>>
          %dma_wait3A_400 = arith.constant 0 : i32
          %dma_wait3A_401 = tpu.memref_slice %arg2[%mul3A_386, %dma_wait3A_400] : memref<2048x1024xf32, #tpu.memory_space<hbm>> -> memref<32x1024xf32, #tpu.memory_space<hbm>>
          tpu.wait_dma2 semaphore(%dma_wait3A_395 : memref<!tpu.dma_semaphore, #tpu.memory_space<semaphore_mem>>) src(%dma_wait3A_401 : memref<32x1024xf32, #tpu.memory_space<hbm>>) dst(%dma_wait3A_399 : memref<32x1024xf32, #tpu.memory_space<vmem>>)
          "tpu.trace_stop"() : () -> ()
        } else {
        }
        %ne3A_252 = arith.cmpi ne, %add3A_168, %add3A_177 : i32
        %or3A_253 = arith.constant false
        %or3A_254 = arith.ori %or3A_253, %ne3A_252 : i1
        %or3A_255 = arith.constant false
        %or3A_256 = arith.ori %or3A_254, %or3A_255 : i1
        %or3A_257 = arith.ori %or3A_256, %eq3A_165 : i1
        %convert_element_type3A_258 = arith.extui %or3A_257 : i1 to i32
        %cond3A_259 = arith.constant 0 : i32
        %cond3A_260 = arith.cmpi ne, %convert_element_type3A_258, %cond3A_259 : i32
        scf.if %cond3A_260 {
          "tpu.trace_start"() <{level = 10 : i32, message = "ep_wait_in"}> : () -> ()
          %mul3A_385 = arith.constant 1 : i32
          %mul3A_386 = arith.muli %mul3A_385, %add3A_168 : i32
          %rem3A_387 = arith.constant 2 : i32
          %rem3A_388 = arith.remui %scan3A_160, %rem3A_387 : i32
          %dma_wait3A = arith.constant 0 : i32
          %dma_wait3A_389 = arith.constant 0 : i32
          %dma_wait3A_390 = tpu.memref_slice %run_scoped3A_8[%rem3A_388, %dma_wait3A, %dma_wait3A_389] : memref<2x1x128xi32, #tpu.memory_space<vmem>> -> memref<1x1x128xi32, #tpu.memory_space<vmem>>
          %dma_wait3A_391 = tpu.memref_squeeze %dma_wait3A_390 : memref<1x1x128xi32, #tpu.memory_space<vmem>> -> memref<1x128xi32, #tpu.memory_space<vmem>>
          %dma_wait3A_392 = arith.constant 0 : i32
          %dma_wait3A_393 = tpu.memref_slice %arg3[%mul3A_386, %dma_wait3A_392] : memref<64x128xi32, #tpu.memory_space<hbm>> -> memref<1x128xi32, #tpu.memory_space<hbm>>
          %dma_wait3A_394 = tpu.memref_slice %run_scoped3A_9[%rem3A_388] : memref<2x!tpu.dma_semaphore, #tpu.memory_space<semaphore_mem>> -> memref<1x!tpu.dma_semaphore, #tpu.memory_space<semaphore_mem>>
          %dma_wait3A_395 = tpu.memref_squeeze %dma_wait3A_394 : memref<1x!tpu.dma_semaphore, #tpu.memory_space<semaphore_mem>> -> memref<!tpu.dma_semaphore, #tpu.memory_space<semaphore_mem>>
          %dma_wait3A_396 = arith.constant 0 : i32
          %dma_wait3A_397 = arith.constant 0 : i32
          %dma_wait3A_398 = tpu.memref_slice %run_scoped3A_8[%rem3A_388, %dma_wait3A_396, %dma_wait3A_397] : memref<2x1x128xi32, #tpu.memory_space<vmem>> -> memref<1x1x128xi32, #tpu.memory_space<vmem>>
          %dma_wait3A_399 = tpu.memref_squeeze %dma_wait3A_398 : memref<1x1x128xi32, #tpu.memory_space<vmem>> -> memref<1x128xi32, #tpu.memory_space<vmem>>
          %dma_wait3A_400 = arith.constant 0 : i32
          %dma_wait3A_401 = tpu.memref_slice %arg3[%mul3A_386, %dma_wait3A_400] : memref<64x128xi32, #tpu.memory_space<hbm>> -> memref<1x128xi32, #tpu.memory_space<hbm>>
          tpu.wait_dma2 semaphore(%dma_wait3A_395 : memref<!tpu.dma_semaphore, #tpu.memory_space<semaphore_mem>>) src(%dma_wait3A_401 : memref<1x128xi32, #tpu.memory_space<hbm>>) dst(%dma_wait3A_399 : memref<1x128xi32, #tpu.memory_space<vmem>>)
          "tpu.trace_stop"() : () -> ()
        } else {
        }
        %ne3A_261 = arith.cmpi ne, %add3A_168, %add3A_177 : i32
        %or3A_262 = arith.constant false
        %or3A_263 = arith.ori %or3A_262, %ne3A_261 : i1
        %or3A_264 = arith.constant false
        %or3A_265 = arith.ori %or3A_263, %or3A_264 : i1
        %or3A_266 = arith.ori %or3A_265, %eq3A_165 : i1
        %convert_element_type3A_267 = arith.extui %or3A_266 : i1 to i32
        %cond3A_268 = arith.constant 0 : i32
        %cond3A_269 = arith.cmpi ne, %convert_element_type3A_267, %cond3A_268 : i32
        scf.if %cond3A_269 {
          "tpu.trace_start"() <{level = 10 : i32, message = "ep_wait_in"}> : () -> ()
          %mul3A_385 = arith.constant 1 : i32
          %mul3A_386 = arith.muli %mul3A_385, %add3A_168 : i32
          %rem3A_387 = arith.constant 2 : i32
          %rem3A_388 = arith.remui %scan3A_162, %rem3A_387 : i32
          %dma_wait3A = arith.constant 0 : i32
          %dma_wait3A_389 = arith.constant 0 : i32
          %dma_wait3A_390 = tpu.memref_slice %run_scoped3A_10[%rem3A_388, %dma_wait3A, %dma_wait3A_389] : memref<2x1x128xi32, #tpu.memory_space<vmem>> -> memref<1x1x128xi32, #tpu.memory_space<vmem>>
          %dma_wait3A_391 = tpu.memref_squeeze %dma_wait3A_390 : memref<1x1x128xi32, #tpu.memory_space<vmem>> -> memref<1x128xi32, #tpu.memory_space<vmem>>
          %dma_wait3A_392 = arith.constant 0 : i32
          %dma_wait3A_393 = tpu.memref_slice %arg4[%mul3A_386, %dma_wait3A_392] : memref<64x128xi32, #tpu.memory_space<hbm>> -> memref<1x128xi32, #tpu.memory_space<hbm>>
          %dma_wait3A_394 = tpu.memref_slice %run_scoped3A_11[%rem3A_388] : memref<2x!tpu.dma_semaphore, #tpu.memory_space<semaphore_mem>> -> memref<1x!tpu.dma_semaphore, #tpu.memory_space<semaphore_mem>>
          %dma_wait3A_395 = tpu.memref_squeeze %dma_wait3A_394 : memref<1x!tpu.dma_semaphore, #tpu.memory_space<semaphore_mem>> -> memref<!tpu.dma_semaphore, #tpu.memory_space<semaphore_mem>>
          %dma_wait3A_396 = arith.constant 0 : i32
          %dma_wait3A_397 = arith.constant 0 : i32
          %dma_wait3A_398 = tpu.memref_slice %run_scoped3A_10[%rem3A_388, %dma_wait3A_396, %dma_wait3A_397] : memref<2x1x128xi32, #tpu.memory_space<vmem>> -> memref<1x1x128xi32, #tpu.memory_space<vmem>>
          %dma_wait3A_399 = tpu.memref_squeeze %dma_wait3A_398 : memref<1x1x128xi32, #tpu.memory_space<vmem>> -> memref<1x128xi32, #tpu.memory_space<vmem>>
          %dma_wait3A_400 = arith.constant 0 : i32
          %dma_wait3A_401 = tpu.memref_slice %arg4[%mul3A_386, %dma_wait3A_400] : memref<64x128xi32, #tpu.memory_space<hbm>> -> memref<1x128xi32, #tpu.memory_space<hbm>>
          tpu.wait_dma2 semaphore(%dma_wait3A_395 : memref<!tpu.dma_semaphore, #tpu.memory_space<semaphore_mem>>) src(%dma_wait3A_401 : memref<1x128xi32, #tpu.memory_space<hbm>>) dst(%dma_wait3A_399 : memref<1x128xi32, #tpu.memory_space<vmem>>)
          "tpu.trace_stop"() : () -> ()
        } else {
        }
        %rem3A_270 = arith.constant 2 : i32
        %rem3A_271 = arith.remui %scan3A_158, %rem3A_270 : i32
        %rem3A_272 = arith.constant 2 : i32
        %rem3A_273 = arith.remui %scan3A_160, %rem3A_272 : i32
        %rem3A_274 = arith.constant 2 : i32
        %rem3A_275 = arith.remui %scan3A_162, %rem3A_274 : i32
        %run_scoped3A_276 = arith.constant 0 : i32
        "tpu.trace_start"() <{level = 10 : i32, message = "ep_run_kernel"}> : () -> ()
        "tpu.region"() ({
          %run_scoped3A_385 = tpu.sem_alloc : memref<!tpu.dma_semaphore, #tpu.memory_space<semaphore_mem>>
          %dma_start3A_386 = arith.constant 0 : i32
          %dma_start3A_387 = arith.constant 0 : i32
          %dma_start3A_388 = tpu.memref_slice %run_scoped3A[%rem3A_271, %dma_start3A_386, %dma_start3A_387] : memref<2x32x1024xf32, #tpu.memory_space<vmem>> -> memref<1x32x1024xf32, #tpu.memory_space<vmem>>
          %dma_start3A_389 = tpu.memref_squeeze %dma_start3A_388 : memref<1x32x1024xf32, #tpu.memory_space<vmem>> -> memref<32x1024xf32, #tpu.memory_space<vmem>>
          %dma_start3A_390 = arith.constant 0 : i32
          %dma_start3A_391 = arith.constant 0 : i32
          %dma_start3A_392 = tpu.memref_slice %run_scoped3A_8[%rem3A_273, %dma_start3A_390, %dma_start3A_391] : memref<2x1x128xi32, #tpu.memory_space<vmem>> -> memref<1x1x128xi32, #tpu.memory_space<vmem>>
          %dma_start3A_393 = tpu.memref_squeeze %dma_start3A_392 : memref<1x1x128xi32, #tpu.memory_space<vmem>> -> memref<1x128xi32, #tpu.memory_space<vmem>>
          %dma_start3A_394 = arith.constant 0 : i32
          %dma_start3A_395 = tpu.memref_slice %dma_start3A_393[%run_scoped3A_276, %dma_start3A_394] : memref<1x128xi32, #tpu.memory_space<vmem>> -> memref<1x32xi32, #tpu.memory_space<vmem>>
          %dma_start3A_396 = tpu.memref_squeeze %dma_start3A_395 : memref<1x32xi32, #tpu.memory_space<vmem>> -> memref<32xi32, #tpu.memory_space<vmem>>
          %dma_start3A_397 = arith.constant 0 : i32
          %dma_start3A_398 = arith.constant 0 : i32
          %dma_start3A_399 = tpu.memref_slice %arg5[%dma_start3A_397, %dma_start3A_398] : memref<6144x1024xf32, #tpu.memory_space<hbm>> -> memref<6144x1024xf32, #tpu.memory_space<hbm>>
          tpu.enqueue_indirect_dma source(%dma_start3A_389 : memref<32x1024xf32, #tpu.memory_space<vmem>>) target(%dma_start3A_399 : memref<6144x1024xf32, #tpu.memory_space<hbm>>) offsets(%dma_start3A_396 : memref<32xi32, #tpu.memory_space<vmem>>) semaphore(%run_scoped3A_385 : memref<!tpu.dma_semaphore, #tpu.memory_space<semaphore_mem>>)
          %dma_wait3A = arith.constant 0 : i32
          %dma_wait3A_400 = arith.constant 0 : i32
          %dma_wait3A_401 = tpu.memref_slice %run_scoped3A[%rem3A_271, %dma_wait3A, %dma_wait3A_400] : memref<2x32x1024xf32, #tpu.memory_space<vmem>> -> memref<1x32x1024xf32, #tpu.memory_space<vmem>>
          %dma_wait3A_402 = tpu.memref_squeeze %dma_wait3A_401 : memref<1x32x1024xf32, #tpu.memory_space<vmem>> -> memref<32x1024xf32, #tpu.memory_space<vmem>>
          %dma_wait3A_403 = arith.constant 0 : i32
          %dma_wait3A_404 = arith.constant 0 : i32
          %dma_wait3A_405 = tpu.memref_slice %run_scoped3A_8[%rem3A_273, %dma_wait3A_403, %dma_wait3A_404] : memref<2x1x128xi32, #tpu.memory_space<vmem>> -> memref<1x1x128xi32, #tpu.memory_space<vmem>>
          %dma_wait3A_406 = tpu.memref_squeeze %dma_wait3A_405 : memref<1x1x128xi32, #tpu.memory_space<vmem>> -> memref<1x128xi32, #tpu.memory_space<vmem>>
          %dma_wait3A_407 = arith.constant 0 : i32
          %dma_wait3A_408 = tpu.memref_slice %dma_wait3A_406[%run_scoped3A_276, %dma_wait3A_407] : memref<1x128xi32, #tpu.memory_space<vmem>> -> memref<1x32xi32, #tpu.memory_space<vmem>>
          %dma_wait3A_409 = tpu.memref_squeeze %dma_wait3A_408 : memref<1x32xi32, #tpu.memory_space<vmem>> -> memref<32xi32, #tpu.memory_space<vmem>>
          %dma_wait3A_410 = arith.constant 0 : i32
          %dma_wait3A_411 = arith.constant 0 : i32
          %dma_wait3A_412 = tpu.memref_slice %arg5[%dma_wait3A_410, %dma_wait3A_411] : memref<6144x1024xf32, #tpu.memory_space<hbm>> -> memref<6144x1024xf32, #tpu.memory_space<hbm>>
          tpu.wait_indirect_dma semaphore(%run_scoped3A_385 : memref<!tpu.dma_semaphore, #tpu.memory_space<semaphore_mem>>) src(%dma_wait3A_402 : memref<32x1024xf32, #tpu.memory_space<vmem>>) dst(%dma_wait3A_412 : memref<6144x1024xf32, #tpu.memory_space<hbm>>)
          tpu.yield
        }) : () -> ()
        %run_scoped3A_277 = arith.constant 0 : i32
        "tpu.region"() ({
          %run_scoped3A_385 = tpu.sem_alloc : memref<!tpu.dma_semaphore, #tpu.memory_space<semaphore_mem>>
          %dma_start3A_386 = arith.constant 0 : i32
          %dma_start3A_387 = arith.constant 0 : i32
          %dma_start3A_388 = tpu.memref_slice %run_scoped3A[%rem3A_271, %dma_start3A_386, %dma_start3A_387] : memref<2x32x1024xf32, #tpu.memory_space<vmem>> -> memref<1x32x1024xf32, #tpu.memory_space<vmem>>
          %dma_start3A_389 = tpu.memref_squeeze %dma_start3A_388 : memref<1x32x1024xf32, #tpu.memory_space<vmem>> -> memref<32x1024xf32, #tpu.memory_space<vmem>>
          %dma_start3A_390 = arith.constant 0 : i32
          %dma_start3A_391 = arith.constant 0 : i32
          %dma_start3A_392 = tpu.memref_slice %run_scoped3A_10[%rem3A_275, %dma_start3A_390, %dma_start3A_391] : memref<2x1x128xi32, #tpu.memory_space<vmem>> -> memref<1x1x128xi32, #tpu.memory_space<vmem>>
          %dma_start3A_393 = tpu.memref_squeeze %dma_start3A_392 : memref<1x1x128xi32, #tpu.memory_space<vmem>> -> memref<1x128xi32, #tpu.memory_space<vmem>>
          %dma_start3A_394 = arith.constant 0 : i32
          %dma_start3A_395 = tpu.memref_slice %dma_start3A_393[%run_scoped3A_277, %dma_start3A_394] : memref<1x128xi32, #tpu.memory_space<vmem>> -> memref<1x32xi32, #tpu.memory_space<vmem>>
          %dma_start3A_396 = tpu.memref_squeeze %dma_start3A_395 : memref<1x32xi32, #tpu.memory_space<vmem>> -> memref<32xi32, #tpu.memory_space<vmem>>
          %dma_start3A_397 = arith.constant 0 : i32
          %dma_start3A_398 = arith.constant 0 : i32
          %dma_start3A_399 = tpu.memref_slice %arg5[%dma_start3A_397, %dma_start3A_398] : memref<6144x1024xf32, #tpu.memory_space<hbm>> -> memref<6144x1024xf32, #tpu.memory_space<hbm>>
          tpu.enqueue_indirect_dma source(%dma_start3A_389 : memref<32x1024xf32, #tpu.memory_space<vmem>>) target(%dma_start3A_399 : memref<6144x1024xf32, #tpu.memory_space<hbm>>) offsets(%dma_start3A_396 : memref<32xi32, #tpu.memory_space<vmem>>) semaphore(%run_scoped3A_385 : memref<!tpu.dma_semaphore, #tpu.memory_space<semaphore_mem>>)
          %dma_wait3A = arith.constant 0 : i32
          %dma_wait3A_400 = arith.constant 0 : i32
          %dma_wait3A_401 = tpu.memref_slice %run_scoped3A[%rem3A_271, %dma_wait3A, %dma_wait3A_400] : memref<2x32x1024xf32, #tpu.memory_space<vmem>> -> memref<1x32x1024xf32, #tpu.memory_space<vmem>>
          %dma_wait3A_402 = tpu.memref_squeeze %dma_wait3A_401 : memref<1x32x1024xf32, #tpu.memory_space<vmem>> -> memref<32x1024xf32, #tpu.memory_space<vmem>>
          %dma_wait3A_403 = arith.constant 0 : i32
          %dma_wait3A_404 = arith.constant 0 : i32
          %dma_wait3A_405 = tpu.memref_slice %run_scoped3A_10[%rem3A_275, %dma_wait3A_403, %dma_wait3A_404] : memref<2x1x128xi32, #tpu.memory_space<vmem>> -> memref<1x1x128xi32, #tpu.memory_space<vmem>>
          %dma_wait3A_406 = tpu.memref_squeeze %dma_wait3A_405 : memref<1x1x128xi32, #tpu.memory_space<vmem>> -> memref<1x128xi32, #tpu.memory_space<vmem>>
          %dma_wait3A_407 = arith.constant 0 : i32
          %dma_wait3A_408 = tpu.memref_slice %dma_wait3A_406[%run_scoped3A_277, %dma_wait3A_407] : memref<1x128xi32, #tpu.memory_space<vmem>> -> memref<1x32xi32, #tpu.memory_space<vmem>>
          %dma_wait3A_409 = tpu.memref_squeeze %dma_wait3A_408 : memref<1x32xi32, #tpu.memory_space<vmem>> -> memref<32xi32, #tpu.memory_space<vmem>>
          %dma_wait3A_410 = arith.constant 0 : i32
          %dma_wait3A_411 = arith.constant 0 : i32
          %dma_wait3A_412 = tpu.memref_slice %arg5[%dma_wait3A_410, %dma_wait3A_411] : memref<6144x1024xf32, #tpu.memory_space<hbm>> -> memref<6144x1024xf32, #tpu.memory_space<hbm>>
          tpu.wait_indirect_dma semaphore(%run_scoped3A_385 : memref<!tpu.dma_semaphore, #tpu.memory_space<semaphore_mem>>) src(%dma_wait3A_402 : memref<32x1024xf32, #tpu.memory_space<vmem>>) dst(%dma_wait3A_412 : memref<6144x1024xf32, #tpu.memory_space<hbm>>)
          tpu.yield
        }) : () -> ()
        "tpu.trace_stop"() : () -> ()
        %ne3A_278 = arith.cmpi ne, %add3A_168, %add3A_186 : i32
        %or3A_279 = arith.constant false
        %or3A_280 = arith.ori %or3A_279, %ne3A_278 : i1
        %or3A_281 = arith.constant false
        %or3A_282 = arith.ori %or3A_280, %or3A_281 : i1
        %or3A_283 = arith.ori %or3A_282, %eq3A_167 : i1
        %convert_element_type3A_284 = arith.extui %or3A_283 : i1 to i32
        %cond3A_285 = arith.constant 0 : i32
        %cond3A_286 = arith.cmpi ne, %convert_element_type3A_284, %cond3A_285 : i32
        scf.if %cond3A_286 {
        } else {
        }
        %and3A_287 = arith.constant false
        %and3A_288 = arith.andi %or3A_283, %and3A_287 : i1
        %ne3A_289 = arith.cmpi ne, %add3A_168, %add3A_186 : i32
        %or3A_290 = arith.constant false
        %or3A_291 = arith.ori %or3A_290, %ne3A_289 : i1
        %or3A_292 = arith.constant false
        %or3A_293 = arith.ori %or3A_291, %or3A_292 : i1
        %or3A_294 = arith.ori %or3A_293, %eq3A_167 : i1
        %convert_element_type3A_295 = arith.extui %or3A_294 : i1 to i32
        %cond3A_296 = arith.constant 0 : i32
        %cond3A_297 = arith.cmpi ne, %convert_element_type3A_295, %cond3A_296 : i32
        scf.if %cond3A_297 {
        } else {
        }
        %and3A_298 = arith.constant false
        %and3A_299 = arith.andi %or3A_294, %and3A_298 : i1
        %ne3A_300 = arith.cmpi ne, %add3A_168, %add3A_186 : i32
        %or3A_301 = arith.constant false
        %or3A_302 = arith.ori %or3A_301, %ne3A_300 : i1
        %or3A_303 = arith.constant false
        %or3A_304 = arith.ori %or3A_302, %or3A_303 : i1
        %or3A_305 = arith.ori %or3A_304, %eq3A_167 : i1
        %convert_element_type3A_306 = arith.extui %or3A_305 : i1 to i32
        %cond3A_307 = arith.constant 0 : i32
        %cond3A_308 = arith.cmpi ne, %convert_element_type3A_306, %cond3A_307 : i32
        scf.if %cond3A_308 {
        } else {
        }
        %and3A_309 = arith.constant false
        %and3A_310 = arith.andi %or3A_305, %and3A_309 : i1
        %ne3A_311 = arith.cmpi ne, %add3A_168, %add3A_177 : i32
        %or3A_312 = arith.constant false
        %or3A_313 = arith.ori %or3A_312, %ne3A_311 : i1
        %or3A_314 = arith.constant false
        %or3A_315 = arith.ori %or3A_313, %or3A_314 : i1
        %not3A_316 = arith.constant true
        %not3A_317 = arith.xori %eq3A_165, %not3A_316 : i1
        %and3A_318 = arith.andi %or3A_315, %not3A_317 : i1
        %convert_element_type3A_319 = arith.extui %and3A_318 : i1 to i32
        %cond3A_320 = arith.constant 0 : i32
        %cond3A_321 = arith.cmpi ne, %convert_element_type3A_319, %cond3A_320 : i32
        scf.if %cond3A_321 {
        } else {
        }
        %and3A_322 = arith.constant false
        %and3A_323 = arith.andi %and3A_318, %and3A_322 : i1
        %ne3A_324 = arith.cmpi ne, %add3A_168, %add3A_177 : i32
        %or3A_325 = arith.constant false
        %or3A_326 = arith.ori %or3A_325, %ne3A_324 : i1
        %or3A_327 = arith.constant false
        %or3A_328 = arith.ori %or3A_326, %or3A_327 : i1
        %not3A_329 = arith.constant true
        %not3A_330 = arith.xori %eq3A_165, %not3A_329 : i1
        %and3A_331 = arith.andi %or3A_328, %not3A_330 : i1
        %convert_element_type3A_332 = arith.extui %and3A_331 : i1 to i32
        %cond3A_333 = arith.constant 0 : i32
        %cond3A_334 = arith.cmpi ne, %convert_element_type3A_332, %cond3A_333 : i32
        scf.if %cond3A_334 {
        } else {
        }
        %and3A_335 = arith.constant false
        %and3A_336 = arith.andi %and3A_331, %and3A_335 : i1
        %ne3A_337 = arith.cmpi ne, %add3A_168, %add3A_177 : i32
        %or3A_338 = arith.constant false
        %or3A_339 = arith.ori %or3A_338, %ne3A_337 : i1
        %or3A_340 = arith.constant false
        %or3A_341 = arith.ori %or3A_339, %or3A_340 : i1
        %not3A_342 = arith.constant true
        %not3A_343 = arith.xori %eq3A_165, %not3A_342 : i1
        %and3A_344 = arith.andi %or3A_341, %not3A_343 : i1
        %convert_element_type3A_345 = arith.extui %and3A_344 : i1 to i32
        %cond3A_346 = arith.constant 0 : i32
        %cond3A_347 = arith.cmpi ne, %convert_element_type3A_345, %cond3A_346 : i32
        scf.if %cond3A_347 {
        } else {
        }
        %and3A_348 = arith.constant false
        %and3A_349 = arith.andi %and3A_344, %and3A_348 : i1
        %ne3A_350 = arith.cmpi ne, %add3A_168, %add3A_186 : i32
        %or3A_351 = arith.constant false
        %or3A_352 = arith.ori %or3A_351, %ne3A_350 : i1
        %or3A_353 = arith.constant false
        %or3A_354 = arith.ori %or3A_352, %or3A_353 : i1
        %or3A_355 = arith.ori %or3A_354, %eq3A_167 : i1
        %add3A_356 = arith.constant 1 : i32
        %add3A_357 = arith.addi %scan3A_158, %add3A_356 : i32
        %select_n3A_358 = arith.select %or3A_355, %add3A_357, %scan3A_158 : i32
        %ne3A_359 = arith.cmpi ne, %add3A_168, %add3A_186 : i32
        %or3A_360 = arith.constant false
        %or3A_361 = arith.ori %or3A_360, %ne3A_359 : i1
        %or3A_362 = arith.constant false
        %or3A_363 = arith.ori %or3A_361, %or3A_362 : i1
        %or3A_364 = arith.ori %or3A_363, %eq3A_167 : i1
        %add3A_365 = arith.constant 1 : i32
        %add3A_366 = arith.addi %scan3A_160, %add3A_365 : i32
        %select_n3A_367 = arith.select %or3A_364, %add3A_366, %scan3A_160 : i32
        %ne3A_368 = arith.cmpi ne, %add3A_168, %add3A_186 : i32
        %or3A_369 = arith.constant false
        %or3A_370 = arith.ori %or3A_369, %ne3A_368 : i1
        %or3A_371 = arith.constant false
        %or3A_372 = arith.ori %or3A_370, %or3A_371 : i1
        %or3A_373 = arith.ori %or3A_372, %eq3A_167 : i1
        %add3A_374 = arith.constant 1 : i32
        %add3A_375 = arith.addi %scan3A_162, %add3A_374 : i32
        %select_n3A_376 = arith.select %or3A_373, %add3A_375, %scan3A_162 : i32
        %add3A_377 = arith.constant 1 : i32
        %add3A_378 = arith.addi %scan3A_163, %add3A_377 : i32
        %select_n3A_379 = arith.constant true
        %select_n3A_380 = arith.select %select_n3A_379, %add3A_378, %scan3A_163 : i32
        %eq3A_381 = arith.constant 2 : i32
        %eq3A_382 = arith.cmpi eq, %select_n3A_380, %eq3A_381 : i32
        %select_n3A_383 = arith.constant 0 : i32
        %select_n3A_384 = arith.select %eq3A_382, %select_n3A_383, %select_n3A_380 : i32
        scf.yield %select_n3A_206, %select_n3A_358, %select_n3A_224, %select_n3A_367, %select_n3A_242, %select_n3A_376, %select_n3A_384 : i32, i32, i32, i32, i32, i32, i32
      }
      %scan3A_120 = arith.constant 2 : i32
      %sub3A = arith.constant 1 : i32
      %sub3A_121 = arith.subi %scan3A_119#6, %sub3A : i32
      %select_n3A_122 = arith.constant true
      %select_n3A_123 = arith.select %select_n3A_122, %sub3A_121, %scan3A_119#6 : i32
      %eq3A_124 = arith.constant -1 : i32
      %eq3A_125 = arith.cmpi eq, %select_n3A_123, %eq3A_124 : i32
      %select_n3A_126 = arith.constant 1 : i32
      %select_n3A_127 = arith.select %eq3A_125, %select_n3A_126, %select_n3A_123 : i32
      %add3A_128 = arith.addi %select_n3A_127, %mul3A_6 : i32
      %sub3A_129 = arith.constant 1 : i32
      %sub3A_130 = arith.subi %select_n3A_127, %sub3A_129 : i32
      %select_n3A_131 = arith.constant true
      %select_n3A_132 = arith.select %select_n3A_131, %sub3A_130, %select_n3A_127 : i32
      %eq3A_133 = arith.constant -1 : i32
      %eq3A_134 = arith.cmpi eq, %select_n3A_132, %eq3A_133 : i32
      %select_n3A_135 = arith.constant 1 : i32
      %select_n3A_136 = arith.select %eq3A_134, %select_n3A_135, %select_n3A_132 : i32
      %add3A_137 = arith.addi %select_n3A_136, %mul3A_6 : i32
      %add3A_138 = arith.constant 1 : i32
      %add3A_139 = arith.addi %select_n3A_127, %add3A_138 : i32
      %select_n3A_140 = arith.constant true
      %select_n3A_141 = arith.select %select_n3A_140, %add3A_139, %select_n3A_127 : i32
      %eq3A_142 = arith.constant 2 : i32
      %eq3A_143 = arith.cmpi eq, %select_n3A_141, %eq3A_142 : i32
      %select_n3A_144 = arith.constant 0 : i32
      %select_n3A_145 = arith.select %eq3A_143, %select_n3A_144, %select_n3A_141 : i32
      %add3A_146 = arith.addi %select_n3A_145, %mul3A_6 : i32
      %add3A_147 = arith.constant 1 : i32
      %add3A_148 = arith.addi %select_n3A_145, %add3A_147 : i32
      %select_n3A_149 = arith.constant true
      %select_n3A_150 = arith.select %select_n3A_149, %add3A_148, %select_n3A_145 : i32
      %eq3A_151 = arith.constant 2 : i32
      %eq3A_152 = arith.cmpi eq, %select_n3A_150, %eq3A_151 : i32
      %select_n3A_153 = arith.constant 0 : i32
      %select_n3A_154 = arith.select %eq3A_152, %select_n3A_153, %select_n3A_150 : i32
      %add3A_155 = arith.addi %select_n3A_154, %mul3A_6 : i32
      tpu.yield
    }) : () -> ()
    return
  }
}

module attributes {stable_mosaic.version = 14 : i64} {
  func.func @_router_body(%arg0: memref<2048x16xf32, #tpu.memory_space<vmem>>, %arg1: memref<1x16xf32, #tpu.memory_space<vmem>>, %arg2: memref<2048x2xi32, #tpu.memory_space<vmem>>, %arg3: memref<2048x2xf32, #tpu.memory_space<vmem>>, %arg4: memref<1x48xi32, #tpu.memory_space<vmem>>, %arg5: memref<1x1xi32, #tpu.memory_space<vmem>>) attributes {dimension_semantics = [], scalar_prefetch = 0 : i64, scratch_operands = 0 : i64, tpu.core_type = #tpu.core_type<tc>} {
    %get3A = arith.constant 0 : index
    %get3A_0 = arith.constant 0 : index
    %get3A_1 = vector.load %arg0[%get3A, %get3A_0] : memref<2048x16xf32, #tpu.memory_space<vmem>>, vector<2048x16xf32>
    %get3A_2 = arith.constant 0 : index
    %get3A_3 = arith.constant 0 : index
    %get3A_4 = vector.load %arg1[%get3A_2, %get3A_3] : memref<1x16xf32, #tpu.memory_space<vmem>>, vector<1x16xf32>
    %add3A = vector.broadcast %get3A_4 : vector<1x16xf32> to vector<2048x16xf32>
    %add3A_5 = arith.addf %get3A_1, %add3A : vector<2048x16xf32>
    %iota3A = tpu.iota {dimensions = array<i32: 1>} : vector<2048x16xi32>
    %jit3A = arith.constant 4 : i32
    %div3A = vector.broadcast %jit3A : i32 to vector<2048x16xi32>
    %div3A_6 = arith.divsi %iota3A, %div3A : vector<2048x16xi32>
    %sign3A = arith.constant 0 : i32
    %sign3A_7 = vector.broadcast %sign3A : i32 to vector<2048x16xi32>
    %sign3A_8 = arith.cmpi sgt, %iota3A, %sign3A_7 : vector<2048x16xi32>
    %sign3A_9 = arith.extui %sign3A_8 : vector<2048x16xi1> to vector<2048x16xi32>
    %sign3A_10 = arith.constant 0 : i32
    %sign3A_11 = vector.broadcast %sign3A_10 : i32 to vector<2048x16xi32>
    %sign3A_12 = arith.cmpi slt, %iota3A, %sign3A_11 : vector<2048x16xi32>
    %sign3A_13 = arith.extui %sign3A_12 : vector<2048x16xi1> to vector<2048x16xi32>
    %sign3A_14 = arith.subi %sign3A_9, %sign3A_13 : vector<2048x16xi32>
    %sign3A_15 = arith.constant 0 : i32
    %sign3A_16 = arith.cmpi sgt, %jit3A, %sign3A_15 : i32
    %sign3A_17 = arith.extui %sign3A_16 : i1 to i32
    %sign3A_18 = arith.constant 0 : i32
    %sign3A_19 = arith.cmpi slt, %jit3A, %sign3A_18 : i32
    %sign3A_20 = arith.extui %sign3A_19 : i1 to i32
    %sign3A_21 = arith.subi %sign3A_17, %sign3A_20 : i32
    %ne3A = vector.broadcast %sign3A_21 : i32 to vector<2048x16xi32>
    %ne3A_22 = arith.cmpi ne, %sign3A_14, %ne3A : vector<2048x16xi32>
    %rem3A = vector.broadcast %jit3A : i32 to vector<2048x16xi32>
    %rem3A_23 = arith.remsi %iota3A, %rem3A : vector<2048x16xi32>
    %ne3A_24 = arith.constant 0 : i32
    %ne3A_25 = vector.broadcast %ne3A_24 : i32 to vector<2048x16xi32>
    %ne3A_26 = arith.cmpi ne, %rem3A_23, %ne3A_25 : vector<2048x16xi32>
    %and3A = arith.andi %ne3A_22, %ne3A_26 : vector<2048x16xi1>
    %sub3A = arith.constant 1 : i32
    %sub3A_27 = vector.broadcast %sub3A : i32 to vector<2048x16xi32>
    %sub3A_28 = arith.subi %div3A_6, %sub3A_27 : vector<2048x16xi32>
    %select_n3A = arith.select %and3A, %sub3A_28, %div3A_6 : vector<2048x16xi1>, vector<2048x16xi32>
    %eq3A = arith.constant 0 : i32
    %eq3A_29 = vector.broadcast %eq3A : i32 to vector<2048x16xi32>
    %eq3A_30 = arith.cmpi eq, %select_n3A, %eq3A_29 : vector<2048x16xi32>
    %jit3A_31 = arith.constant 0xFF800000 : f32
    %broadcast_in_dim3A = vector.broadcast %jit3A_31 : f32 to vector<2048x16xf32>
    %select_n3A_32 = arith.select %eq3A_30, %add3A_5, %broadcast_in_dim3A : vector<2048x16xi1>, vector<2048x16xf32>
    %reduce_max3A = arith.constant dense<0xFF800000> : vector<2048xf32>
    %reduce_max3A_33 = vector.multi_reduction <maximumf>, %select_n3A_32, %reduce_max3A [1] : vector<2048x16xf32> to vector<2048xf32>
    %broadcast_in_dim3A_34 = vector.shape_cast %reduce_max3A_33 : vector<2048xf32> to vector<2048x1xf32>
    %eq3A_35 = vector.broadcast %broadcast_in_dim3A_34 : vector<2048x1xf32> to vector<2048x16xf32>
    %eq3A_36 = arith.cmpf oeq, %select_n3A_32, %eq3A_35 : vector<2048x16xf32>
    %jit3A_37 = arith.constant 16 : i32
    %broadcast_in_dim3A_38 = vector.broadcast %jit3A_37 : i32 to vector<2048x16xi32>
    %select_n3A_39 = arith.select %eq3A_36, %iota3A, %broadcast_in_dim3A_38 : vector<2048x16xi1>, vector<2048x16xi32>
    %reduce_min3A = arith.constant dense<2147483647> : vector<2048xi32>
    %reduce_min3A_40 = vector.multi_reduction <minsi>, %select_n3A_39, %reduce_min3A [1] : vector<2048x16xi32> to vector<2048xi32>
    %broadcast_in_dim3A_41 = vector.shape_cast %reduce_min3A_40 : vector<2048xi32> to vector<2048x1xi32>
    %eq3A_42 = vector.broadcast %broadcast_in_dim3A_41 : vector<2048x1xi32> to vector<2048x16xi32>
    %eq3A_43 = arith.cmpi eq, %iota3A, %eq3A_42 : vector<2048x16xi32>
    %jit3A_44 = arith.constant 0xFF800000 : f32
    %broadcast_in_dim3A_45 = vector.broadcast %jit3A_44 : f32 to vector<2048x16xf32>
    %select_n3A_46 = arith.select %eq3A_43, %broadcast_in_dim3A_45, %select_n3A_32 : vector<2048x16xi1>, vector<2048x16xf32>
    %reduce_max3A_47 = arith.constant dense<0xFF800000> : vector<2048xf32>
    %reduce_max3A_48 = vector.multi_reduction <maximumf>, %select_n3A_46, %reduce_max3A_47 [1] : vector<2048x16xf32> to vector<2048xf32>
    %broadcast_in_dim3A_49 = vector.shape_cast %reduce_max3A_48 : vector<2048xf32> to vector<2048x1xf32>
    %add3A_50 = arith.addf %broadcast_in_dim3A_34, %broadcast_in_dim3A_49 : vector<2048x1xf32>
    %jit3A_51 = arith.constant 4 : i32
    %div3A_52 = vector.broadcast %jit3A_51 : i32 to vector<2048x16xi32>
    %div3A_53 = arith.divsi %iota3A, %div3A_52 : vector<2048x16xi32>
    %sign3A_54 = arith.constant 0 : i32
    %sign3A_55 = vector.broadcast %sign3A_54 : i32 to vector<2048x16xi32>
    %sign3A_56 = arith.cmpi sgt, %iota3A, %sign3A_55 : vector<2048x16xi32>
    %sign3A_57 = arith.extui %sign3A_56 : vector<2048x16xi1> to vector<2048x16xi32>
    %sign3A_58 = arith.constant 0 : i32
    %sign3A_59 = vector.broadcast %sign3A_58 : i32 to vector<2048x16xi32>
    %sign3A_60 = arith.cmpi slt, %iota3A, %sign3A_59 : vector<2048x16xi32>
    %sign3A_61 = arith.extui %sign3A_60 : vector<2048x16xi1> to vector<2048x16xi32>
    %sign3A_62 = arith.subi %sign3A_57, %sign3A_61 : vector<2048x16xi32>
    %sign3A_63 = arith.constant 0 : i32
    %sign3A_64 = arith.cmpi sgt, %jit3A_51, %sign3A_63 : i32
    %sign3A_65 = arith.extui %sign3A_64 : i1 to i32
    %sign3A_66 = arith.constant 0 : i32
    %sign3A_67 = arith.cmpi slt, %jit3A_51, %sign3A_66 : i32
    %sign3A_68 = arith.extui %sign3A_67 : i1 to i32
    %sign3A_69 = arith.subi %sign3A_65, %sign3A_68 : i32
    %ne3A_70 = vector.broadcast %sign3A_69 : i32 to vector<2048x16xi32>
    %ne3A_71 = arith.cmpi ne, %sign3A_62, %ne3A_70 : vector<2048x16xi32>
    %rem3A_72 = vector.broadcast %jit3A_51 : i32 to vector<2048x16xi32>
    %rem3A_73 = arith.remsi %iota3A, %rem3A_72 : vector<2048x16xi32>
    %ne3A_74 = arith.constant 0 : i32
    %ne3A_75 = vector.broadcast %ne3A_74 : i32 to vector<2048x16xi32>
    %ne3A_76 = arith.cmpi ne, %rem3A_73, %ne3A_75 : vector<2048x16xi32>
    %and3A_77 = arith.andi %ne3A_71, %ne3A_76 : vector<2048x16xi1>
    %sub3A_78 = arith.constant 1 : i32
    %sub3A_79 = vector.broadcast %sub3A_78 : i32 to vector<2048x16xi32>
    %sub3A_80 = arith.subi %div3A_53, %sub3A_79 : vector<2048x16xi32>
    %select_n3A_81 = arith.select %and3A_77, %sub3A_80, %div3A_53 : vector<2048x16xi1>, vector<2048x16xi32>
    %eq3A_82 = arith.constant 1 : i32
    %eq3A_83 = vector.broadcast %eq3A_82 : i32 to vector<2048x16xi32>
    %eq3A_84 = arith.cmpi eq, %select_n3A_81, %eq3A_83 : vector<2048x16xi32>
    %jit3A_85 = arith.constant 0xFF800000 : f32
    %broadcast_in_dim3A_86 = vector.broadcast %jit3A_85 : f32 to vector<2048x16xf32>
    %select_n3A_87 = arith.select %eq3A_84, %add3A_5, %broadcast_in_dim3A_86 : vector<2048x16xi1>, vector<2048x16xf32>
    %reduce_max3A_88 = arith.constant dense<0xFF800000> : vector<2048xf32>
    %reduce_max3A_89 = vector.multi_reduction <maximumf>, %select_n3A_87, %reduce_max3A_88 [1] : vector<2048x16xf32> to vector<2048xf32>
    %broadcast_in_dim3A_90 = vector.shape_cast %reduce_max3A_89 : vector<2048xf32> to vector<2048x1xf32>
    %eq3A_91 = vector.broadcast %broadcast_in_dim3A_90 : vector<2048x1xf32> to vector<2048x16xf32>
    %eq3A_92 = arith.cmpf oeq, %select_n3A_87, %eq3A_91 : vector<2048x16xf32>
    %jit3A_93 = arith.constant 16 : i32
    %broadcast_in_dim3A_94 = vector.broadcast %jit3A_93 : i32 to vector<2048x16xi32>
    %select_n3A_95 = arith.select %eq3A_92, %iota3A, %broadcast_in_dim3A_94 : vector<2048x16xi1>, vector<2048x16xi32>
    %reduce_min3A_96 = arith.constant dense<2147483647> : vector<2048xi32>
    %reduce_min3A_97 = vector.multi_reduction <minsi>, %select_n3A_95, %reduce_min3A_96 [1] : vector<2048x16xi32> to vector<2048xi32>
    %broadcast_in_dim3A_98 = vector.shape_cast %reduce_min3A_97 : vector<2048xi32> to vector<2048x1xi32>
    %eq3A_99 = vector.broadcast %broadcast_in_dim3A_98 : vector<2048x1xi32> to vector<2048x16xi32>
    %eq3A_100 = arith.cmpi eq, %iota3A, %eq3A_99 : vector<2048x16xi32>
    %jit3A_101 = arith.constant 0xFF800000 : f32
    %broadcast_in_dim3A_102 = vector.broadcast %jit3A_101 : f32 to vector<2048x16xf32>
    %select_n3A_103 = arith.select %eq3A_100, %broadcast_in_dim3A_102, %select_n3A_87 : vector<2048x16xi1>, vector<2048x16xf32>
    %reduce_max3A_104 = arith.constant dense<0xFF800000> : vector<2048xf32>
    %reduce_max3A_105 = vector.multi_reduction <maximumf>, %select_n3A_103, %reduce_max3A_104 [1] : vector<2048x16xf32> to vector<2048xf32>
    %broadcast_in_dim3A_106 = vector.shape_cast %reduce_max3A_105 : vector<2048xf32> to vector<2048x1xf32>
    %add3A_107 = arith.addf %broadcast_in_dim3A_90, %broadcast_in_dim3A_106 : vector<2048x1xf32>
    %jit3A_108 = arith.constant 4 : i32
    %div3A_109 = vector.broadcast %jit3A_108 : i32 to vector<2048x16xi32>
    %div3A_110 = arith.divsi %iota3A, %div3A_109 : vector<2048x16xi32>
    %sign3A_111 = arith.constant 0 : i32
    %sign3A_112 = vector.broadcast %sign3A_111 : i32 to vector<2048x16xi32>
    %sign3A_113 = arith.cmpi sgt, %iota3A, %sign3A_112 : vector<2048x16xi32>
    %sign3A_114 = arith.extui %sign3A_113 : vector<2048x16xi1> to vector<2048x16xi32>
    %sign3A_115 = arith.constant 0 : i32
    %sign3A_116 = vector.broadcast %sign3A_115 : i32 to vector<2048x16xi32>
    %sign3A_117 = arith.cmpi slt, %iota3A, %sign3A_116 : vector<2048x16xi32>
    %sign3A_118 = arith.extui %sign3A_117 : vector<2048x16xi1> to vector<2048x16xi32>
    %sign3A_119 = arith.subi %sign3A_114, %sign3A_118 : vector<2048x16xi32>
    %sign3A_120 = arith.constant 0 : i32
    %sign3A_121 = arith.cmpi sgt, %jit3A_108, %sign3A_120 : i32
    %sign3A_122 = arith.extui %sign3A_121 : i1 to i32
    %sign3A_123 = arith.constant 0 : i32
    %sign3A_124 = arith.cmpi slt, %jit3A_108, %sign3A_123 : i32
    %sign3A_125 = arith.extui %sign3A_124 : i1 to i32
    %sign3A_126 = arith.subi %sign3A_122, %sign3A_125 : i32
    %ne3A_127 = vector.broadcast %sign3A_126 : i32 to vector<2048x16xi32>
    %ne3A_128 = arith.cmpi ne, %sign3A_119, %ne3A_127 : vector<2048x16xi32>
    %rem3A_129 = vector.broadcast %jit3A_108 : i32 to vector<2048x16xi32>
    %rem3A_130 = arith.remsi %iota3A, %rem3A_129 : vector<2048x16xi32>
    %ne3A_131 = arith.constant 0 : i32
    %ne3A_132 = vector.broadcast %ne3A_131 : i32 to vector<2048x16xi32>
    %ne3A_133 = arith.cmpi ne, %rem3A_130, %ne3A_132 : vector<2048x16xi32>
    %and3A_134 = arith.andi %ne3A_128, %ne3A_133 : vector<2048x16xi1>
    %sub3A_135 = arith.constant 1 : i32
    %sub3A_136 = vector.broadcast %sub3A_135 : i32 to vector<2048x16xi32>
    %sub3A_137 = arith.subi %div3A_110, %sub3A_136 : vector<2048x16xi32>
    %select_n3A_138 = arith.select %and3A_134, %sub3A_137, %div3A_110 : vector<2048x16xi1>, vector<2048x16xi32>
    %eq3A_139 = arith.constant 2 : i32
    %eq3A_140 = vector.broadcast %eq3A_139 : i32 to vector<2048x16xi32>
    %eq3A_141 = arith.cmpi eq, %select_n3A_138, %eq3A_140 : vector<2048x16xi32>
    %jit3A_142 = arith.constant 0xFF800000 : f32
    %broadcast_in_dim3A_143 = vector.broadcast %jit3A_142 : f32 to vector<2048x16xf32>
    %select_n3A_144 = arith.select %eq3A_141, %add3A_5, %broadcast_in_dim3A_143 : vector<2048x16xi1>, vector<2048x16xf32>
    %reduce_max3A_145 = arith.constant dense<0xFF800000> : vector<2048xf32>
    %reduce_max3A_146 = vector.multi_reduction <maximumf>, %select_n3A_144, %reduce_max3A_145 [1] : vector<2048x16xf32> to vector<2048xf32>
    %broadcast_in_dim3A_147 = vector.shape_cast %reduce_max3A_146 : vector<2048xf32> to vector<2048x1xf32>
    %eq3A_148 = vector.broadcast %broadcast_in_dim3A_147 : vector<2048x1xf32> to vector<2048x16xf32>
    %eq3A_149 = arith.cmpf oeq, %select_n3A_144, %eq3A_148 : vector<2048x16xf32>
    %jit3A_150 = arith.constant 16 : i32
    %broadcast_in_dim3A_151 = vector.broadcast %jit3A_150 : i32 to vector<2048x16xi32>
    %select_n3A_152 = arith.select %eq3A_149, %iota3A, %broadcast_in_dim3A_151 : vector<2048x16xi1>, vector<2048x16xi32>
    %reduce_min3A_153 = arith.constant dense<2147483647> : vector<2048xi32>
    %reduce_min3A_154 = vector.multi_reduction <minsi>, %select_n3A_152, %reduce_min3A_153 [1] : vector<2048x16xi32> to vector<2048xi32>
    %broadcast_in_dim3A_155 = vector.shape_cast %reduce_min3A_154 : vector<2048xi32> to vector<2048x1xi32>
    %eq3A_156 = vector.broadcast %broadcast_in_dim3A_155 : vector<2048x1xi32> to vector<2048x16xi32>
    %eq3A_157 = arith.cmpi eq, %iota3A, %eq3A_156 : vector<2048x16xi32>
    %jit3A_158 = arith.constant 0xFF800000 : f32
    %broadcast_in_dim3A_159 = vector.broadcast %jit3A_158 : f32 to vector<2048x16xf32>
    %select_n3A_160 = arith.select %eq3A_157, %broadcast_in_dim3A_159, %select_n3A_144 : vector<2048x16xi1>, vector<2048x16xf32>
    %reduce_max3A_161 = arith.constant dense<0xFF800000> : vector<2048xf32>
    %reduce_max3A_162 = vector.multi_reduction <maximumf>, %select_n3A_160, %reduce_max3A_161 [1] : vector<2048x16xf32> to vector<2048xf32>
    %broadcast_in_dim3A_163 = vector.shape_cast %reduce_max3A_162 : vector<2048xf32> to vector<2048x1xf32>
    %add3A_164 = arith.addf %broadcast_in_dim3A_147, %broadcast_in_dim3A_163 : vector<2048x1xf32>
    %jit3A_165 = arith.constant 4 : i32
    %div3A_166 = vector.broadcast %jit3A_165 : i32 to vector<2048x16xi32>
    %div3A_167 = arith.divsi %iota3A, %div3A_166 : vector<2048x16xi32>
    %sign3A_168 = arith.constant 0 : i32
    %sign3A_169 = vector.broadcast %sign3A_168 : i32 to vector<2048x16xi32>
    %sign3A_170 = arith.cmpi sgt, %iota3A, %sign3A_169 : vector<2048x16xi32>
    %sign3A_171 = arith.extui %sign3A_170 : vector<2048x16xi1> to vector<2048x16xi32>
    %sign3A_172 = arith.constant 0 : i32
    %sign3A_173 = vector.broadcast %sign3A_172 : i32 to vector<2048x16xi32>
    %sign3A_174 = arith.cmpi slt, %iota3A, %sign3A_173 : vector<2048x16xi32>
    %sign3A_175 = arith.extui %sign3A_174 : vector<2048x16xi1> to vector<2048x16xi32>
    %sign3A_176 = arith.subi %sign3A_171, %sign3A_175 : vector<2048x16xi32>
    %sign3A_177 = arith.constant 0 : i32
    %sign3A_178 = arith.cmpi sgt, %jit3A_165, %sign3A_177 : i32
    %sign3A_179 = arith.extui %sign3A_178 : i1 to i32
    %sign3A_180 = arith.constant 0 : i32
    %sign3A_181 = arith.cmpi slt, %jit3A_165, %sign3A_180 : i32
    %sign3A_182 = arith.extui %sign3A_181 : i1 to i32
    %sign3A_183 = arith.subi %sign3A_179, %sign3A_182 : i32
    %ne3A_184 = vector.broadcast %sign3A_183 : i32 to vector<2048x16xi32>
    %ne3A_185 = arith.cmpi ne, %sign3A_176, %ne3A_184 : vector<2048x16xi32>
    %rem3A_186 = vector.broadcast %jit3A_165 : i32 to vector<2048x16xi32>
    %rem3A_187 = arith.remsi %iota3A, %rem3A_186 : vector<2048x16xi32>
    %ne3A_188 = arith.constant 0 : i32
    %ne3A_189 = vector.broadcast %ne3A_188 : i32 to vector<2048x16xi32>
    %ne3A_190 = arith.cmpi ne, %rem3A_187, %ne3A_189 : vector<2048x16xi32>
    %and3A_191 = arith.andi %ne3A_185, %ne3A_190 : vector<2048x16xi1>
    %sub3A_192 = arith.constant 1 : i32
    %sub3A_193 = vector.broadcast %sub3A_192 : i32 to vector<2048x16xi32>
    %sub3A_194 = arith.subi %div3A_167, %sub3A_193 : vector<2048x16xi32>
    %select_n3A_195 = arith.select %and3A_191, %sub3A_194, %div3A_167 : vector<2048x16xi1>, vector<2048x16xi32>
    %eq3A_196 = arith.constant 3 : i32
    %eq3A_197 = vector.broadcast %eq3A_196 : i32 to vector<2048x16xi32>
    %eq3A_198 = arith.cmpi eq, %select_n3A_195, %eq3A_197 : vector<2048x16xi32>
    %jit3A_199 = arith.constant 0xFF800000 : f32
    %broadcast_in_dim3A_200 = vector.broadcast %jit3A_199 : f32 to vector<2048x16xf32>
    %select_n3A_201 = arith.select %eq3A_198, %add3A_5, %broadcast_in_dim3A_200 : vector<2048x16xi1>, vector<2048x16xf32>
    %reduce_max3A_202 = arith.constant dense<0xFF800000> : vector<2048xf32>
    %reduce_max3A_203 = vector.multi_reduction <maximumf>, %select_n3A_201, %reduce_max3A_202 [1] : vector<2048x16xf32> to vector<2048xf32>
    %broadcast_in_dim3A_204 = vector.shape_cast %reduce_max3A_203 : vector<2048xf32> to vector<2048x1xf32>
    %eq3A_205 = vector.broadcast %broadcast_in_dim3A_204 : vector<2048x1xf32> to vector<2048x16xf32>
    %eq3A_206 = arith.cmpf oeq, %select_n3A_201, %eq3A_205 : vector<2048x16xf32>
    %jit3A_207 = arith.constant 16 : i32
    %broadcast_in_dim3A_208 = vector.broadcast %jit3A_207 : i32 to vector<2048x16xi32>
    %select_n3A_209 = arith.select %eq3A_206, %iota3A, %broadcast_in_dim3A_208 : vector<2048x16xi1>, vector<2048x16xi32>
    %reduce_min3A_210 = arith.constant dense<2147483647> : vector<2048xi32>
    %reduce_min3A_211 = vector.multi_reduction <minsi>, %select_n3A_209, %reduce_min3A_210 [1] : vector<2048x16xi32> to vector<2048xi32>
    %broadcast_in_dim3A_212 = vector.shape_cast %reduce_min3A_211 : vector<2048xi32> to vector<2048x1xi32>
    %eq3A_213 = vector.broadcast %broadcast_in_dim3A_212 : vector<2048x1xi32> to vector<2048x16xi32>
    %eq3A_214 = arith.cmpi eq, %iota3A, %eq3A_213 : vector<2048x16xi32>
    %jit3A_215 = arith.constant 0xFF800000 : f32
    %broadcast_in_dim3A_216 = vector.broadcast %jit3A_215 : f32 to vector<2048x16xf32>
    %select_n3A_217 = arith.select %eq3A_214, %broadcast_in_dim3A_216, %select_n3A_201 : vector<2048x16xi1>, vector<2048x16xf32>
    %reduce_max3A_218 = arith.constant dense<0xFF800000> : vector<2048xf32>
    %reduce_max3A_219 = vector.multi_reduction <maximumf>, %select_n3A_217, %reduce_max3A_218 [1] : vector<2048x16xf32> to vector<2048xf32>
    %broadcast_in_dim3A_220 = vector.shape_cast %reduce_max3A_219 : vector<2048xf32> to vector<2048x1xf32>
    %add3A_221 = arith.addf %broadcast_in_dim3A_204, %broadcast_in_dim3A_220 : vector<2048x1xf32>
    %max3A = arith.maximumf %add3A_50, %add3A_107 : vector<2048x1xf32>
    %max3A_222 = arith.maximumf %max3A, %add3A_164 : vector<2048x1xf32>
    %max3A_223 = arith.maximumf %max3A_222, %add3A_221 : vector<2048x1xf32>
    %broadcast_in_dim3A_224 = arith.constant 4 : i32
    %broadcast_in_dim3A_225 = vector.broadcast %broadcast_in_dim3A_224 : i32 to vector<2048x1xi32>
    %eq3A_226 = arith.cmpf oeq, %add3A_221, %max3A_223 : vector<2048x1xf32>
    %jit3A_227 = arith.constant 3 : i32
    %broadcast_in_dim3A_228 = vector.broadcast %jit3A_227 : i32 to vector<2048x1xi32>
    %select_n3A_229 = arith.select %eq3A_226, %broadcast_in_dim3A_228, %broadcast_in_dim3A_225 : vector<2048x1xi1>, vector<2048x1xi32>
    %eq3A_230 = arith.cmpf oeq, %add3A_164, %max3A_223 : vector<2048x1xf32>
    %jit3A_231 = arith.constant 2 : i32
    %broadcast_in_dim3A_232 = vector.broadcast %jit3A_231 : i32 to vector<2048x1xi32>
    %select_n3A_233 = arith.select %eq3A_230, %broadcast_in_dim3A_232, %select_n3A_229 : vector<2048x1xi1>, vector<2048x1xi32>
    %eq3A_234 = arith.cmpf oeq, %add3A_107, %max3A_223 : vector<2048x1xf32>
    %jit3A_235 = arith.constant 1 : i32
    %broadcast_in_dim3A_236 = vector.broadcast %jit3A_235 : i32 to vector<2048x1xi32>
    %select_n3A_237 = arith.select %eq3A_234, %broadcast_in_dim3A_236, %select_n3A_233 : vector<2048x1xi1>, vector<2048x1xi32>
    %eq3A_238 = arith.cmpf oeq, %add3A_50, %max3A_223 : vector<2048x1xf32>
    %jit3A_239 = arith.constant 0 : i32
    %broadcast_in_dim3A_240 = vector.broadcast %jit3A_239 : i32 to vector<2048x1xi32>
    %select_n3A_241 = arith.select %eq3A_238, %broadcast_in_dim3A_240, %select_n3A_237 : vector<2048x1xi1>, vector<2048x1xi32>
    %broadcast_in_dim3A_242 = arith.constant 0xFF800000 : f32
    %broadcast_in_dim3A_243 = vector.broadcast %broadcast_in_dim3A_242 : f32 to vector<2048x1xf32>
    %eq3A_244 = arith.constant 0 : i32
    %eq3A_245 = vector.broadcast %eq3A_244 : i32 to vector<2048x1xi32>
    %eq3A_246 = arith.cmpi eq, %select_n3A_241, %eq3A_245 : vector<2048x1xi32>
    %jit3A_247 = arith.constant 0xFF800000 : f32
    %broadcast_in_dim3A_248 = vector.broadcast %jit3A_247 : f32 to vector<2048x1xf32>
    %select_n3A_249 = arith.select %eq3A_246, %broadcast_in_dim3A_248, %add3A_50 : vector<2048x1xi1>, vector<2048x1xf32>
    %max3A_250 = arith.maximumf %broadcast_in_dim3A_243, %select_n3A_249 : vector<2048x1xf32>
    %eq3A_251 = arith.constant 1 : i32
    %eq3A_252 = vector.broadcast %eq3A_251 : i32 to vector<2048x1xi32>
    %eq3A_253 = arith.cmpi eq, %select_n3A_241, %eq3A_252 : vector<2048x1xi32>
    %jit3A_254 = arith.constant 0xFF800000 : f32
    %broadcast_in_dim3A_255 = vector.broadcast %jit3A_254 : f32 to vector<2048x1xf32>
    %select_n3A_256 = arith.select %eq3A_253, %broadcast_in_dim3A_255, %add3A_107 : vector<2048x1xi1>, vector<2048x1xf32>
    %max3A_257 = arith.maximumf %max3A_250, %select_n3A_256 : vector<2048x1xf32>
    %eq3A_258 = arith.constant 2 : i32
    %eq3A_259 = vector.broadcast %eq3A_258 : i32 to vector<2048x1xi32>
    %eq3A_260 = arith.cmpi eq, %select_n3A_241, %eq3A_259 : vector<2048x1xi32>
    %jit3A_261 = arith.constant 0xFF800000 : f32
    %broadcast_in_dim3A_262 = vector.broadcast %jit3A_261 : f32 to vector<2048x1xf32>
    %select_n3A_263 = arith.select %eq3A_260, %broadcast_in_dim3A_262, %add3A_164 : vector<2048x1xi1>, vector<2048x1xf32>
    %max3A_264 = arith.maximumf %max3A_257, %select_n3A_263 : vector<2048x1xf32>
    %eq3A_265 = arith.constant 3 : i32
    %eq3A_266 = vector.broadcast %eq3A_265 : i32 to vector<2048x1xi32>
    %eq3A_267 = arith.cmpi eq, %select_n3A_241, %eq3A_266 : vector<2048x1xi32>
    %jit3A_268 = arith.constant 0xFF800000 : f32
    %broadcast_in_dim3A_269 = vector.broadcast %jit3A_268 : f32 to vector<2048x1xf32>
    %select_n3A_270 = arith.select %eq3A_267, %broadcast_in_dim3A_269, %add3A_221 : vector<2048x1xi1>, vector<2048x1xf32>
    %max3A_271 = arith.maximumf %max3A_264, %select_n3A_270 : vector<2048x1xf32>
    %broadcast_in_dim3A_272 = arith.constant 4 : i32
    %broadcast_in_dim3A_273 = vector.broadcast %broadcast_in_dim3A_272 : i32 to vector<2048x1xi32>
    %eq3A_274 = arith.cmpf oeq, %add3A_221, %max3A_271 : vector<2048x1xf32>
    %ne3A_275 = arith.constant 3 : i32
    %ne3A_276 = vector.broadcast %ne3A_275 : i32 to vector<2048x1xi32>
    %ne3A_277 = arith.cmpi ne, %select_n3A_241, %ne3A_276 : vector<2048x1xi32>
    %and3A_278 = arith.andi %eq3A_274, %ne3A_277 : vector<2048x1xi1>
    %jit3A_279 = arith.constant 3 : i32
    %broadcast_in_dim3A_280 = vector.broadcast %jit3A_279 : i32 to vector<2048x1xi32>
    %select_n3A_281 = arith.select %and3A_278, %broadcast_in_dim3A_280, %broadcast_in_dim3A_273 : vector<2048x1xi1>, vector<2048x1xi32>
    %eq3A_282 = arith.cmpf oeq, %add3A_164, %max3A_271 : vector<2048x1xf32>
    %ne3A_283 = arith.constant 2 : i32
    %ne3A_284 = vector.broadcast %ne3A_283 : i32 to vector<2048x1xi32>
    %ne3A_285 = arith.cmpi ne, %select_n3A_241, %ne3A_284 : vector<2048x1xi32>
    %and3A_286 = arith.andi %eq3A_282, %ne3A_285 : vector<2048x1xi1>
    %jit3A_287 = arith.constant 2 : i32
    %broadcast_in_dim3A_288 = vector.broadcast %jit3A_287 : i32 to vector<2048x1xi32>
    %select_n3A_289 = arith.select %and3A_286, %broadcast_in_dim3A_288, %select_n3A_281 : vector<2048x1xi1>, vector<2048x1xi32>
    %eq3A_290 = arith.cmpf oeq, %add3A_107, %max3A_271 : vector<2048x1xf32>
    %ne3A_291 = arith.constant 1 : i32
    %ne3A_292 = vector.broadcast %ne3A_291 : i32 to vector<2048x1xi32>
    %ne3A_293 = arith.cmpi ne, %select_n3A_241, %ne3A_292 : vector<2048x1xi32>
    %and3A_294 = arith.andi %eq3A_290, %ne3A_293 : vector<2048x1xi1>
    %jit3A_295 = arith.constant 1 : i32
    %broadcast_in_dim3A_296 = vector.broadcast %jit3A_295 : i32 to vector<2048x1xi32>
    %select_n3A_297 = arith.select %and3A_294, %broadcast_in_dim3A_296, %select_n3A_289 : vector<2048x1xi1>, vector<2048x1xi32>
    %eq3A_298 = arith.cmpf oeq, %add3A_50, %max3A_271 : vector<2048x1xf32>
    %ne3A_299 = arith.constant 0 : i32
    %ne3A_300 = vector.broadcast %ne3A_299 : i32 to vector<2048x1xi32>
    %ne3A_301 = arith.cmpi ne, %select_n3A_241, %ne3A_300 : vector<2048x1xi32>
    %and3A_302 = arith.andi %eq3A_298, %ne3A_301 : vector<2048x1xi1>
    %jit3A_303 = arith.constant 0 : i32
    %broadcast_in_dim3A_304 = vector.broadcast %jit3A_303 : i32 to vector<2048x1xi32>
    %select_n3A_305 = arith.select %and3A_302, %broadcast_in_dim3A_304, %select_n3A_297 : vector<2048x1xi1>, vector<2048x1xi32>
    %jit3A_306 = arith.constant 4 : i32
    %div3A_307 = vector.broadcast %jit3A_306 : i32 to vector<2048x16xi32>
    %div3A_308 = arith.divsi %iota3A, %div3A_307 : vector<2048x16xi32>
    %sign3A_309 = arith.constant 0 : i32
    %sign3A_310 = vector.broadcast %sign3A_309 : i32 to vector<2048x16xi32>
    %sign3A_311 = arith.cmpi sgt, %iota3A, %sign3A_310 : vector<2048x16xi32>
    %sign3A_312 = arith.extui %sign3A_311 : vector<2048x16xi1> to vector<2048x16xi32>
    %sign3A_313 = arith.constant 0 : i32
    %sign3A_314 = vector.broadcast %sign3A_313 : i32 to vector<2048x16xi32>
    %sign3A_315 = arith.cmpi slt, %iota3A, %sign3A_314 : vector<2048x16xi32>
    %sign3A_316 = arith.extui %sign3A_315 : vector<2048x16xi1> to vector<2048x16xi32>
    %sign3A_317 = arith.subi %sign3A_312, %sign3A_316 : vector<2048x16xi32>
    %sign3A_318 = arith.constant 0 : i32
    %sign3A_319 = arith.cmpi sgt, %jit3A_306, %sign3A_318 : i32
    %sign3A_320 = arith.extui %sign3A_319 : i1 to i32
    %sign3A_321 = arith.constant 0 : i32
    %sign3A_322 = arith.cmpi slt, %jit3A_306, %sign3A_321 : i32
    %sign3A_323 = arith.extui %sign3A_322 : i1 to i32
    %sign3A_324 = arith.subi %sign3A_320, %sign3A_323 : i32
    %ne3A_325 = vector.broadcast %sign3A_324 : i32 to vector<2048x16xi32>
    %ne3A_326 = arith.cmpi ne, %sign3A_317, %ne3A_325 : vector<2048x16xi32>
    %rem3A_327 = vector.broadcast %jit3A_306 : i32 to vector<2048x16xi32>
    %rem3A_328 = arith.remsi %iota3A, %rem3A_327 : vector<2048x16xi32>
    %ne3A_329 = arith.constant 0 : i32
    %ne3A_330 = vector.broadcast %ne3A_329 : i32 to vector<2048x16xi32>
    %ne3A_331 = arith.cmpi ne, %rem3A_328, %ne3A_330 : vector<2048x16xi32>
    %and3A_332 = arith.andi %ne3A_326, %ne3A_331 : vector<2048x16xi1>
    %sub3A_333 = arith.constant 1 : i32
    %sub3A_334 = vector.broadcast %sub3A_333 : i32 to vector<2048x16xi32>
    %sub3A_335 = arith.subi %div3A_308, %sub3A_334 : vector<2048x16xi32>
    %select_n3A_336 = arith.select %and3A_332, %sub3A_335, %div3A_308 : vector<2048x16xi1>, vector<2048x16xi32>
    %eq3A_337 = vector.broadcast %select_n3A_241 : vector<2048x1xi32> to vector<2048x16xi32>
    %eq3A_338 = arith.cmpi eq, %select_n3A_336, %eq3A_337 : vector<2048x16xi32>
    %eq3A_339 = vector.broadcast %select_n3A_305 : vector<2048x1xi32> to vector<2048x16xi32>
    %eq3A_340 = arith.cmpi eq, %select_n3A_336, %eq3A_339 : vector<2048x16xi32>
    %or3A = arith.ori %eq3A_338, %eq3A_340 : vector<2048x16xi1>
    %jit3A_341 = arith.constant 0xFF800000 : f32
    %broadcast_in_dim3A_342 = vector.broadcast %jit3A_341 : f32 to vector<2048x16xf32>
    %select_n3A_343 = arith.select %or3A, %add3A_5, %broadcast_in_dim3A_342 : vector<2048x16xi1>, vector<2048x16xf32>
    %reduce_max3A_344 = arith.constant dense<0xFF800000> : vector<2048xf32>
    %reduce_max3A_345 = vector.multi_reduction <maximumf>, %select_n3A_343, %reduce_max3A_344 [1] : vector<2048x16xf32> to vector<2048xf32>
    %broadcast_in_dim3A_346 = vector.shape_cast %reduce_max3A_345 : vector<2048xf32> to vector<2048x1xf32>
    %eq3A_347 = vector.broadcast %broadcast_in_dim3A_346 : vector<2048x1xf32> to vector<2048x16xf32>
    %eq3A_348 = arith.cmpf oeq, %select_n3A_343, %eq3A_347 : vector<2048x16xf32>
    %jit3A_349 = arith.constant 16 : i32
    %broadcast_in_dim3A_350 = vector.broadcast %jit3A_349 : i32 to vector<2048x16xi32>
    %select_n3A_351 = arith.select %eq3A_348, %iota3A, %broadcast_in_dim3A_350 : vector<2048x16xi1>, vector<2048x16xi32>
    %reduce_min3A_352 = arith.constant dense<2147483647> : vector<2048xi32>
    %reduce_min3A_353 = vector.multi_reduction <minsi>, %select_n3A_351, %reduce_min3A_352 [1] : vector<2048x16xi32> to vector<2048xi32>
    %broadcast_in_dim3A_354 = vector.shape_cast %reduce_min3A_353 : vector<2048xi32> to vector<2048x1xi32>
    %eq3A_355 = vector.broadcast %broadcast_in_dim3A_354 : vector<2048x1xi32> to vector<2048x16xi32>
    %eq3A_356 = arith.cmpi eq, %iota3A, %eq3A_355 : vector<2048x16xi32>
    %jit3A_357 = arith.constant 0xFF800000 : f32
    %broadcast_in_dim3A_358 = vector.broadcast %jit3A_357 : f32 to vector<2048x16xf32>
    %select_n3A_359 = arith.select %eq3A_356, %broadcast_in_dim3A_358, %select_n3A_343 : vector<2048x16xi1>, vector<2048x16xf32>
    %reduce_max3A_360 = arith.constant dense<0xFF800000> : vector<2048xf32>
    %reduce_max3A_361 = vector.multi_reduction <maximumf>, %select_n3A_359, %reduce_max3A_360 [1] : vector<2048x16xf32> to vector<2048xf32>
    %broadcast_in_dim3A_362 = vector.shape_cast %reduce_max3A_361 : vector<2048xf32> to vector<2048x1xf32>
    %eq3A_363 = vector.broadcast %broadcast_in_dim3A_362 : vector<2048x1xf32> to vector<2048x16xf32>
    %eq3A_364 = arith.cmpf oeq, %select_n3A_359, %eq3A_363 : vector<2048x16xf32>
    %jit3A_365 = arith.constant 16 : i32
    %broadcast_in_dim3A_366 = vector.broadcast %jit3A_365 : i32 to vector<2048x16xi32>
    %select_n3A_367 = arith.select %eq3A_364, %iota3A, %broadcast_in_dim3A_366 : vector<2048x16xi1>, vector<2048x16xi32>
    %reduce_min3A_368 = arith.constant dense<2147483647> : vector<2048xi32>
    %reduce_min3A_369 = vector.multi_reduction <minsi>, %select_n3A_367, %reduce_min3A_368 [1] : vector<2048x16xi32> to vector<2048xi32>
    %broadcast_in_dim3A_370 = vector.shape_cast %reduce_min3A_369 : vector<2048xi32> to vector<2048x1xi32>
    %eq3A_371 = vector.broadcast %broadcast_in_dim3A_354 : vector<2048x1xi32> to vector<2048x16xi32>
    %eq3A_372 = arith.cmpi eq, %iota3A, %eq3A_371 : vector<2048x16xi32>
    %eq3A_373 = vector.broadcast %broadcast_in_dim3A_370 : vector<2048x1xi32> to vector<2048x16xi32>
    %eq3A_374 = arith.cmpi eq, %iota3A, %eq3A_373 : vector<2048x16xi32>
    %jit3A_375 = arith.constant 0.000000e+00 : f32
    %broadcast_in_dim3A_376 = vector.broadcast %jit3A_375 : f32 to vector<2048x16xf32>
    %select_n3A_377 = arith.select %eq3A_372, %get3A_1, %broadcast_in_dim3A_376 : vector<2048x16xi1>, vector<2048x16xf32>
    %reduce_sum3A = arith.constant dense<0.000000e+00> : vector<2048xf32>
    %reduce_sum3A_378 = vector.multi_reduction <add>, %select_n3A_377, %reduce_sum3A [1] : vector<2048x16xf32> to vector<2048xf32>
    %broadcast_in_dim3A_379 = vector.shape_cast %reduce_sum3A_378 : vector<2048xf32> to vector<2048x1xf32>
    %jit3A_380 = arith.constant 0.000000e+00 : f32
    %broadcast_in_dim3A_381 = vector.broadcast %jit3A_380 : f32 to vector<2048x16xf32>
    %select_n3A_382 = arith.select %eq3A_374, %get3A_1, %broadcast_in_dim3A_381 : vector<2048x16xi1>, vector<2048x16xf32>
    %reduce_sum3A_383 = arith.constant dense<0.000000e+00> : vector<2048xf32>
    %reduce_sum3A_384 = vector.multi_reduction <add>, %select_n3A_382, %reduce_sum3A_383 [1] : vector<2048x16xf32> to vector<2048xf32>
    %broadcast_in_dim3A_385 = vector.shape_cast %reduce_sum3A_384 : vector<2048xf32> to vector<2048x1xf32>
    %add3A_386 = arith.addf %broadcast_in_dim3A_379, %broadcast_in_dim3A_385 : vector<2048x1xf32>
    %add3A_387 = arith.constant 9.99999968E-21 : f32
    %add3A_388 = vector.broadcast %add3A_387 : f32 to vector<2048x1xf32>
    %add3A_389 = arith.addf %add3A_386, %add3A_388 : vector<2048x1xf32>
    %div3A_390 = arith.divf %broadcast_in_dim3A_379, %add3A_389 : vector<2048x1xf32>
    %mul3A = arith.constant 2.500000e+00 : f32
    %mul3A_391 = vector.broadcast %mul3A : f32 to vector<2048x1xf32>
    %mul3A_392 = arith.mulf %div3A_390, %mul3A_391 : vector<2048x1xf32>
    %div3A_393 = arith.divf %broadcast_in_dim3A_385, %add3A_389 : vector<2048x1xf32>
    %mul3A_394 = arith.constant 2.500000e+00 : f32
    %mul3A_395 = vector.broadcast %mul3A_394 : f32 to vector<2048x1xf32>
    %mul3A_396 = arith.mulf %div3A_393, %mul3A_395 : vector<2048x1xf32>
    %convert_element_type3A = arith.extui %eq3A_372 : vector<2048x16xi1> to vector<2048x16xi32>
    %convert_element_type3A_397 = arith.sitofp %convert_element_type3A : vector<2048x16xi32> to vector<2048x16xf32>
    %convert_element_type3A_398 = arith.extui %eq3A_374 : vector<2048x16xi1> to vector<2048x16xi32>
    %convert_element_type3A_399 = arith.sitofp %convert_element_type3A_398 : vector<2048x16xi32> to vector<2048x16xf32>
    %iota3A_400 = tpu.iota {dimensions = array<i32: 0>} : vector<128x128xi32>
    %iota3A_401 = tpu.iota {dimensions = array<i32: 1>} : vector<128x128xi32>
    %gt3A = arith.cmpi sgt, %iota3A_400, %iota3A_401 : vector<128x128xi32>
    %convert_element_type3A_402 = arith.extui %gt3A : vector<128x128xi1> to vector<128x128xi32>
    %convert_element_type3A_403 = arith.sitofp %convert_element_type3A_402 : vector<128x128xi32> to vector<128x128xf32>
    %broadcast_in_dim3A_404 = arith.constant 0.000000e+00 : f32
    %broadcast_in_dim3A_405 = vector.broadcast %broadcast_in_dim3A_404 : f32 to vector<1x16xf32>
    %slice3A = vector.extract_strided_slice %convert_element_type3A_397 {offsets = [0, 0], sizes = [128, 16], strides = [1, 1]} : vector<2048x16xf32> to vector<128x16xf32>
    %dot_general3A = arith.constant dense<0.000000e+00> : vector<128x16xf32>
    %dot_general3A_406 = tpu.matmul %convert_element_type3A_403, %slice3A, %dot_general3A {dimension_numbers = #tpu.dot_dimension_numbers<[1], [0], [0], [1], [0, 0, 1, 1], [], []>, transpose_lhs_hint = false} : vector<128x128xf32>, vector<128x16xf32>, vector<128x16xf32> -> vector<128x16xf32>
    %add3A_407 = vector.broadcast %broadcast_in_dim3A_405 : vector<1x16xf32> to vector<128x16xf32>
    %add3A_408 = arith.addf %dot_general3A_406, %add3A_407 : vector<128x16xf32>
    %reduce_sum3A_409 = arith.constant dense<0.000000e+00> : vector<16xf32>
    %reduce_sum3A_410 = vector.multi_reduction <add>, %slice3A, %reduce_sum3A_409 [0] : vector<128x16xf32> to vector<16xf32>
    %broadcast_in_dim3A_411 = vector.shape_cast %reduce_sum3A_410 : vector<16xf32> to vector<1x16xf32>
    %add3A_412 = arith.addf %broadcast_in_dim3A_405, %broadcast_in_dim3A_411 : vector<1x16xf32>
    %slice3A_413 = vector.extract_strided_slice %convert_element_type3A_397 {offsets = [128, 0], sizes = [128, 16], strides = [1, 1]} : vector<2048x16xf32> to vector<128x16xf32>
    %dot_general3A_414 = arith.constant dense<0.000000e+00> : vector<128x16xf32>
    %dot_general3A_415 = tpu.matmul %convert_element_type3A_403, %slice3A_413, %dot_general3A_414 {dimension_numbers = #tpu.dot_dimension_numbers<[1], [0], [0], [1], [0, 0, 1, 1], [], []>, transpose_lhs_hint = false} : vector<128x128xf32>, vector<128x16xf32>, vector<128x16xf32> -> vector<128x16xf32>
    %add3A_416 = vector.broadcast %add3A_412 : vector<1x16xf32> to vector<128x16xf32>
    %add3A_417 = arith.addf %dot_general3A_415, %add3A_416 : vector<128x16xf32>
    %reduce_sum3A_418 = arith.constant dense<0.000000e+00> : vector<16xf32>
    %reduce_sum3A_419 = vector.multi_reduction <add>, %slice3A_413, %reduce_sum3A_418 [0] : vector<128x16xf32> to vector<16xf32>
    %broadcast_in_dim3A_420 = vector.shape_cast %reduce_sum3A_419 : vector<16xf32> to vector<1x16xf32>
    %add3A_421 = arith.addf %add3A_412, %broadcast_in_dim3A_420 : vector<1x16xf32>
    %slice3A_422 = vector.extract_strided_slice %convert_element_type3A_397 {offsets = [256, 0], sizes = [128, 16], strides = [1, 1]} : vector<2048x16xf32> to vector<128x16xf32>
    %dot_general3A_423 = arith.constant dense<0.000000e+00> : vector<128x16xf32>
    %dot_general3A_424 = tpu.matmul %convert_element_type3A_403, %slice3A_422, %dot_general3A_423 {dimension_numbers = #tpu.dot_dimension_numbers<[1], [0], [0], [1], [0, 0, 1, 1], [], []>, transpose_lhs_hint = false} : vector<128x128xf32>, vector<128x16xf32>, vector<128x16xf32> -> vector<128x16xf32>
    %add3A_425 = vector.broadcast %add3A_421 : vector<1x16xf32> to vector<128x16xf32>
    %add3A_426 = arith.addf %dot_general3A_424, %add3A_425 : vector<128x16xf32>
    %reduce_sum3A_427 = arith.constant dense<0.000000e+00> : vector<16xf32>
    %reduce_sum3A_428 = vector.multi_reduction <add>, %slice3A_422, %reduce_sum3A_427 [0] : vector<128x16xf32> to vector<16xf32>
    %broadcast_in_dim3A_429 = vector.shape_cast %reduce_sum3A_428 : vector<16xf32> to vector<1x16xf32>
    %add3A_430 = arith.addf %add3A_421, %broadcast_in_dim3A_429 : vector<1x16xf32>
    %slice3A_431 = vector.extract_strided_slice %convert_element_type3A_397 {offsets = [384, 0], sizes = [128, 16], strides = [1, 1]} : vector<2048x16xf32> to vector<128x16xf32>
    %dot_general3A_432 = arith.constant dense<0.000000e+00> : vector<128x16xf32>
    %dot_general3A_433 = tpu.matmul %convert_element_type3A_403, %slice3A_431, %dot_general3A_432 {dimension_numbers = #tpu.dot_dimension_numbers<[1], [0], [0], [1], [0, 0, 1, 1], [], []>, transpose_lhs_hint = false} : vector<128x128xf32>, vector<128x16xf32>, vector<128x16xf32> -> vector<128x16xf32>
    %add3A_434 = vector.broadcast %add3A_430 : vector<1x16xf32> to vector<128x16xf32>
    %add3A_435 = arith.addf %dot_general3A_433, %add3A_434 : vector<128x16xf32>
    %reduce_sum3A_436 = arith.constant dense<0.000000e+00> : vector<16xf32>
    %reduce_sum3A_437 = vector.multi_reduction <add>, %slice3A_431, %reduce_sum3A_436 [0] : vector<128x16xf32> to vector<16xf32>
    %broadcast_in_dim3A_438 = vector.shape_cast %reduce_sum3A_437 : vector<16xf32> to vector<1x16xf32>
    %add3A_439 = arith.addf %add3A_430, %broadcast_in_dim3A_438 : vector<1x16xf32>
    %slice3A_440 = vector.extract_strided_slice %convert_element_type3A_397 {offsets = [512, 0], sizes = [128, 16], strides = [1, 1]} : vector<2048x16xf32> to vector<128x16xf32>
    %dot_general3A_441 = arith.constant dense<0.000000e+00> : vector<128x16xf32>
    %dot_general3A_442 = tpu.matmul %convert_element_type3A_403, %slice3A_440, %dot_general3A_441 {dimension_numbers = #tpu.dot_dimension_numbers<[1], [0], [0], [1], [0, 0, 1, 1], [], []>, transpose_lhs_hint = false} : vector<128x128xf32>, vector<128x16xf32>, vector<128x16xf32> -> vector<128x16xf32>
    %add3A_443 = vector.broadcast %add3A_439 : vector<1x16xf32> to vector<128x16xf32>
    %add3A_444 = arith.addf %dot_general3A_442, %add3A_443 : vector<128x16xf32>
    %reduce_sum3A_445 = arith.constant dense<0.000000e+00> : vector<16xf32>
    %reduce_sum3A_446 = vector.multi_reduction <add>, %slice3A_440, %reduce_sum3A_445 [0] : vector<128x16xf32> to vector<16xf32>
    %broadcast_in_dim3A_447 = vector.shape_cast %reduce_sum3A_446 : vector<16xf32> to vector<1x16xf32>
    %add3A_448 = arith.addf %add3A_439, %broadcast_in_dim3A_447 : vector<1x16xf32>
    %slice3A_449 = vector.extract_strided_slice %convert_element_type3A_397 {offsets = [640, 0], sizes = [128, 16], strides = [1, 1]} : vector<2048x16xf32> to vector<128x16xf32>
    %dot_general3A_450 = arith.constant dense<0.000000e+00> : vector<128x16xf32>
    %dot_general3A_451 = tpu.matmul %convert_element_type3A_403, %slice3A_449, %dot_general3A_450 {dimension_numbers = #tpu.dot_dimension_numbers<[1], [0], [0], [1], [0, 0, 1, 1], [], []>, transpose_lhs_hint = false} : vector<128x128xf32>, vector<128x16xf32>, vector<128x16xf32> -> vector<128x16xf32>
    %add3A_452 = vector.broadcast %add3A_448 : vector<1x16xf32> to vector<128x16xf32>
    %add3A_453 = arith.addf %dot_general3A_451, %add3A_452 : vector<128x16xf32>
    %reduce_sum3A_454 = arith.constant dense<0.000000e+00> : vector<16xf32>
    %reduce_sum3A_455 = vector.multi_reduction <add>, %slice3A_449, %reduce_sum3A_454 [0] : vector<128x16xf32> to vector<16xf32>
    %broadcast_in_dim3A_456 = vector.shape_cast %reduce_sum3A_455 : vector<16xf32> to vector<1x16xf32>
    %add3A_457 = arith.addf %add3A_448, %broadcast_in_dim3A_456 : vector<1x16xf32>
    %slice3A_458 = vector.extract_strided_slice %convert_element_type3A_397 {offsets = [768, 0], sizes = [128, 16], strides = [1, 1]} : vector<2048x16xf32> to vector<128x16xf32>
    %dot_general3A_459 = arith.constant dense<0.000000e+00> : vector<128x16xf32>
    %dot_general3A_460 = tpu.matmul %convert_element_type3A_403, %slice3A_458, %dot_general3A_459 {dimension_numbers = #tpu.dot_dimension_numbers<[1], [0], [0], [1], [0, 0, 1, 1], [], []>, transpose_lhs_hint = false} : vector<128x128xf32>, vector<128x16xf32>, vector<128x16xf32> -> vector<128x16xf32>
    %add3A_461 = vector.broadcast %add3A_457 : vector<1x16xf32> to vector<128x16xf32>
    %add3A_462 = arith.addf %dot_general3A_460, %add3A_461 : vector<128x16xf32>
    %reduce_sum3A_463 = arith.constant dense<0.000000e+00> : vector<16xf32>
    %reduce_sum3A_464 = vector.multi_reduction <add>, %slice3A_458, %reduce_sum3A_463 [0] : vector<128x16xf32> to vector<16xf32>
    %broadcast_in_dim3A_465 = vector.shape_cast %reduce_sum3A_464 : vector<16xf32> to vector<1x16xf32>
    %add3A_466 = arith.addf %add3A_457, %broadcast_in_dim3A_465 : vector<1x16xf32>
    %slice3A_467 = vector.extract_strided_slice %convert_element_type3A_397 {offsets = [896, 0], sizes = [128, 16], strides = [1, 1]} : vector<2048x16xf32> to vector<128x16xf32>
    %dot_general3A_468 = arith.constant dense<0.000000e+00> : vector<128x16xf32>
    %dot_general3A_469 = tpu.matmul %convert_element_type3A_403, %slice3A_467, %dot_general3A_468 {dimension_numbers = #tpu.dot_dimension_numbers<[1], [0], [0], [1], [0, 0, 1, 1], [], []>, transpose_lhs_hint = false} : vector<128x128xf32>, vector<128x16xf32>, vector<128x16xf32> -> vector<128x16xf32>
    %add3A_470 = vector.broadcast %add3A_466 : vector<1x16xf32> to vector<128x16xf32>
    %add3A_471 = arith.addf %dot_general3A_469, %add3A_470 : vector<128x16xf32>
    %reduce_sum3A_472 = arith.constant dense<0.000000e+00> : vector<16xf32>
    %reduce_sum3A_473 = vector.multi_reduction <add>, %slice3A_467, %reduce_sum3A_472 [0] : vector<128x16xf32> to vector<16xf32>
    %broadcast_in_dim3A_474 = vector.shape_cast %reduce_sum3A_473 : vector<16xf32> to vector<1x16xf32>
    %add3A_475 = arith.addf %add3A_466, %broadcast_in_dim3A_474 : vector<1x16xf32>
    %slice3A_476 = vector.extract_strided_slice %convert_element_type3A_397 {offsets = [1024, 0], sizes = [128, 16], strides = [1, 1]} : vector<2048x16xf32> to vector<128x16xf32>
    %dot_general3A_477 = arith.constant dense<0.000000e+00> : vector<128x16xf32>
    %dot_general3A_478 = tpu.matmul %convert_element_type3A_403, %slice3A_476, %dot_general3A_477 {dimension_numbers = #tpu.dot_dimension_numbers<[1], [0], [0], [1], [0, 0, 1, 1], [], []>, transpose_lhs_hint = false} : vector<128x128xf32>, vector<128x16xf32>, vector<128x16xf32> -> vector<128x16xf32>
    %add3A_479 = vector.broadcast %add3A_475 : vector<1x16xf32> to vector<128x16xf32>
    %add3A_480 = arith.addf %dot_general3A_478, %add3A_479 : vector<128x16xf32>
    %reduce_sum3A_481 = arith.constant dense<0.000000e+00> : vector<16xf32>
    %reduce_sum3A_482 = vector.multi_reduction <add>, %slice3A_476, %reduce_sum3A_481 [0] : vector<128x16xf32> to vector<16xf32>
    %broadcast_in_dim3A_483 = vector.shape_cast %reduce_sum3A_482 : vector<16xf32> to vector<1x16xf32>
    %add3A_484 = arith.addf %add3A_475, %broadcast_in_dim3A_483 : vector<1x16xf32>
    %slice3A_485 = vector.extract_strided_slice %convert_element_type3A_397 {offsets = [1152, 0], sizes = [128, 16], strides = [1, 1]} : vector<2048x16xf32> to vector<128x16xf32>
    %dot_general3A_486 = arith.constant dense<0.000000e+00> : vector<128x16xf32>
    %dot_general3A_487 = tpu.matmul %convert_element_type3A_403, %slice3A_485, %dot_general3A_486 {dimension_numbers = #tpu.dot_dimension_numbers<[1], [0], [0], [1], [0, 0, 1, 1], [], []>, transpose_lhs_hint = false} : vector<128x128xf32>, vector<128x16xf32>, vector<128x16xf32> -> vector<128x16xf32>
    %add3A_488 = vector.broadcast %add3A_484 : vector<1x16xf32> to vector<128x16xf32>
    %add3A_489 = arith.addf %dot_general3A_487, %add3A_488 : vector<128x16xf32>
    %reduce_sum3A_490 = arith.constant dense<0.000000e+00> : vector<16xf32>
    %reduce_sum3A_491 = vector.multi_reduction <add>, %slice3A_485, %reduce_sum3A_490 [0] : vector<128x16xf32> to vector<16xf32>
    %broadcast_in_dim3A_492 = vector.shape_cast %reduce_sum3A_491 : vector<16xf32> to vector<1x16xf32>
    %add3A_493 = arith.addf %add3A_484, %broadcast_in_dim3A_492 : vector<1x16xf32>
    %slice3A_494 = vector.extract_strided_slice %convert_element_type3A_397 {offsets = [1280, 0], sizes = [128, 16], strides = [1, 1]} : vector<2048x16xf32> to vector<128x16xf32>
    %dot_general3A_495 = arith.constant dense<0.000000e+00> : vector<128x16xf32>
    %dot_general3A_496 = tpu.matmul %convert_element_type3A_403, %slice3A_494, %dot_general3A_495 {dimension_numbers = #tpu.dot_dimension_numbers<[1], [0], [0], [1], [0, 0, 1, 1], [], []>, transpose_lhs_hint = false} : vector<128x128xf32>, vector<128x16xf32>, vector<128x16xf32> -> vector<128x16xf32>
    %add3A_497 = vector.broadcast %add3A_493 : vector<1x16xf32> to vector<128x16xf32>
    %add3A_498 = arith.addf %dot_general3A_496, %add3A_497 : vector<128x16xf32>
    %reduce_sum3A_499 = arith.constant dense<0.000000e+00> : vector<16xf32>
    %reduce_sum3A_500 = vector.multi_reduction <add>, %slice3A_494, %reduce_sum3A_499 [0] : vector<128x16xf32> to vector<16xf32>
    %broadcast_in_dim3A_501 = vector.shape_cast %reduce_sum3A_500 : vector<16xf32> to vector<1x16xf32>
    %add3A_502 = arith.addf %add3A_493, %broadcast_in_dim3A_501 : vector<1x16xf32>
    %slice3A_503 = vector.extract_strided_slice %convert_element_type3A_397 {offsets = [1408, 0], sizes = [128, 16], strides = [1, 1]} : vector<2048x16xf32> to vector<128x16xf32>
    %dot_general3A_504 = arith.constant dense<0.000000e+00> : vector<128x16xf32>
    %dot_general3A_505 = tpu.matmul %convert_element_type3A_403, %slice3A_503, %dot_general3A_504 {dimension_numbers = #tpu.dot_dimension_numbers<[1], [0], [0], [1], [0, 0, 1, 1], [], []>, transpose_lhs_hint = false} : vector<128x128xf32>, vector<128x16xf32>, vector<128x16xf32> -> vector<128x16xf32>
    %add3A_506 = vector.broadcast %add3A_502 : vector<1x16xf32> to vector<128x16xf32>
    %add3A_507 = arith.addf %dot_general3A_505, %add3A_506 : vector<128x16xf32>
    %reduce_sum3A_508 = arith.constant dense<0.000000e+00> : vector<16xf32>
    %reduce_sum3A_509 = vector.multi_reduction <add>, %slice3A_503, %reduce_sum3A_508 [0] : vector<128x16xf32> to vector<16xf32>
    %broadcast_in_dim3A_510 = vector.shape_cast %reduce_sum3A_509 : vector<16xf32> to vector<1x16xf32>
    %add3A_511 = arith.addf %add3A_502, %broadcast_in_dim3A_510 : vector<1x16xf32>
    %slice3A_512 = vector.extract_strided_slice %convert_element_type3A_397 {offsets = [1536, 0], sizes = [128, 16], strides = [1, 1]} : vector<2048x16xf32> to vector<128x16xf32>
    %dot_general3A_513 = arith.constant dense<0.000000e+00> : vector<128x16xf32>
    %dot_general3A_514 = tpu.matmul %convert_element_type3A_403, %slice3A_512, %dot_general3A_513 {dimension_numbers = #tpu.dot_dimension_numbers<[1], [0], [0], [1], [0, 0, 1, 1], [], []>, transpose_lhs_hint = false} : vector<128x128xf32>, vector<128x16xf32>, vector<128x16xf32> -> vector<128x16xf32>
    %add3A_515 = vector.broadcast %add3A_511 : vector<1x16xf32> to vector<128x16xf32>
    %add3A_516 = arith.addf %dot_general3A_514, %add3A_515 : vector<128x16xf32>
    %reduce_sum3A_517 = arith.constant dense<0.000000e+00> : vector<16xf32>
    %reduce_sum3A_518 = vector.multi_reduction <add>, %slice3A_512, %reduce_sum3A_517 [0] : vector<128x16xf32> to vector<16xf32>
    %broadcast_in_dim3A_519 = vector.shape_cast %reduce_sum3A_518 : vector<16xf32> to vector<1x16xf32>
    %add3A_520 = arith.addf %add3A_511, %broadcast_in_dim3A_519 : vector<1x16xf32>
    %slice3A_521 = vector.extract_strided_slice %convert_element_type3A_397 {offsets = [1664, 0], sizes = [128, 16], strides = [1, 1]} : vector<2048x16xf32> to vector<128x16xf32>
    %dot_general3A_522 = arith.constant dense<0.000000e+00> : vector<128x16xf32>
    %dot_general3A_523 = tpu.matmul %convert_element_type3A_403, %slice3A_521, %dot_general3A_522 {dimension_numbers = #tpu.dot_dimension_numbers<[1], [0], [0], [1], [0, 0, 1, 1], [], []>, transpose_lhs_hint = false} : vector<128x128xf32>, vector<128x16xf32>, vector<128x16xf32> -> vector<128x16xf32>
    %add3A_524 = vector.broadcast %add3A_520 : vector<1x16xf32> to vector<128x16xf32>
    %add3A_525 = arith.addf %dot_general3A_523, %add3A_524 : vector<128x16xf32>
    %reduce_sum3A_526 = arith.constant dense<0.000000e+00> : vector<16xf32>
    %reduce_sum3A_527 = vector.multi_reduction <add>, %slice3A_521, %reduce_sum3A_526 [0] : vector<128x16xf32> to vector<16xf32>
    %broadcast_in_dim3A_528 = vector.shape_cast %reduce_sum3A_527 : vector<16xf32> to vector<1x16xf32>
    %add3A_529 = arith.addf %add3A_520, %broadcast_in_dim3A_528 : vector<1x16xf32>
    %slice3A_530 = vector.extract_strided_slice %convert_element_type3A_397 {offsets = [1792, 0], sizes = [128, 16], strides = [1, 1]} : vector<2048x16xf32> to vector<128x16xf32>
    %dot_general3A_531 = arith.constant dense<0.000000e+00> : vector<128x16xf32>
    %dot_general3A_532 = tpu.matmul %convert_element_type3A_403, %slice3A_530, %dot_general3A_531 {dimension_numbers = #tpu.dot_dimension_numbers<[1], [0], [0], [1], [0, 0, 1, 1], [], []>, transpose_lhs_hint = false} : vector<128x128xf32>, vector<128x16xf32>, vector<128x16xf32> -> vector<128x16xf32>
    %add3A_533 = vector.broadcast %add3A_529 : vector<1x16xf32> to vector<128x16xf32>
    %add3A_534 = arith.addf %dot_general3A_532, %add3A_533 : vector<128x16xf32>
    %reduce_sum3A_535 = arith.constant dense<0.000000e+00> : vector<16xf32>
    %reduce_sum3A_536 = vector.multi_reduction <add>, %slice3A_530, %reduce_sum3A_535 [0] : vector<128x16xf32> to vector<16xf32>
    %broadcast_in_dim3A_537 = vector.shape_cast %reduce_sum3A_536 : vector<16xf32> to vector<1x16xf32>
    %add3A_538 = arith.addf %add3A_529, %broadcast_in_dim3A_537 : vector<1x16xf32>
    %slice3A_539 = vector.extract_strided_slice %convert_element_type3A_397 {offsets = [1920, 0], sizes = [128, 16], strides = [1, 1]} : vector<2048x16xf32> to vector<128x16xf32>
    %dot_general3A_540 = arith.constant dense<0.000000e+00> : vector<128x16xf32>
    %dot_general3A_541 = tpu.matmul %convert_element_type3A_403, %slice3A_539, %dot_general3A_540 {dimension_numbers = #tpu.dot_dimension_numbers<[1], [0], [0], [1], [0, 0, 1, 1], [], []>, transpose_lhs_hint = false} : vector<128x128xf32>, vector<128x16xf32>, vector<128x16xf32> -> vector<128x16xf32>
    %add3A_542 = vector.broadcast %add3A_538 : vector<1x16xf32> to vector<128x16xf32>
    %add3A_543 = arith.addf %dot_general3A_541, %add3A_542 : vector<128x16xf32>
    %reduce_sum3A_544 = arith.constant dense<0.000000e+00> : vector<16xf32>
    %reduce_sum3A_545 = vector.multi_reduction <add>, %slice3A_539, %reduce_sum3A_544 [0] : vector<128x16xf32> to vector<16xf32>
    %broadcast_in_dim3A_546 = vector.shape_cast %reduce_sum3A_545 : vector<16xf32> to vector<1x16xf32>
    %add3A_547 = arith.addf %add3A_538, %broadcast_in_dim3A_546 : vector<1x16xf32>
    %concatenate3A = tpu.concatenate %add3A_408, %add3A_417, %add3A_426, %add3A_435, %add3A_444, %add3A_453, %add3A_462, %add3A_471, %add3A_480, %add3A_489, %add3A_498, %add3A_507, %add3A_516, %add3A_525, %add3A_534, %add3A_543 in 0 : vector<128x16xf32>, vector<128x16xf32>, vector<128x16xf32>, vector<128x16xf32>, vector<128x16xf32>, vector<128x16xf32>, vector<128x16xf32>, vector<128x16xf32>, vector<128x16xf32>, vector<128x16xf32>, vector<128x16xf32>, vector<128x16xf32>, vector<128x16xf32>, vector<128x16xf32>, vector<128x16xf32>, vector<128x16xf32> -> vector<2048x16xf32>
    %slice3A_548 = vector.extract_strided_slice %convert_element_type3A_399 {offsets = [0, 0], sizes = [128, 16], strides = [1, 1]} : vector<2048x16xf32> to vector<128x16xf32>
    %dot_general3A_549 = arith.constant dense<0.000000e+00> : vector<128x16xf32>
    %dot_general3A_550 = tpu.matmul %convert_element_type3A_403, %slice3A_548, %dot_general3A_549 {dimension_numbers = #tpu.dot_dimension_numbers<[1], [0], [0], [1], [0, 0, 1, 1], [], []>, transpose_lhs_hint = false} : vector<128x128xf32>, vector<128x16xf32>, vector<128x16xf32> -> vector<128x16xf32>
    %add3A_551 = vector.broadcast %add3A_547 : vector<1x16xf32> to vector<128x16xf32>
    %add3A_552 = arith.addf %dot_general3A_550, %add3A_551 : vector<128x16xf32>
    %reduce_sum3A_553 = arith.constant dense<0.000000e+00> : vector<16xf32>
    %reduce_sum3A_554 = vector.multi_reduction <add>, %slice3A_548, %reduce_sum3A_553 [0] : vector<128x16xf32> to vector<16xf32>
    %broadcast_in_dim3A_555 = vector.shape_cast %reduce_sum3A_554 : vector<16xf32> to vector<1x16xf32>
    %add3A_556 = arith.addf %add3A_547, %broadcast_in_dim3A_555 : vector<1x16xf32>
    %slice3A_557 = vector.extract_strided_slice %convert_element_type3A_399 {offsets = [128, 0], sizes = [128, 16], strides = [1, 1]} : vector<2048x16xf32> to vector<128x16xf32>
    %dot_general3A_558 = arith.constant dense<0.000000e+00> : vector<128x16xf32>
    %dot_general3A_559 = tpu.matmul %convert_element_type3A_403, %slice3A_557, %dot_general3A_558 {dimension_numbers = #tpu.dot_dimension_numbers<[1], [0], [0], [1], [0, 0, 1, 1], [], []>, transpose_lhs_hint = false} : vector<128x128xf32>, vector<128x16xf32>, vector<128x16xf32> -> vector<128x16xf32>
    %add3A_560 = vector.broadcast %add3A_556 : vector<1x16xf32> to vector<128x16xf32>
    %add3A_561 = arith.addf %dot_general3A_559, %add3A_560 : vector<128x16xf32>
    %reduce_sum3A_562 = arith.constant dense<0.000000e+00> : vector<16xf32>
    %reduce_sum3A_563 = vector.multi_reduction <add>, %slice3A_557, %reduce_sum3A_562 [0] : vector<128x16xf32> to vector<16xf32>
    %broadcast_in_dim3A_564 = vector.shape_cast %reduce_sum3A_563 : vector<16xf32> to vector<1x16xf32>
    %add3A_565 = arith.addf %add3A_556, %broadcast_in_dim3A_564 : vector<1x16xf32>
    %slice3A_566 = vector.extract_strided_slice %convert_element_type3A_399 {offsets = [256, 0], sizes = [128, 16], strides = [1, 1]} : vector<2048x16xf32> to vector<128x16xf32>
    %dot_general3A_567 = arith.constant dense<0.000000e+00> : vector<128x16xf32>
    %dot_general3A_568 = tpu.matmul %convert_element_type3A_403, %slice3A_566, %dot_general3A_567 {dimension_numbers = #tpu.dot_dimension_numbers<[1], [0], [0], [1], [0, 0, 1, 1], [], []>, transpose_lhs_hint = false} : vector<128x128xf32>, vector<128x16xf32>, vector<128x16xf32> -> vector<128x16xf32>
    %add3A_569 = vector.broadcast %add3A_565 : vector<1x16xf32> to vector<128x16xf32>
    %add3A_570 = arith.addf %dot_general3A_568, %add3A_569 : vector<128x16xf32>
    %reduce_sum3A_571 = arith.constant dense<0.000000e+00> : vector<16xf32>
    %reduce_sum3A_572 = vector.multi_reduction <add>, %slice3A_566, %reduce_sum3A_571 [0] : vector<128x16xf32> to vector<16xf32>
    %broadcast_in_dim3A_573 = vector.shape_cast %reduce_sum3A_572 : vector<16xf32> to vector<1x16xf32>
    %add3A_574 = arith.addf %add3A_565, %broadcast_in_dim3A_573 : vector<1x16xf32>
    %slice3A_575 = vector.extract_strided_slice %convert_element_type3A_399 {offsets = [384, 0], sizes = [128, 16], strides = [1, 1]} : vector<2048x16xf32> to vector<128x16xf32>
    %dot_general3A_576 = arith.constant dense<0.000000e+00> : vector<128x16xf32>
    %dot_general3A_577 = tpu.matmul %convert_element_type3A_403, %slice3A_575, %dot_general3A_576 {dimension_numbers = #tpu.dot_dimension_numbers<[1], [0], [0], [1], [0, 0, 1, 1], [], []>, transpose_lhs_hint = false} : vector<128x128xf32>, vector<128x16xf32>, vector<128x16xf32> -> vector<128x16xf32>
    %add3A_578 = vector.broadcast %add3A_574 : vector<1x16xf32> to vector<128x16xf32>
    %add3A_579 = arith.addf %dot_general3A_577, %add3A_578 : vector<128x16xf32>
    %reduce_sum3A_580 = arith.constant dense<0.000000e+00> : vector<16xf32>
    %reduce_sum3A_581 = vector.multi_reduction <add>, %slice3A_575, %reduce_sum3A_580 [0] : vector<128x16xf32> to vector<16xf32>
    %broadcast_in_dim3A_582 = vector.shape_cast %reduce_sum3A_581 : vector<16xf32> to vector<1x16xf32>
    %add3A_583 = arith.addf %add3A_574, %broadcast_in_dim3A_582 : vector<1x16xf32>
    %slice3A_584 = vector.extract_strided_slice %convert_element_type3A_399 {offsets = [512, 0], sizes = [128, 16], strides = [1, 1]} : vector<2048x16xf32> to vector<128x16xf32>
    %dot_general3A_585 = arith.constant dense<0.000000e+00> : vector<128x16xf32>
    %dot_general3A_586 = tpu.matmul %convert_element_type3A_403, %slice3A_584, %dot_general3A_585 {dimension_numbers = #tpu.dot_dimension_numbers<[1], [0], [0], [1], [0, 0, 1, 1], [], []>, transpose_lhs_hint = false} : vector<128x128xf32>, vector<128x16xf32>, vector<128x16xf32> -> vector<128x16xf32>
    %add3A_587 = vector.broadcast %add3A_583 : vector<1x16xf32> to vector<128x16xf32>
    %add3A_588 = arith.addf %dot_general3A_586, %add3A_587 : vector<128x16xf32>
    %reduce_sum3A_589 = arith.constant dense<0.000000e+00> : vector<16xf32>
    %reduce_sum3A_590 = vector.multi_reduction <add>, %slice3A_584, %reduce_sum3A_589 [0] : vector<128x16xf32> to vector<16xf32>
    %broadcast_in_dim3A_591 = vector.shape_cast %reduce_sum3A_590 : vector<16xf32> to vector<1x16xf32>
    %add3A_592 = arith.addf %add3A_583, %broadcast_in_dim3A_591 : vector<1x16xf32>
    %slice3A_593 = vector.extract_strided_slice %convert_element_type3A_399 {offsets = [640, 0], sizes = [128, 16], strides = [1, 1]} : vector<2048x16xf32> to vector<128x16xf32>
    %dot_general3A_594 = arith.constant dense<0.000000e+00> : vector<128x16xf32>
    %dot_general3A_595 = tpu.matmul %convert_element_type3A_403, %slice3A_593, %dot_general3A_594 {dimension_numbers = #tpu.dot_dimension_numbers<[1], [0], [0], [1], [0, 0, 1, 1], [], []>, transpose_lhs_hint = false} : vector<128x128xf32>, vector<128x16xf32>, vector<128x16xf32> -> vector<128x16xf32>
    %add3A_596 = vector.broadcast %add3A_592 : vector<1x16xf32> to vector<128x16xf32>
    %add3A_597 = arith.addf %dot_general3A_595, %add3A_596 : vector<128x16xf32>
    %reduce_sum3A_598 = arith.constant dense<0.000000e+00> : vector<16xf32>
    %reduce_sum3A_599 = vector.multi_reduction <add>, %slice3A_593, %reduce_sum3A_598 [0] : vector<128x16xf32> to vector<16xf32>
    %broadcast_in_dim3A_600 = vector.shape_cast %reduce_sum3A_599 : vector<16xf32> to vector<1x16xf32>
    %add3A_601 = arith.addf %add3A_592, %broadcast_in_dim3A_600 : vector<1x16xf32>
    %slice3A_602 = vector.extract_strided_slice %convert_element_type3A_399 {offsets = [768, 0], sizes = [128, 16], strides = [1, 1]} : vector<2048x16xf32> to vector<128x16xf32>
    %dot_general3A_603 = arith.constant dense<0.000000e+00> : vector<128x16xf32>
    %dot_general3A_604 = tpu.matmul %convert_element_type3A_403, %slice3A_602, %dot_general3A_603 {dimension_numbers = #tpu.dot_dimension_numbers<[1], [0], [0], [1], [0, 0, 1, 1], [], []>, transpose_lhs_hint = false} : vector<128x128xf32>, vector<128x16xf32>, vector<128x16xf32> -> vector<128x16xf32>
    %add3A_605 = vector.broadcast %add3A_601 : vector<1x16xf32> to vector<128x16xf32>
    %add3A_606 = arith.addf %dot_general3A_604, %add3A_605 : vector<128x16xf32>
    %reduce_sum3A_607 = arith.constant dense<0.000000e+00> : vector<16xf32>
    %reduce_sum3A_608 = vector.multi_reduction <add>, %slice3A_602, %reduce_sum3A_607 [0] : vector<128x16xf32> to vector<16xf32>
    %broadcast_in_dim3A_609 = vector.shape_cast %reduce_sum3A_608 : vector<16xf32> to vector<1x16xf32>
    %add3A_610 = arith.addf %add3A_601, %broadcast_in_dim3A_609 : vector<1x16xf32>
    %slice3A_611 = vector.extract_strided_slice %convert_element_type3A_399 {offsets = [896, 0], sizes = [128, 16], strides = [1, 1]} : vector<2048x16xf32> to vector<128x16xf32>
    %dot_general3A_612 = arith.constant dense<0.000000e+00> : vector<128x16xf32>
    %dot_general3A_613 = tpu.matmul %convert_element_type3A_403, %slice3A_611, %dot_general3A_612 {dimension_numbers = #tpu.dot_dimension_numbers<[1], [0], [0], [1], [0, 0, 1, 1], [], []>, transpose_lhs_hint = false} : vector<128x128xf32>, vector<128x16xf32>, vector<128x16xf32> -> vector<128x16xf32>
    %add3A_614 = vector.broadcast %add3A_610 : vector<1x16xf32> to vector<128x16xf32>
    %add3A_615 = arith.addf %dot_general3A_613, %add3A_614 : vector<128x16xf32>
    %reduce_sum3A_616 = arith.constant dense<0.000000e+00> : vector<16xf32>
    %reduce_sum3A_617 = vector.multi_reduction <add>, %slice3A_611, %reduce_sum3A_616 [0] : vector<128x16xf32> to vector<16xf32>
    %broadcast_in_dim3A_618 = vector.shape_cast %reduce_sum3A_617 : vector<16xf32> to vector<1x16xf32>
    %add3A_619 = arith.addf %add3A_610, %broadcast_in_dim3A_618 : vector<1x16xf32>
    %slice3A_620 = vector.extract_strided_slice %convert_element_type3A_399 {offsets = [1024, 0], sizes = [128, 16], strides = [1, 1]} : vector<2048x16xf32> to vector<128x16xf32>
    %dot_general3A_621 = arith.constant dense<0.000000e+00> : vector<128x16xf32>
    %dot_general3A_622 = tpu.matmul %convert_element_type3A_403, %slice3A_620, %dot_general3A_621 {dimension_numbers = #tpu.dot_dimension_numbers<[1], [0], [0], [1], [0, 0, 1, 1], [], []>, transpose_lhs_hint = false} : vector<128x128xf32>, vector<128x16xf32>, vector<128x16xf32> -> vector<128x16xf32>
    %add3A_623 = vector.broadcast %add3A_619 : vector<1x16xf32> to vector<128x16xf32>
    %add3A_624 = arith.addf %dot_general3A_622, %add3A_623 : vector<128x16xf32>
    %reduce_sum3A_625 = arith.constant dense<0.000000e+00> : vector<16xf32>
    %reduce_sum3A_626 = vector.multi_reduction <add>, %slice3A_620, %reduce_sum3A_625 [0] : vector<128x16xf32> to vector<16xf32>
    %broadcast_in_dim3A_627 = vector.shape_cast %reduce_sum3A_626 : vector<16xf32> to vector<1x16xf32>
    %add3A_628 = arith.addf %add3A_619, %broadcast_in_dim3A_627 : vector<1x16xf32>
    %slice3A_629 = vector.extract_strided_slice %convert_element_type3A_399 {offsets = [1152, 0], sizes = [128, 16], strides = [1, 1]} : vector<2048x16xf32> to vector<128x16xf32>
    %dot_general3A_630 = arith.constant dense<0.000000e+00> : vector<128x16xf32>
    %dot_general3A_631 = tpu.matmul %convert_element_type3A_403, %slice3A_629, %dot_general3A_630 {dimension_numbers = #tpu.dot_dimension_numbers<[1], [0], [0], [1], [0, 0, 1, 1], [], []>, transpose_lhs_hint = false} : vector<128x128xf32>, vector<128x16xf32>, vector<128x16xf32> -> vector<128x16xf32>
    %add3A_632 = vector.broadcast %add3A_628 : vector<1x16xf32> to vector<128x16xf32>
    %add3A_633 = arith.addf %dot_general3A_631, %add3A_632 : vector<128x16xf32>
    %reduce_sum3A_634 = arith.constant dense<0.000000e+00> : vector<16xf32>
    %reduce_sum3A_635 = vector.multi_reduction <add>, %slice3A_629, %reduce_sum3A_634 [0] : vector<128x16xf32> to vector<16xf32>
    %broadcast_in_dim3A_636 = vector.shape_cast %reduce_sum3A_635 : vector<16xf32> to vector<1x16xf32>
    %add3A_637 = arith.addf %add3A_628, %broadcast_in_dim3A_636 : vector<1x16xf32>
    %slice3A_638 = vector.extract_strided_slice %convert_element_type3A_399 {offsets = [1280, 0], sizes = [128, 16], strides = [1, 1]} : vector<2048x16xf32> to vector<128x16xf32>
    %dot_general3A_639 = arith.constant dense<0.000000e+00> : vector<128x16xf32>
    %dot_general3A_640 = tpu.matmul %convert_element_type3A_403, %slice3A_638, %dot_general3A_639 {dimension_numbers = #tpu.dot_dimension_numbers<[1], [0], [0], [1], [0, 0, 1, 1], [], []>, transpose_lhs_hint = false} : vector<128x128xf32>, vector<128x16xf32>, vector<128x16xf32> -> vector<128x16xf32>
    %add3A_641 = vector.broadcast %add3A_637 : vector<1x16xf32> to vector<128x16xf32>
    %add3A_642 = arith.addf %dot_general3A_640, %add3A_641 : vector<128x16xf32>
    %reduce_sum3A_643 = arith.constant dense<0.000000e+00> : vector<16xf32>
    %reduce_sum3A_644 = vector.multi_reduction <add>, %slice3A_638, %reduce_sum3A_643 [0] : vector<128x16xf32> to vector<16xf32>
    %broadcast_in_dim3A_645 = vector.shape_cast %reduce_sum3A_644 : vector<16xf32> to vector<1x16xf32>
    %add3A_646 = arith.addf %add3A_637, %broadcast_in_dim3A_645 : vector<1x16xf32>
    %slice3A_647 = vector.extract_strided_slice %convert_element_type3A_399 {offsets = [1408, 0], sizes = [128, 16], strides = [1, 1]} : vector<2048x16xf32> to vector<128x16xf32>
    %dot_general3A_648 = arith.constant dense<0.000000e+00> : vector<128x16xf32>
    %dot_general3A_649 = tpu.matmul %convert_element_type3A_403, %slice3A_647, %dot_general3A_648 {dimension_numbers = #tpu.dot_dimension_numbers<[1], [0], [0], [1], [0, 0, 1, 1], [], []>, transpose_lhs_hint = false} : vector<128x128xf32>, vector<128x16xf32>, vector<128x16xf32> -> vector<128x16xf32>
    %add3A_650 = vector.broadcast %add3A_646 : vector<1x16xf32> to vector<128x16xf32>
    %add3A_651 = arith.addf %dot_general3A_649, %add3A_650 : vector<128x16xf32>
    %reduce_sum3A_652 = arith.constant dense<0.000000e+00> : vector<16xf32>
    %reduce_sum3A_653 = vector.multi_reduction <add>, %slice3A_647, %reduce_sum3A_652 [0] : vector<128x16xf32> to vector<16xf32>
    %broadcast_in_dim3A_654 = vector.shape_cast %reduce_sum3A_653 : vector<16xf32> to vector<1x16xf32>
    %add3A_655 = arith.addf %add3A_646, %broadcast_in_dim3A_654 : vector<1x16xf32>
    %slice3A_656 = vector.extract_strided_slice %convert_element_type3A_399 {offsets = [1536, 0], sizes = [128, 16], strides = [1, 1]} : vector<2048x16xf32> to vector<128x16xf32>
    %dot_general3A_657 = arith.constant dense<0.000000e+00> : vector<128x16xf32>
    %dot_general3A_658 = tpu.matmul %convert_element_type3A_403, %slice3A_656, %dot_general3A_657 {dimension_numbers = #tpu.dot_dimension_numbers<[1], [0], [0], [1], [0, 0, 1, 1], [], []>, transpose_lhs_hint = false} : vector<128x128xf32>, vector<128x16xf32>, vector<128x16xf32> -> vector<128x16xf32>
    %add3A_659 = vector.broadcast %add3A_655 : vector<1x16xf32> to vector<128x16xf32>
    %add3A_660 = arith.addf %dot_general3A_658, %add3A_659 : vector<128x16xf32>
    %reduce_sum3A_661 = arith.constant dense<0.000000e+00> : vector<16xf32>
    %reduce_sum3A_662 = vector.multi_reduction <add>, %slice3A_656, %reduce_sum3A_661 [0] : vector<128x16xf32> to vector<16xf32>
    %broadcast_in_dim3A_663 = vector.shape_cast %reduce_sum3A_662 : vector<16xf32> to vector<1x16xf32>
    %add3A_664 = arith.addf %add3A_655, %broadcast_in_dim3A_663 : vector<1x16xf32>
    %slice3A_665 = vector.extract_strided_slice %convert_element_type3A_399 {offsets = [1664, 0], sizes = [128, 16], strides = [1, 1]} : vector<2048x16xf32> to vector<128x16xf32>
    %dot_general3A_666 = arith.constant dense<0.000000e+00> : vector<128x16xf32>
    %dot_general3A_667 = tpu.matmul %convert_element_type3A_403, %slice3A_665, %dot_general3A_666 {dimension_numbers = #tpu.dot_dimension_numbers<[1], [0], [0], [1], [0, 0, 1, 1], [], []>, transpose_lhs_hint = false} : vector<128x128xf32>, vector<128x16xf32>, vector<128x16xf32> -> vector<128x16xf32>
    %add3A_668 = vector.broadcast %add3A_664 : vector<1x16xf32> to vector<128x16xf32>
    %add3A_669 = arith.addf %dot_general3A_667, %add3A_668 : vector<128x16xf32>
    %reduce_sum3A_670 = arith.constant dense<0.000000e+00> : vector<16xf32>
    %reduce_sum3A_671 = vector.multi_reduction <add>, %slice3A_665, %reduce_sum3A_670 [0] : vector<128x16xf32> to vector<16xf32>
    %broadcast_in_dim3A_672 = vector.shape_cast %reduce_sum3A_671 : vector<16xf32> to vector<1x16xf32>
    %add3A_673 = arith.addf %add3A_664, %broadcast_in_dim3A_672 : vector<1x16xf32>
    %slice3A_674 = vector.extract_strided_slice %convert_element_type3A_399 {offsets = [1792, 0], sizes = [128, 16], strides = [1, 1]} : vector<2048x16xf32> to vector<128x16xf32>
    %dot_general3A_675 = arith.constant dense<0.000000e+00> : vector<128x16xf32>
    %dot_general3A_676 = tpu.matmul %convert_element_type3A_403, %slice3A_674, %dot_general3A_675 {dimension_numbers = #tpu.dot_dimension_numbers<[1], [0], [0], [1], [0, 0, 1, 1], [], []>, transpose_lhs_hint = false} : vector<128x128xf32>, vector<128x16xf32>, vector<128x16xf32> -> vector<128x16xf32>
    %add3A_677 = vector.broadcast %add3A_673 : vector<1x16xf32> to vector<128x16xf32>
    %add3A_678 = arith.addf %dot_general3A_676, %add3A_677 : vector<128x16xf32>
    %reduce_sum3A_679 = arith.constant dense<0.000000e+00> : vector<16xf32>
    %reduce_sum3A_680 = vector.multi_reduction <add>, %slice3A_674, %reduce_sum3A_679 [0] : vector<128x16xf32> to vector<16xf32>
    %broadcast_in_dim3A_681 = vector.shape_cast %reduce_sum3A_680 : vector<16xf32> to vector<1x16xf32>
    %add3A_682 = arith.addf %add3A_673, %broadcast_in_dim3A_681 : vector<1x16xf32>
    %slice3A_683 = vector.extract_strided_slice %convert_element_type3A_399 {offsets = [1920, 0], sizes = [128, 16], strides = [1, 1]} : vector<2048x16xf32> to vector<128x16xf32>
    %dot_general3A_684 = arith.constant dense<0.000000e+00> : vector<128x16xf32>
    %dot_general3A_685 = tpu.matmul %convert_element_type3A_403, %slice3A_683, %dot_general3A_684 {dimension_numbers = #tpu.dot_dimension_numbers<[1], [0], [0], [1], [0, 0, 1, 1], [], []>, transpose_lhs_hint = false} : vector<128x128xf32>, vector<128x16xf32>, vector<128x16xf32> -> vector<128x16xf32>
    %add3A_686 = vector.broadcast %add3A_682 : vector<1x16xf32> to vector<128x16xf32>
    %add3A_687 = arith.addf %dot_general3A_685, %add3A_686 : vector<128x16xf32>
    %reduce_sum3A_688 = arith.constant dense<0.000000e+00> : vector<16xf32>
    %reduce_sum3A_689 = vector.multi_reduction <add>, %slice3A_683, %reduce_sum3A_688 [0] : vector<128x16xf32> to vector<16xf32>
    %broadcast_in_dim3A_690 = vector.shape_cast %reduce_sum3A_689 : vector<16xf32> to vector<1x16xf32>
    %add3A_691 = arith.addf %add3A_682, %broadcast_in_dim3A_690 : vector<1x16xf32>
    %concatenate3A_692 = tpu.concatenate %add3A_552, %add3A_561, %add3A_570, %add3A_579, %add3A_588, %add3A_597, %add3A_606, %add3A_615, %add3A_624, %add3A_633, %add3A_642, %add3A_651, %add3A_660, %add3A_669, %add3A_678, %add3A_687 in 0 : vector<128x16xf32>, vector<128x16xf32>, vector<128x16xf32>, vector<128x16xf32>, vector<128x16xf32>, vector<128x16xf32>, vector<128x16xf32>, vector<128x16xf32>, vector<128x16xf32>, vector<128x16xf32>, vector<128x16xf32>, vector<128x16xf32>, vector<128x16xf32>, vector<128x16xf32>, vector<128x16xf32>, vector<128x16xf32> -> vector<2048x16xf32>
    %add3A_693 = arith.constant 1.270000e+02 : f32
    %add3A_694 = vector.broadcast %add3A_693 : f32 to vector<1x16xf32>
    %add3A_695 = arith.addf %add3A_691, %add3A_694 : vector<1x16xf32>
    %mul3A_696 = arith.constant 7.812500e-03 : f32
    %mul3A_697 = vector.broadcast %mul3A_696 : f32 to vector<1x16xf32>
    %mul3A_698 = arith.mulf %add3A_695, %mul3A_697 : vector<1x16xf32>
    %floor3A = math.floor %mul3A_698 : vector<1x16xf32>
    %mul3A_699 = arith.constant 1.280000e+02 : f32
    %mul3A_700 = vector.broadcast %mul3A_699 : f32 to vector<1x16xf32>
    %mul3A_701 = arith.mulf %floor3A, %mul3A_700 : vector<1x16xf32>
    %broadcast_in_dim3A_702 = arith.constant 0.000000e+00 : f32
    %broadcast_in_dim3A_703 = vector.broadcast %broadcast_in_dim3A_702 : f32 to vector<1x1xf32>
    %slice3A_704 = vector.extract_strided_slice %mul3A_701 {offsets = [0, 0], sizes = [1, 1], strides = [1, 1]} : vector<1x16xf32> to vector<1x1xf32>
    %add3A_705 = arith.addf %broadcast_in_dim3A_703, %slice3A_704 : vector<1x1xf32>
    %slice3A_706 = vector.extract_strided_slice %mul3A_701 {offsets = [0, 1], sizes = [1, 1], strides = [1, 1]} : vector<1x16xf32> to vector<1x1xf32>
    %add3A_707 = arith.addf %add3A_705, %slice3A_706 : vector<1x1xf32>
    %slice3A_708 = vector.extract_strided_slice %mul3A_701 {offsets = [0, 2], sizes = [1, 1], strides = [1, 1]} : vector<1x16xf32> to vector<1x1xf32>
    %add3A_709 = arith.addf %add3A_707, %slice3A_708 : vector<1x1xf32>
    %slice3A_710 = vector.extract_strided_slice %mul3A_701 {offsets = [0, 3], sizes = [1, 1], strides = [1, 1]} : vector<1x16xf32> to vector<1x1xf32>
    %add3A_711 = arith.addf %add3A_709, %slice3A_710 : vector<1x1xf32>
    %slice3A_712 = vector.extract_strided_slice %mul3A_701 {offsets = [0, 4], sizes = [1, 1], strides = [1, 1]} : vector<1x16xf32> to vector<1x1xf32>
    %add3A_713 = arith.addf %add3A_711, %slice3A_712 : vector<1x1xf32>
    %slice3A_714 = vector.extract_strided_slice %mul3A_701 {offsets = [0, 5], sizes = [1, 1], strides = [1, 1]} : vector<1x16xf32> to vector<1x1xf32>
    %add3A_715 = arith.addf %add3A_713, %slice3A_714 : vector<1x1xf32>
    %slice3A_716 = vector.extract_strided_slice %mul3A_701 {offsets = [0, 6], sizes = [1, 1], strides = [1, 1]} : vector<1x16xf32> to vector<1x1xf32>
    %add3A_717 = arith.addf %add3A_715, %slice3A_716 : vector<1x1xf32>
    %slice3A_718 = vector.extract_strided_slice %mul3A_701 {offsets = [0, 7], sizes = [1, 1], strides = [1, 1]} : vector<1x16xf32> to vector<1x1xf32>
    %add3A_719 = arith.addf %add3A_717, %slice3A_718 : vector<1x1xf32>
    %slice3A_720 = vector.extract_strided_slice %mul3A_701 {offsets = [0, 8], sizes = [1, 1], strides = [1, 1]} : vector<1x16xf32> to vector<1x1xf32>
    %add3A_721 = arith.addf %add3A_719, %slice3A_720 : vector<1x1xf32>
    %slice3A_722 = vector.extract_strided_slice %mul3A_701 {offsets = [0, 9], sizes = [1, 1], strides = [1, 1]} : vector<1x16xf32> to vector<1x1xf32>
    %add3A_723 = arith.addf %add3A_721, %slice3A_722 : vector<1x1xf32>
    %slice3A_724 = vector.extract_strided_slice %mul3A_701 {offsets = [0, 10], sizes = [1, 1], strides = [1, 1]} : vector<1x16xf32> to vector<1x1xf32>
    %add3A_725 = arith.addf %add3A_723, %slice3A_724 : vector<1x1xf32>
    %slice3A_726 = vector.extract_strided_slice %mul3A_701 {offsets = [0, 11], sizes = [1, 1], strides = [1, 1]} : vector<1x16xf32> to vector<1x1xf32>
    %add3A_727 = arith.addf %add3A_725, %slice3A_726 : vector<1x1xf32>
    %slice3A_728 = vector.extract_strided_slice %mul3A_701 {offsets = [0, 12], sizes = [1, 1], strides = [1, 1]} : vector<1x16xf32> to vector<1x1xf32>
    %add3A_729 = arith.addf %add3A_727, %slice3A_728 : vector<1x1xf32>
    %slice3A_730 = vector.extract_strided_slice %mul3A_701 {offsets = [0, 13], sizes = [1, 1], strides = [1, 1]} : vector<1x16xf32> to vector<1x1xf32>
    %add3A_731 = arith.addf %add3A_729, %slice3A_730 : vector<1x1xf32>
    %slice3A_732 = vector.extract_strided_slice %mul3A_701 {offsets = [0, 14], sizes = [1, 1], strides = [1, 1]} : vector<1x16xf32> to vector<1x1xf32>
    %add3A_733 = arith.addf %add3A_731, %slice3A_732 : vector<1x1xf32>
    %concatenate3A_734 = tpu.concatenate %broadcast_in_dim3A_703, %add3A_705, %add3A_707, %add3A_709, %add3A_711, %add3A_713, %add3A_715, %add3A_717, %add3A_719, %add3A_721, %add3A_723, %add3A_725, %add3A_727, %add3A_729, %add3A_731, %add3A_733 in 1 : vector<1x1xf32>, vector<1x1xf32>, vector<1x1xf32>, vector<1x1xf32>, vector<1x1xf32>, vector<1x1xf32>, vector<1x1xf32>, vector<1x1xf32>, vector<1x1xf32>, vector<1x1xf32>, vector<1x1xf32>, vector<1x1xf32>, vector<1x1xf32>, vector<1x1xf32>, vector<1x1xf32>, vector<1x1xf32> -> vector<1x16xf32>
    %jit3A_735 = arith.constant 0.000000e+00 : f32
    %broadcast_in_dim3A_736 = vector.shape_cast %concatenate3A_734 : vector<1x16xf32> to vector<1x16xf32>
    %broadcast_in_dim3A_737 = vector.broadcast %broadcast_in_dim3A_736 : vector<1x16xf32> to vector<2048x16xf32>
    %broadcast_in_dim3A_738 = vector.broadcast %jit3A_735 : f32 to vector<2048x16xf32>
    %select_n3A_739 = arith.select %eq3A_372, %broadcast_in_dim3A_737, %broadcast_in_dim3A_738 : vector<2048x16xi1>, vector<2048x16xf32>
    %reduce_sum3A_740 = arith.constant dense<0.000000e+00> : vector<2048xf32>
    %reduce_sum3A_741 = vector.multi_reduction <add>, %select_n3A_739, %reduce_sum3A_740 [1] : vector<2048x16xf32> to vector<2048xf32>
    %broadcast_in_dim3A_742 = vector.shape_cast %reduce_sum3A_741 : vector<2048xf32> to vector<2048x1xf32>
    %jit3A_743 = arith.constant 0.000000e+00 : f32
    %broadcast_in_dim3A_744 = vector.shape_cast %concatenate3A_734 : vector<1x16xf32> to vector<1x16xf32>
    %broadcast_in_dim3A_745 = vector.broadcast %broadcast_in_dim3A_744 : vector<1x16xf32> to vector<2048x16xf32>
    %broadcast_in_dim3A_746 = vector.broadcast %jit3A_743 : f32 to vector<2048x16xf32>
    %select_n3A_747 = arith.select %eq3A_374, %broadcast_in_dim3A_745, %broadcast_in_dim3A_746 : vector<2048x16xi1>, vector<2048x16xf32>
    %reduce_sum3A_748 = arith.constant dense<0.000000e+00> : vector<2048xf32>
    %reduce_sum3A_749 = vector.multi_reduction <add>, %select_n3A_747, %reduce_sum3A_748 [1] : vector<2048x16xf32> to vector<2048xf32>
    %broadcast_in_dim3A_750 = vector.shape_cast %reduce_sum3A_749 : vector<2048xf32> to vector<2048x1xf32>
    %jit3A_751 = arith.constant 0.000000e+00 : f32
    %broadcast_in_dim3A_752 = vector.broadcast %jit3A_751 : f32 to vector<2048x16xf32>
    %select_n3A_753 = arith.select %eq3A_372, %concatenate3A, %broadcast_in_dim3A_752 : vector<2048x16xi1>, vector<2048x16xf32>
    %reduce_sum3A_754 = arith.constant dense<0.000000e+00> : vector<2048xf32>
    %reduce_sum3A_755 = vector.multi_reduction <add>, %select_n3A_753, %reduce_sum3A_754 [1] : vector<2048x16xf32> to vector<2048xf32>
    %broadcast_in_dim3A_756 = vector.shape_cast %reduce_sum3A_755 : vector<2048xf32> to vector<2048x1xf32>
    %jit3A_757 = arith.constant 0.000000e+00 : f32
    %broadcast_in_dim3A_758 = vector.broadcast %jit3A_757 : f32 to vector<2048x16xf32>
    %select_n3A_759 = arith.select %eq3A_374, %concatenate3A_692, %broadcast_in_dim3A_758 : vector<2048x16xi1>, vector<2048x16xf32>
    %reduce_sum3A_760 = arith.constant dense<0.000000e+00> : vector<2048xf32>
    %reduce_sum3A_761 = vector.multi_reduction <add>, %select_n3A_759, %reduce_sum3A_760 [1] : vector<2048x16xf32> to vector<2048xf32>
    %broadcast_in_dim3A_762 = vector.shape_cast %reduce_sum3A_761 : vector<2048xf32> to vector<2048x1xf32>
    %add3A_763 = arith.addf %broadcast_in_dim3A_742, %broadcast_in_dim3A_756 : vector<2048x1xf32>
    %convert_element_type3A_764 = arith.fptosi %add3A_763 : vector<2048x1xf32> to vector<2048x1xi32>
    %add3A_765 = arith.addf %broadcast_in_dim3A_750, %broadcast_in_dim3A_762 : vector<2048x1xf32>
    %convert_element_type3A_766 = arith.fptosi %add3A_765 : vector<2048x1xf32> to vector<2048x1xi32>
    %concatenate3A_767 = tpu.concatenate %convert_element_type3A_764, %convert_element_type3A_766 in 1 : vector<2048x1xi32>, vector<2048x1xi32> -> vector<2048x2xi32>
    %swap3A = arith.constant 0 : index
    %swap3A_768 = arith.constant 0 : index
    %swap3A_769 = vector.load %arg2[%swap3A, %swap3A_768] : memref<2048x2xi32, #tpu.memory_space<vmem>>, vector<2048x2xi32>
    tpu.vector_store %arg2[%swap3A, %swap3A_768], %concatenate3A_767 {strides = array<i32>} : memref<2048x2xi32, #tpu.memory_space<vmem>>, vector<2048x2xi32>,
    %concatenate3A_770 = tpu.concatenate %mul3A_392, %mul3A_396 in 1 : vector<2048x1xf32>, vector<2048x1xf32> -> vector<2048x2xf32>
    %swap3A_771 = arith.constant 0 : index
    %swap3A_772 = arith.constant 0 : index
    %swap3A_773 = vector.load %arg3[%swap3A_771, %swap3A_772] : memref<2048x2xf32, #tpu.memory_space<vmem>>, vector<2048x2xf32>
    tpu.vector_store %arg3[%swap3A_771, %swap3A_772], %concatenate3A_770 {strides = array<i32>} : memref<2048x2xf32, #tpu.memory_space<vmem>>, vector<2048x2xf32>,
    %iota3A_774 = tpu.iota {dimensions = array<i32: 1>} : vector<1x48xi32>
    %convert_element_type3A_775 = arith.sitofp %iota3A_774 : vector<1x48xi32> to vector<1x48xf32>
    %broadcast_in_dim3A_776 = arith.constant 0 : i32
    %broadcast_in_dim3A_777 = vector.broadcast %broadcast_in_dim3A_776 : i32 to vector<1x48xi32>
    %broadcast_in_dim3A_778 = arith.constant 0.000000e+00 : f32
    %broadcast_in_dim3A_779 = vector.broadcast %broadcast_in_dim3A_778 : f32 to vector<1x1xf32>
    %broadcast_in_dim3A_780 = arith.constant 0 : i32
    %broadcast_in_dim3A_781 = vector.broadcast %broadcast_in_dim3A_780 : i32 to vector<1x1xi32>
    %slice3A_782 = vector.extract_strided_slice %concatenate3A_734 {offsets = [0, 0], sizes = [1, 1], strides = [1, 1]} : vector<1x16xf32> to vector<1x1xf32>
    %mul3A_783 = arith.constant 7.812500e-03 : f32
    %mul3A_784 = vector.broadcast %mul3A_783 : f32 to vector<1x1xf32>
    %mul3A_785 = arith.mulf %slice3A_782, %mul3A_784 : vector<1x1xf32>
    %slice3A_786 = vector.extract_strided_slice %floor3A {offsets = [0, 0], sizes = [1, 1], strides = [1, 1]} : vector<1x16xf32> to vector<1x1xf32>
    %ge3A = vector.broadcast %mul3A_785 : vector<1x1xf32> to vector<1x48xf32>
    %ge3A_787 = arith.cmpf oge, %convert_element_type3A_775, %ge3A : vector<1x48xf32>
    %add3A_788 = arith.addf %mul3A_785, %slice3A_786 : vector<1x1xf32>
    %lt3A = vector.broadcast %add3A_788 : vector<1x1xf32> to vector<1x48xf32>
    %lt3A_789 = arith.cmpf olt, %convert_element_type3A_775, %lt3A : vector<1x48xf32>
    %and3A_790 = arith.andi %ge3A_787, %lt3A_789 : vector<1x48xi1>
    %jit3A_791 = arith.constant 0 : i32
    %broadcast_in_dim3A_792 = vector.broadcast %jit3A_791 : i32 to vector<1x48xi32>
    %select_n3A_793 = arith.select %and3A_790, %broadcast_in_dim3A_792, %broadcast_in_dim3A_777 : vector<1x48xi1>, vector<1x48xi32>
    %add3A_794 = arith.addf %broadcast_in_dim3A_779, %slice3A_786 : vector<1x1xf32>
    %gt3A_795 = arith.constant 0.000000e+00 : f32
    %gt3A_796 = vector.broadcast %gt3A_795 : f32 to vector<1x1xf32>
    %gt3A_797 = arith.cmpf ogt, %slice3A_786, %gt3A_796 : vector<1x1xf32>
    %jit3A_798 = arith.constant 0 : i32
    %broadcast_in_dim3A_799 = vector.broadcast %jit3A_798 : i32 to vector<1x1xi32>
    %select_n3A_800 = arith.select %gt3A_797, %broadcast_in_dim3A_799, %broadcast_in_dim3A_781 : vector<1x1xi1>, vector<1x1xi32>
    %slice3A_801 = vector.extract_strided_slice %concatenate3A_734 {offsets = [0, 1], sizes = [1, 1], strides = [1, 1]} : vector<1x16xf32> to vector<1x1xf32>
    %mul3A_802 = arith.constant 7.812500e-03 : f32
    %mul3A_803 = vector.broadcast %mul3A_802 : f32 to vector<1x1xf32>
    %mul3A_804 = arith.mulf %slice3A_801, %mul3A_803 : vector<1x1xf32>
    %slice3A_805 = vector.extract_strided_slice %floor3A {offsets = [0, 1], sizes = [1, 1], strides = [1, 1]} : vector<1x16xf32> to vector<1x1xf32>
    %ge3A_806 = vector.broadcast %mul3A_804 : vector<1x1xf32> to vector<1x48xf32>
    %ge3A_807 = arith.cmpf oge, %convert_element_type3A_775, %ge3A_806 : vector<1x48xf32>
    %add3A_808 = arith.addf %mul3A_804, %slice3A_805 : vector<1x1xf32>
    %lt3A_809 = vector.broadcast %add3A_808 : vector<1x1xf32> to vector<1x48xf32>
    %lt3A_810 = arith.cmpf olt, %convert_element_type3A_775, %lt3A_809 : vector<1x48xf32>
    %and3A_811 = arith.andi %ge3A_807, %lt3A_810 : vector<1x48xi1>
    %jit3A_812 = arith.constant 1 : i32
    %broadcast_in_dim3A_813 = vector.broadcast %jit3A_812 : i32 to vector<1x48xi32>
    %select_n3A_814 = arith.select %and3A_811, %broadcast_in_dim3A_813, %select_n3A_793 : vector<1x48xi1>, vector<1x48xi32>
    %add3A_815 = arith.addf %add3A_794, %slice3A_805 : vector<1x1xf32>
    %gt3A_816 = arith.constant 0.000000e+00 : f32
    %gt3A_817 = vector.broadcast %gt3A_816 : f32 to vector<1x1xf32>
    %gt3A_818 = arith.cmpf ogt, %slice3A_805, %gt3A_817 : vector<1x1xf32>
    %jit3A_819 = arith.constant 1 : i32
    %broadcast_in_dim3A_820 = vector.broadcast %jit3A_819 : i32 to vector<1x1xi32>
    %select_n3A_821 = arith.select %gt3A_818, %broadcast_in_dim3A_820, %select_n3A_800 : vector<1x1xi1>, vector<1x1xi32>
    %slice3A_822 = vector.extract_strided_slice %concatenate3A_734 {offsets = [0, 2], sizes = [1, 1], strides = [1, 1]} : vector<1x16xf32> to vector<1x1xf32>
    %mul3A_823 = arith.constant 7.812500e-03 : f32
    %mul3A_824 = vector.broadcast %mul3A_823 : f32 to vector<1x1xf32>
    %mul3A_825 = arith.mulf %slice3A_822, %mul3A_824 : vector<1x1xf32>
    %slice3A_826 = vector.extract_strided_slice %floor3A {offsets = [0, 2], sizes = [1, 1], strides = [1, 1]} : vector<1x16xf32> to vector<1x1xf32>
    %ge3A_827 = vector.broadcast %mul3A_825 : vector<1x1xf32> to vector<1x48xf32>
    %ge3A_828 = arith.cmpf oge, %convert_element_type3A_775, %ge3A_827 : vector<1x48xf32>
    %add3A_829 = arith.addf %mul3A_825, %slice3A_826 : vector<1x1xf32>
    %lt3A_830 = vector.broadcast %add3A_829 : vector<1x1xf32> to vector<1x48xf32>
    %lt3A_831 = arith.cmpf olt, %convert_element_type3A_775, %lt3A_830 : vector<1x48xf32>
    %and3A_832 = arith.andi %ge3A_828, %lt3A_831 : vector<1x48xi1>
    %jit3A_833 = arith.constant 2 : i32
    %broadcast_in_dim3A_834 = vector.broadcast %jit3A_833 : i32 to vector<1x48xi32>
    %select_n3A_835 = arith.select %and3A_832, %broadcast_in_dim3A_834, %select_n3A_814 : vector<1x48xi1>, vector<1x48xi32>
    %add3A_836 = arith.addf %add3A_815, %slice3A_826 : vector<1x1xf32>
    %gt3A_837 = arith.constant 0.000000e+00 : f32
    %gt3A_838 = vector.broadcast %gt3A_837 : f32 to vector<1x1xf32>
    %gt3A_839 = arith.cmpf ogt, %slice3A_826, %gt3A_838 : vector<1x1xf32>
    %jit3A_840 = arith.constant 2 : i32
    %broadcast_in_dim3A_841 = vector.broadcast %jit3A_840 : i32 to vector<1x1xi32>
    %select_n3A_842 = arith.select %gt3A_839, %broadcast_in_dim3A_841, %select_n3A_821 : vector<1x1xi1>, vector<1x1xi32>
    %slice3A_843 = vector.extract_strided_slice %concatenate3A_734 {offsets = [0, 3], sizes = [1, 1], strides = [1, 1]} : vector<1x16xf32> to vector<1x1xf32>
    %mul3A_844 = arith.constant 7.812500e-03 : f32
    %mul3A_845 = vector.broadcast %mul3A_844 : f32 to vector<1x1xf32>
    %mul3A_846 = arith.mulf %slice3A_843, %mul3A_845 : vector<1x1xf32>
    %slice3A_847 = vector.extract_strided_slice %floor3A {offsets = [0, 3], sizes = [1, 1], strides = [1, 1]} : vector<1x16xf32> to vector<1x1xf32>
    %ge3A_848 = vector.broadcast %mul3A_846 : vector<1x1xf32> to vector<1x48xf32>
    %ge3A_849 = arith.cmpf oge, %convert_element_type3A_775, %ge3A_848 : vector<1x48xf32>
    %add3A_850 = arith.addf %mul3A_846, %slice3A_847 : vector<1x1xf32>
    %lt3A_851 = vector.broadcast %add3A_850 : vector<1x1xf32> to vector<1x48xf32>
    %lt3A_852 = arith.cmpf olt, %convert_element_type3A_775, %lt3A_851 : vector<1x48xf32>
    %and3A_853 = arith.andi %ge3A_849, %lt3A_852 : vector<1x48xi1>
    %jit3A_854 = arith.constant 3 : i32
    %broadcast_in_dim3A_855 = vector.broadcast %jit3A_854 : i32 to vector<1x48xi32>
    %select_n3A_856 = arith.select %and3A_853, %broadcast_in_dim3A_855, %select_n3A_835 : vector<1x48xi1>, vector<1x48xi32>
    %add3A_857 = arith.addf %add3A_836, %slice3A_847 : vector<1x1xf32>
    %gt3A_858 = arith.constant 0.000000e+00 : f32
    %gt3A_859 = vector.broadcast %gt3A_858 : f32 to vector<1x1xf32>
    %gt3A_860 = arith.cmpf ogt, %slice3A_847, %gt3A_859 : vector<1x1xf32>
    %jit3A_861 = arith.constant 3 : i32
    %broadcast_in_dim3A_862 = vector.broadcast %jit3A_861 : i32 to vector<1x1xi32>
    %select_n3A_863 = arith.select %gt3A_860, %broadcast_in_dim3A_862, %select_n3A_842 : vector<1x1xi1>, vector<1x1xi32>
    %slice3A_864 = vector.extract_strided_slice %concatenate3A_734 {offsets = [0, 4], sizes = [1, 1], strides = [1, 1]} : vector<1x16xf32> to vector<1x1xf32>
    %mul3A_865 = arith.constant 7.812500e-03 : f32
    %mul3A_866 = vector.broadcast %mul3A_865 : f32 to vector<1x1xf32>
    %mul3A_867 = arith.mulf %slice3A_864, %mul3A_866 : vector<1x1xf32>
    %slice3A_868 = vector.extract_strided_slice %floor3A {offsets = [0, 4], sizes = [1, 1], strides = [1, 1]} : vector<1x16xf32> to vector<1x1xf32>
    %ge3A_869 = vector.broadcast %mul3A_867 : vector<1x1xf32> to vector<1x48xf32>
    %ge3A_870 = arith.cmpf oge, %convert_element_type3A_775, %ge3A_869 : vector<1x48xf32>
    %add3A_871 = arith.addf %mul3A_867, %slice3A_868 : vector<1x1xf32>
    %lt3A_872 = vector.broadcast %add3A_871 : vector<1x1xf32> to vector<1x48xf32>
    %lt3A_873 = arith.cmpf olt, %convert_element_type3A_775, %lt3A_872 : vector<1x48xf32>
    %and3A_874 = arith.andi %ge3A_870, %lt3A_873 : vector<1x48xi1>
    %jit3A_875 = arith.constant 4 : i32
    %broadcast_in_dim3A_876 = vector.broadcast %jit3A_875 : i32 to vector<1x48xi32>
    %select_n3A_877 = arith.select %and3A_874, %broadcast_in_dim3A_876, %select_n3A_856 : vector<1x48xi1>, vector<1x48xi32>
    %add3A_878 = arith.addf %add3A_857, %slice3A_868 : vector<1x1xf32>
    %gt3A_879 = arith.constant 0.000000e+00 : f32
    %gt3A_880 = vector.broadcast %gt3A_879 : f32 to vector<1x1xf32>
    %gt3A_881 = arith.cmpf ogt, %slice3A_868, %gt3A_880 : vector<1x1xf32>
    %jit3A_882 = arith.constant 4 : i32
    %broadcast_in_dim3A_883 = vector.broadcast %jit3A_882 : i32 to vector<1x1xi32>
    %select_n3A_884 = arith.select %gt3A_881, %broadcast_in_dim3A_883, %select_n3A_863 : vector<1x1xi1>, vector<1x1xi32>
    %slice3A_885 = vector.extract_strided_slice %concatenate3A_734 {offsets = [0, 5], sizes = [1, 1], strides = [1, 1]} : vector<1x16xf32> to vector<1x1xf32>
    %mul3A_886 = arith.constant 7.812500e-03 : f32
    %mul3A_887 = vector.broadcast %mul3A_886 : f32 to vector<1x1xf32>
    %mul3A_888 = arith.mulf %slice3A_885, %mul3A_887 : vector<1x1xf32>
    %slice3A_889 = vector.extract_strided_slice %floor3A {offsets = [0, 5], sizes = [1, 1], strides = [1, 1]} : vector<1x16xf32> to vector<1x1xf32>
    %ge3A_890 = vector.broadcast %mul3A_888 : vector<1x1xf32> to vector<1x48xf32>
    %ge3A_891 = arith.cmpf oge, %convert_element_type3A_775, %ge3A_890 : vector<1x48xf32>
    %add3A_892 = arith.addf %mul3A_888, %slice3A_889 : vector<1x1xf32>
    %lt3A_893 = vector.broadcast %add3A_892 : vector<1x1xf32> to vector<1x48xf32>
    %lt3A_894 = arith.cmpf olt, %convert_element_type3A_775, %lt3A_893 : vector<1x48xf32>
    %and3A_895 = arith.andi %ge3A_891, %lt3A_894 : vector<1x48xi1>
    %jit3A_896 = arith.constant 5 : i32
    %broadcast_in_dim3A_897 = vector.broadcast %jit3A_896 : i32 to vector<1x48xi32>
    %select_n3A_898 = arith.select %and3A_895, %broadcast_in_dim3A_897, %select_n3A_877 : vector<1x48xi1>, vector<1x48xi32>
    %add3A_899 = arith.addf %add3A_878, %slice3A_889 : vector<1x1xf32>
    %gt3A_900 = arith.constant 0.000000e+00 : f32
    %gt3A_901 = vector.broadcast %gt3A_900 : f32 to vector<1x1xf32>
    %gt3A_902 = arith.cmpf ogt, %slice3A_889, %gt3A_901 : vector<1x1xf32>
    %jit3A_903 = arith.constant 5 : i32
    %broadcast_in_dim3A_904 = vector.broadcast %jit3A_903 : i32 to vector<1x1xi32>
    %select_n3A_905 = arith.select %gt3A_902, %broadcast_in_dim3A_904, %select_n3A_884 : vector<1x1xi1>, vector<1x1xi32>
    %slice3A_906 = vector.extract_strided_slice %concatenate3A_734 {offsets = [0, 6], sizes = [1, 1], strides = [1, 1]} : vector<1x16xf32> to vector<1x1xf32>
    %mul3A_907 = arith.constant 7.812500e-03 : f32
    %mul3A_908 = vector.broadcast %mul3A_907 : f32 to vector<1x1xf32>
    %mul3A_909 = arith.mulf %slice3A_906, %mul3A_908 : vector<1x1xf32>
    %slice3A_910 = vector.extract_strided_slice %floor3A {offsets = [0, 6], sizes = [1, 1], strides = [1, 1]} : vector<1x16xf32> to vector<1x1xf32>
    %ge3A_911 = vector.broadcast %mul3A_909 : vector<1x1xf32> to vector<1x48xf32>
    %ge3A_912 = arith.cmpf oge, %convert_element_type3A_775, %ge3A_911 : vector<1x48xf32>
    %add3A_913 = arith.addf %mul3A_909, %slice3A_910 : vector<1x1xf32>
    %lt3A_914 = vector.broadcast %add3A_913 : vector<1x1xf32> to vector<1x48xf32>
    %lt3A_915 = arith.cmpf olt, %convert_element_type3A_775, %lt3A_914 : vector<1x48xf32>
    %and3A_916 = arith.andi %ge3A_912, %lt3A_915 : vector<1x48xi1>
    %jit3A_917 = arith.constant 6 : i32
    %broadcast_in_dim3A_918 = vector.broadcast %jit3A_917 : i32 to vector<1x48xi32>
    %select_n3A_919 = arith.select %and3A_916, %broadcast_in_dim3A_918, %select_n3A_898 : vector<1x48xi1>, vector<1x48xi32>
    %add3A_920 = arith.addf %add3A_899, %slice3A_910 : vector<1x1xf32>
    %gt3A_921 = arith.constant 0.000000e+00 : f32
    %gt3A_922 = vector.broadcast %gt3A_921 : f32 to vector<1x1xf32>
    %gt3A_923 = arith.cmpf ogt, %slice3A_910, %gt3A_922 : vector<1x1xf32>
    %jit3A_924 = arith.constant 6 : i32
    %broadcast_in_dim3A_925 = vector.broadcast %jit3A_924 : i32 to vector<1x1xi32>
    %select_n3A_926 = arith.select %gt3A_923, %broadcast_in_dim3A_925, %select_n3A_905 : vector<1x1xi1>, vector<1x1xi32>
    %slice3A_927 = vector.extract_strided_slice %concatenate3A_734 {offsets = [0, 7], sizes = [1, 1], strides = [1, 1]} : vector<1x16xf32> to vector<1x1xf32>
    %mul3A_928 = arith.constant 7.812500e-03 : f32
    %mul3A_929 = vector.broadcast %mul3A_928 : f32 to vector<1x1xf32>
    %mul3A_930 = arith.mulf %slice3A_927, %mul3A_929 : vector<1x1xf32>
    %slice3A_931 = vector.extract_strided_slice %floor3A {offsets = [0, 7], sizes = [1, 1], strides = [1, 1]} : vector<1x16xf32> to vector<1x1xf32>
    %ge3A_932 = vector.broadcast %mul3A_930 : vector<1x1xf32> to vector<1x48xf32>
    %ge3A_933 = arith.cmpf oge, %convert_element_type3A_775, %ge3A_932 : vector<1x48xf32>
    %add3A_934 = arith.addf %mul3A_930, %slice3A_931 : vector<1x1xf32>
    %lt3A_935 = vector.broadcast %add3A_934 : vector<1x1xf32> to vector<1x48xf32>
    %lt3A_936 = arith.cmpf olt, %convert_element_type3A_775, %lt3A_935 : vector<1x48xf32>
    %and3A_937 = arith.andi %ge3A_933, %lt3A_936 : vector<1x48xi1>
    %jit3A_938 = arith.constant 7 : i32
    %broadcast_in_dim3A_939 = vector.broadcast %jit3A_938 : i32 to vector<1x48xi32>
    %select_n3A_940 = arith.select %and3A_937, %broadcast_in_dim3A_939, %select_n3A_919 : vector<1x48xi1>, vector<1x48xi32>
    %add3A_941 = arith.addf %add3A_920, %slice3A_931 : vector<1x1xf32>
    %gt3A_942 = arith.constant 0.000000e+00 : f32
    %gt3A_943 = vector.broadcast %gt3A_942 : f32 to vector<1x1xf32>
    %gt3A_944 = arith.cmpf ogt, %slice3A_931, %gt3A_943 : vector<1x1xf32>
    %jit3A_945 = arith.constant 7 : i32
    %broadcast_in_dim3A_946 = vector.broadcast %jit3A_945 : i32 to vector<1x1xi32>
    %select_n3A_947 = arith.select %gt3A_944, %broadcast_in_dim3A_946, %select_n3A_926 : vector<1x1xi1>, vector<1x1xi32>
    %slice3A_948 = vector.extract_strided_slice %concatenate3A_734 {offsets = [0, 8], sizes = [1, 1], strides = [1, 1]} : vector<1x16xf32> to vector<1x1xf32>
    %mul3A_949 = arith.constant 7.812500e-03 : f32
    %mul3A_950 = vector.broadcast %mul3A_949 : f32 to vector<1x1xf32>
    %mul3A_951 = arith.mulf %slice3A_948, %mul3A_950 : vector<1x1xf32>
    %slice3A_952 = vector.extract_strided_slice %floor3A {offsets = [0, 8], sizes = [1, 1], strides = [1, 1]} : vector<1x16xf32> to vector<1x1xf32>
    %ge3A_953 = vector.broadcast %mul3A_951 : vector<1x1xf32> to vector<1x48xf32>
    %ge3A_954 = arith.cmpf oge, %convert_element_type3A_775, %ge3A_953 : vector<1x48xf32>
    %add3A_955 = arith.addf %mul3A_951, %slice3A_952 : vector<1x1xf32>
    %lt3A_956 = vector.broadcast %add3A_955 : vector<1x1xf32> to vector<1x48xf32>
    %lt3A_957 = arith.cmpf olt, %convert_element_type3A_775, %lt3A_956 : vector<1x48xf32>
    %and3A_958 = arith.andi %ge3A_954, %lt3A_957 : vector<1x48xi1>
    %jit3A_959 = arith.constant 8 : i32
    %broadcast_in_dim3A_960 = vector.broadcast %jit3A_959 : i32 to vector<1x48xi32>
    %select_n3A_961 = arith.select %and3A_958, %broadcast_in_dim3A_960, %select_n3A_940 : vector<1x48xi1>, vector<1x48xi32>
    %add3A_962 = arith.addf %add3A_941, %slice3A_952 : vector<1x1xf32>
    %gt3A_963 = arith.constant 0.000000e+00 : f32
    %gt3A_964 = vector.broadcast %gt3A_963 : f32 to vector<1x1xf32>
    %gt3A_965 = arith.cmpf ogt, %slice3A_952, %gt3A_964 : vector<1x1xf32>
    %jit3A_966 = arith.constant 8 : i32
    %broadcast_in_dim3A_967 = vector.broadcast %jit3A_966 : i32 to vector<1x1xi32>
    %select_n3A_968 = arith.select %gt3A_965, %broadcast_in_dim3A_967, %select_n3A_947 : vector<1x1xi1>, vector<1x1xi32>
    %slice3A_969 = vector.extract_strided_slice %concatenate3A_734 {offsets = [0, 9], sizes = [1, 1], strides = [1, 1]} : vector<1x16xf32> to vector<1x1xf32>
    %mul3A_970 = arith.constant 7.812500e-03 : f32
    %mul3A_971 = vector.broadcast %mul3A_970 : f32 to vector<1x1xf32>
    %mul3A_972 = arith.mulf %slice3A_969, %mul3A_971 : vector<1x1xf32>
    %slice3A_973 = vector.extract_strided_slice %floor3A {offsets = [0, 9], sizes = [1, 1], strides = [1, 1]} : vector<1x16xf32> to vector<1x1xf32>
    %ge3A_974 = vector.broadcast %mul3A_972 : vector<1x1xf32> to vector<1x48xf32>
    %ge3A_975 = arith.cmpf oge, %convert_element_type3A_775, %ge3A_974 : vector<1x48xf32>
    %add3A_976 = arith.addf %mul3A_972, %slice3A_973 : vector<1x1xf32>
    %lt3A_977 = vector.broadcast %add3A_976 : vector<1x1xf32> to vector<1x48xf32>
    %lt3A_978 = arith.cmpf olt, %convert_element_type3A_775, %lt3A_977 : vector<1x48xf32>
    %and3A_979 = arith.andi %ge3A_975, %lt3A_978 : vector<1x48xi1>
    %jit3A_980 = arith.constant 9 : i32
    %broadcast_in_dim3A_981 = vector.broadcast %jit3A_980 : i32 to vector<1x48xi32>
    %select_n3A_982 = arith.select %and3A_979, %broadcast_in_dim3A_981, %select_n3A_961 : vector<1x48xi1>, vector<1x48xi32>
    %add3A_983 = arith.addf %add3A_962, %slice3A_973 : vector<1x1xf32>
    %gt3A_984 = arith.constant 0.000000e+00 : f32
    %gt3A_985 = vector.broadcast %gt3A_984 : f32 to vector<1x1xf32>
    %gt3A_986 = arith.cmpf ogt, %slice3A_973, %gt3A_985 : vector<1x1xf32>
    %jit3A_987 = arith.constant 9 : i32
    %broadcast_in_dim3A_988 = vector.broadcast %jit3A_987 : i32 to vector<1x1xi32>
    %select_n3A_989 = arith.select %gt3A_986, %broadcast_in_dim3A_988, %select_n3A_968 : vector<1x1xi1>, vector<1x1xi32>
    %slice3A_990 = vector.extract_strided_slice %concatenate3A_734 {offsets = [0, 10], sizes = [1, 1], strides = [1, 1]} : vector<1x16xf32> to vector<1x1xf32>
    %mul3A_991 = arith.constant 7.812500e-03 : f32
    %mul3A_992 = vector.broadcast %mul3A_991 : f32 to vector<1x1xf32>
    %mul3A_993 = arith.mulf %slice3A_990, %mul3A_992 : vector<1x1xf32>
    %slice3A_994 = vector.extract_strided_slice %floor3A {offsets = [0, 10], sizes = [1, 1], strides = [1, 1]} : vector<1x16xf32> to vector<1x1xf32>
    %ge3A_995 = vector.broadcast %mul3A_993 : vector<1x1xf32> to vector<1x48xf32>
    %ge3A_996 = arith.cmpf oge, %convert_element_type3A_775, %ge3A_995 : vector<1x48xf32>
    %add3A_997 = arith.addf %mul3A_993, %slice3A_994 : vector<1x1xf32>
    %lt3A_998 = vector.broadcast %add3A_997 : vector<1x1xf32> to vector<1x48xf32>
    %lt3A_999 = arith.cmpf olt, %convert_element_type3A_775, %lt3A_998 : vector<1x48xf32>
    %and3A_1000 = arith.andi %ge3A_996, %lt3A_999 : vector<1x48xi1>
    %jit3A_1001 = arith.constant 10 : i32
    %broadcast_in_dim3A_1002 = vector.broadcast %jit3A_1001 : i32 to vector<1x48xi32>
    %select_n3A_1003 = arith.select %and3A_1000, %broadcast_in_dim3A_1002, %select_n3A_982 : vector<1x48xi1>, vector<1x48xi32>
    %add3A_1004 = arith.addf %add3A_983, %slice3A_994 : vector<1x1xf32>
    %gt3A_1005 = arith.constant 0.000000e+00 : f32
    %gt3A_1006 = vector.broadcast %gt3A_1005 : f32 to vector<1x1xf32>
    %gt3A_1007 = arith.cmpf ogt, %slice3A_994, %gt3A_1006 : vector<1x1xf32>
    %jit3A_1008 = arith.constant 10 : i32
    %broadcast_in_dim3A_1009 = vector.broadcast %jit3A_1008 : i32 to vector<1x1xi32>
    %select_n3A_1010 = arith.select %gt3A_1007, %broadcast_in_dim3A_1009, %select_n3A_989 : vector<1x1xi1>, vector<1x1xi32>
    %slice3A_1011 = vector.extract_strided_slice %concatenate3A_734 {offsets = [0, 11], sizes = [1, 1], strides = [1, 1]} : vector<1x16xf32> to vector<1x1xf32>
    %mul3A_1012 = arith.constant 7.812500e-03 : f32
    %mul3A_1013 = vector.broadcast %mul3A_1012 : f32 to vector<1x1xf32>
    %mul3A_1014 = arith.mulf %slice3A_1011, %mul3A_1013 : vector<1x1xf32>
    %slice3A_1015 = vector.extract_strided_slice %floor3A {offsets = [0, 11], sizes = [1, 1], strides = [1, 1]} : vector<1x16xf32> to vector<1x1xf32>
    %ge3A_1016 = vector.broadcast %mul3A_1014 : vector<1x1xf32> to vector<1x48xf32>
    %ge3A_1017 = arith.cmpf oge, %convert_element_type3A_775, %ge3A_1016 : vector<1x48xf32>
    %add3A_1018 = arith.addf %mul3A_1014, %slice3A_1015 : vector<1x1xf32>
    %lt3A_1019 = vector.broadcast %add3A_1018 : vector<1x1xf32> to vector<1x48xf32>
    %lt3A_1020 = arith.cmpf olt, %convert_element_type3A_775, %lt3A_1019 : vector<1x48xf32>
    %and3A_1021 = arith.andi %ge3A_1017, %lt3A_1020 : vector<1x48xi1>
    %jit3A_1022 = arith.constant 11 : i32
    %broadcast_in_dim3A_1023 = vector.broadcast %jit3A_1022 : i32 to vector<1x48xi32>
    %select_n3A_1024 = arith.select %and3A_1021, %broadcast_in_dim3A_1023, %select_n3A_1003 : vector<1x48xi1>, vector<1x48xi32>
    %add3A_1025 = arith.addf %add3A_1004, %slice3A_1015 : vector<1x1xf32>
    %gt3A_1026 = arith.constant 0.000000e+00 : f32
    %gt3A_1027 = vector.broadcast %gt3A_1026 : f32 to vector<1x1xf32>
    %gt3A_1028 = arith.cmpf ogt, %slice3A_1015, %gt3A_1027 : vector<1x1xf32>
    %jit3A_1029 = arith.constant 11 : i32
    %broadcast_in_dim3A_1030 = vector.broadcast %jit3A_1029 : i32 to vector<1x1xi32>
    %select_n3A_1031 = arith.select %gt3A_1028, %broadcast_in_dim3A_1030, %select_n3A_1010 : vector<1x1xi1>, vector<1x1xi32>
    %slice3A_1032 = vector.extract_strided_slice %concatenate3A_734 {offsets = [0, 12], sizes = [1, 1], strides = [1, 1]} : vector<1x16xf32> to vector<1x1xf32>
    %mul3A_1033 = arith.constant 7.812500e-03 : f32
    %mul3A_1034 = vector.broadcast %mul3A_1033 : f32 to vector<1x1xf32>
    %mul3A_1035 = arith.mulf %slice3A_1032, %mul3A_1034 : vector<1x1xf32>
    %slice3A_1036 = vector.extract_strided_slice %floor3A {offsets = [0, 12], sizes = [1, 1], strides = [1, 1]} : vector<1x16xf32> to vector<1x1xf32>
    %ge3A_1037 = vector.broadcast %mul3A_1035 : vector<1x1xf32> to vector<1x48xf32>
    %ge3A_1038 = arith.cmpf oge, %convert_element_type3A_775, %ge3A_1037 : vector<1x48xf32>
    %add3A_1039 = arith.addf %mul3A_1035, %slice3A_1036 : vector<1x1xf32>
    %lt3A_1040 = vector.broadcast %add3A_1039 : vector<1x1xf32> to vector<1x48xf32>
    %lt3A_1041 = arith.cmpf olt, %convert_element_type3A_775, %lt3A_1040 : vector<1x48xf32>
    %and3A_1042 = arith.andi %ge3A_1038, %lt3A_1041 : vector<1x48xi1>
    %jit3A_1043 = arith.constant 12 : i32
    %broadcast_in_dim3A_1044 = vector.broadcast %jit3A_1043 : i32 to vector<1x48xi32>
    %select_n3A_1045 = arith.select %and3A_1042, %broadcast_in_dim3A_1044, %select_n3A_1024 : vector<1x48xi1>, vector<1x48xi32>
    %add3A_1046 = arith.addf %add3A_1025, %slice3A_1036 : vector<1x1xf32>
    %gt3A_1047 = arith.constant 0.000000e+00 : f32
    %gt3A_1048 = vector.broadcast %gt3A_1047 : f32 to vector<1x1xf32>
    %gt3A_1049 = arith.cmpf ogt, %slice3A_1036, %gt3A_1048 : vector<1x1xf32>
    %jit3A_1050 = arith.constant 12 : i32
    %broadcast_in_dim3A_1051 = vector.broadcast %jit3A_1050 : i32 to vector<1x1xi32>
    %select_n3A_1052 = arith.select %gt3A_1049, %broadcast_in_dim3A_1051, %select_n3A_1031 : vector<1x1xi1>, vector<1x1xi32>
    %slice3A_1053 = vector.extract_strided_slice %concatenate3A_734 {offsets = [0, 13], sizes = [1, 1], strides = [1, 1]} : vector<1x16xf32> to vector<1x1xf32>
    %mul3A_1054 = arith.constant 7.812500e-03 : f32
    %mul3A_1055 = vector.broadcast %mul3A_1054 : f32 to vector<1x1xf32>
    %mul3A_1056 = arith.mulf %slice3A_1053, %mul3A_1055 : vector<1x1xf32>
    %slice3A_1057 = vector.extract_strided_slice %floor3A {offsets = [0, 13], sizes = [1, 1], strides = [1, 1]} : vector<1x16xf32> to vector<1x1xf32>
    %ge3A_1058 = vector.broadcast %mul3A_1056 : vector<1x1xf32> to vector<1x48xf32>
    %ge3A_1059 = arith.cmpf oge, %convert_element_type3A_775, %ge3A_1058 : vector<1x48xf32>
    %add3A_1060 = arith.addf %mul3A_1056, %slice3A_1057 : vector<1x1xf32>
    %lt3A_1061 = vector.broadcast %add3A_1060 : vector<1x1xf32> to vector<1x48xf32>
    %lt3A_1062 = arith.cmpf olt, %convert_element_type3A_775, %lt3A_1061 : vector<1x48xf32>
    %and3A_1063 = arith.andi %ge3A_1059, %lt3A_1062 : vector<1x48xi1>
    %jit3A_1064 = arith.constant 13 : i32
    %broadcast_in_dim3A_1065 = vector.broadcast %jit3A_1064 : i32 to vector<1x48xi32>
    %select_n3A_1066 = arith.select %and3A_1063, %broadcast_in_dim3A_1065, %select_n3A_1045 : vector<1x48xi1>, vector<1x48xi32>
    %add3A_1067 = arith.addf %add3A_1046, %slice3A_1057 : vector<1x1xf32>
    %gt3A_1068 = arith.constant 0.000000e+00 : f32
    %gt3A_1069 = vector.broadcast %gt3A_1068 : f32 to vector<1x1xf32>
    %gt3A_1070 = arith.cmpf ogt, %slice3A_1057, %gt3A_1069 : vector<1x1xf32>
    %jit3A_1071 = arith.constant 13 : i32
    %broadcast_in_dim3A_1072 = vector.broadcast %jit3A_1071 : i32 to vector<1x1xi32>
    %select_n3A_1073 = arith.select %gt3A_1070, %broadcast_in_dim3A_1072, %select_n3A_1052 : vector<1x1xi1>, vector<1x1xi32>
    %slice3A_1074 = vector.extract_strided_slice %concatenate3A_734 {offsets = [0, 14], sizes = [1, 1], strides = [1, 1]} : vector<1x16xf32> to vector<1x1xf32>
    %mul3A_1075 = arith.constant 7.812500e-03 : f32
    %mul3A_1076 = vector.broadcast %mul3A_1075 : f32 to vector<1x1xf32>
    %mul3A_1077 = arith.mulf %slice3A_1074, %mul3A_1076 : vector<1x1xf32>
    %slice3A_1078 = vector.extract_strided_slice %floor3A {offsets = [0, 14], sizes = [1, 1], strides = [1, 1]} : vector<1x16xf32> to vector<1x1xf32>
    %ge3A_1079 = vector.broadcast %mul3A_1077 : vector<1x1xf32> to vector<1x48xf32>
    %ge3A_1080 = arith.cmpf oge, %convert_element_type3A_775, %ge3A_1079 : vector<1x48xf32>
    %add3A_1081 = arith.addf %mul3A_1077, %slice3A_1078 : vector<1x1xf32>
    %lt3A_1082 = vector.broadcast %add3A_1081 : vector<1x1xf32> to vector<1x48xf32>
    %lt3A_1083 = arith.cmpf olt, %convert_element_type3A_775, %lt3A_1082 : vector<1x48xf32>
    %and3A_1084 = arith.andi %ge3A_1080, %lt3A_1083 : vector<1x48xi1>
    %jit3A_1085 = arith.constant 14 : i32
    %broadcast_in_dim3A_1086 = vector.broadcast %jit3A_1085 : i32 to vector<1x48xi32>
    %select_n3A_1087 = arith.select %and3A_1084, %broadcast_in_dim3A_1086, %select_n3A_1066 : vector<1x48xi1>, vector<1x48xi32>
    %add3A_1088 = arith.addf %add3A_1067, %slice3A_1078 : vector<1x1xf32>
    %gt3A_1089 = arith.constant 0.000000e+00 : f32
    %gt3A_1090 = vector.broadcast %gt3A_1089 : f32 to vector<1x1xf32>
    %gt3A_1091 = arith.cmpf ogt, %slice3A_1078, %gt3A_1090 : vector<1x1xf32>
    %jit3A_1092 = arith.constant 14 : i32
    %broadcast_in_dim3A_1093 = vector.broadcast %jit3A_1092 : i32 to vector<1x1xi32>
    %select_n3A_1094 = arith.select %gt3A_1091, %broadcast_in_dim3A_1093, %select_n3A_1073 : vector<1x1xi1>, vector<1x1xi32>
    %slice3A_1095 = vector.extract_strided_slice %concatenate3A_734 {offsets = [0, 15], sizes = [1, 1], strides = [1, 1]} : vector<1x16xf32> to vector<1x1xf32>
    %mul3A_1096 = arith.constant 7.812500e-03 : f32
    %mul3A_1097 = vector.broadcast %mul3A_1096 : f32 to vector<1x1xf32>
    %mul3A_1098 = arith.mulf %slice3A_1095, %mul3A_1097 : vector<1x1xf32>
    %slice3A_1099 = vector.extract_strided_slice %floor3A {offsets = [0, 15], sizes = [1, 1], strides = [1, 1]} : vector<1x16xf32> to vector<1x1xf32>
    %ge3A_1100 = vector.broadcast %mul3A_1098 : vector<1x1xf32> to vector<1x48xf32>
    %ge3A_1101 = arith.cmpf oge, %convert_element_type3A_775, %ge3A_1100 : vector<1x48xf32>
    %add3A_1102 = arith.addf %mul3A_1098, %slice3A_1099 : vector<1x1xf32>
    %lt3A_1103 = vector.broadcast %add3A_1102 : vector<1x1xf32> to vector<1x48xf32>
    %lt3A_1104 = arith.cmpf olt, %convert_element_type3A_775, %lt3A_1103 : vector<1x48xf32>
    %and3A_1105 = arith.andi %ge3A_1101, %lt3A_1104 : vector<1x48xi1>
    %jit3A_1106 = arith.constant 15 : i32
    %broadcast_in_dim3A_1107 = vector.broadcast %jit3A_1106 : i32 to vector<1x48xi32>
    %select_n3A_1108 = arith.select %and3A_1105, %broadcast_in_dim3A_1107, %select_n3A_1087 : vector<1x48xi1>, vector<1x48xi32>
    %add3A_1109 = arith.addf %add3A_1088, %slice3A_1099 : vector<1x1xf32>
    %gt3A_1110 = arith.constant 0.000000e+00 : f32
    %gt3A_1111 = vector.broadcast %gt3A_1110 : f32 to vector<1x1xf32>
    %gt3A_1112 = arith.cmpf ogt, %slice3A_1099, %gt3A_1111 : vector<1x1xf32>
    %jit3A_1113 = arith.constant 15 : i32
    %broadcast_in_dim3A_1114 = vector.broadcast %jit3A_1113 : i32 to vector<1x1xi32>
    %select_n3A_1115 = arith.select %gt3A_1112, %broadcast_in_dim3A_1114, %select_n3A_1094 : vector<1x1xi1>, vector<1x1xi32>
    %ge3A_1116 = vector.broadcast %add3A_1109 : vector<1x1xf32> to vector<1x48xf32>
    %ge3A_1117 = arith.cmpf oge, %convert_element_type3A_775, %ge3A_1116 : vector<1x48xf32>
    %broadcast_in_dim3A_1118 = vector.shape_cast %select_n3A_1115 : vector<1x1xi32> to vector<1x1xi32>
    %broadcast_in_dim3A_1119 = vector.broadcast %broadcast_in_dim3A_1118 : vector<1x1xi32> to vector<1x48xi32>
    %select_n3A_1120 = arith.select %ge3A_1117, %broadcast_in_dim3A_1119, %select_n3A_1108 : vector<1x48xi1>, vector<1x48xi32>
    %swap3A_1121 = arith.constant 0 : index
    %swap3A_1122 = arith.constant 0 : index
    %swap3A_1123 = vector.load %arg4[%swap3A_1121, %swap3A_1122] : memref<1x48xi32, #tpu.memory_space<vmem>>, vector<1x48xi32>
    tpu.vector_store %arg4[%swap3A_1121, %swap3A_1122], %select_n3A_1120 {strides = array<i32>} : memref<1x48xi32, #tpu.memory_space<vmem>>, vector<1x48xi32>,
    %convert_element_type3A_1124 = arith.fptosi %add3A_1109 : vector<1x1xf32> to vector<1x1xi32>
    %swap3A_1125 = arith.constant 0 : index
    %swap3A_1126 = arith.constant 0 : index
    %swap3A_1127 = vector.load %arg5[%swap3A_1125, %swap3A_1126] : memref<1x1xi32, #tpu.memory_space<vmem>>, vector<1x1xi32>
    tpu.vector_store %arg5[%swap3A_1125, %swap3A_1126], %convert_element_type3A_1124 {strides = array<i32>} : memref<1x1xi32, #tpu.memory_space<vmem>>, vector<1x1xi32>,
    return
  }
}

module attributes {stable_mosaic.version = 14 : i64} {
  func.func @_gmm_body(%arg0: i32, %arg1: memref<48xi32, #tpu.memory_space<smem>>, %arg2: memref<1xi32, #tpu.memory_space<smem>>, %arg3: memref<128x1024xf32, #tpu.memory_space<vmem>>, %arg4: memref<1x512x1024xf32, #tpu.memory_space<vmem>>, %arg5: memref<1x512x1024xf32, #tpu.memory_space<vmem>>, %arg6: memref<1x1024x512xf32, #tpu.memory_space<vmem>>, %arg7: memref<128x1024xf32, #tpu.memory_space<vmem>>) attributes {dimension_semantics = [#tpu.dimension_semantics<arbitrary>], iteration_bounds = array<i64: 48>, scalar_prefetch = 2 : i64, scratch_operands = 0 : i64, tpu.core_type = #tpu.core_type<tc>, window_params = [{transform_indices = @transform_0, window_bounds = array<i64: 128, 1024>}, {transform_indices = @transform_1, window_bounds = array<i64: 1, 512, 1024>}, {transform_indices = @transform_2, window_bounds = array<i64: 1, 512, 1024>}, {transform_indices = @transform_3, window_bounds = array<i64: 1, 1024, 512>}, {transform_indices = @transform_4, window_bounds = array<i64: 128, 1024>}]} {
    %get3A = arith.constant 0 : index
    %get3A_0 = memref.load %arg2[%get3A] : memref<1xi32, #tpu.memory_space<smem>>
    %lt3A = arith.cmpi slt, %arg0, %get3A_0 : i32
    %convert_element_type3A = arith.extui %lt3A : i1 to i32
    %cond3A = arith.constant 0 : i32
    %cond3A_1 = arith.cmpi ne, %convert_element_type3A, %cond3A : i32
    scf.if %cond3A_1 {
      %get3A_2 = arith.constant 0 : index
      %get3A_3 = arith.constant 0 : index
      %get3A_4 = vector.load %arg3[%get3A_2, %get3A_3] : memref<128x1024xf32, #tpu.memory_space<vmem>>, vector<128x1024xf32>
      %convert_element_type3A_5 = arith.truncf %get3A_4 : vector<128x1024xf32> to vector<128x1024xbf16>
      %get3A_6 = arith.constant 0 : index
      %get3A_7 = arith.constant 0 : index
      %get3A_8 = arith.constant 0 : index
      %get3A_9 = vector.load %arg4[%get3A_6, %get3A_7, %get3A_8] : memref<1x512x1024xf32, #tpu.memory_space<vmem>>, vector<1x512x1024xf32>
      %get3A_10 = vector.shape_cast %get3A_9 : vector<1x512x1024xf32> to vector<512x1024xf32>
      %convert_element_type3A_11 = arith.truncf %get3A_10 : vector<512x1024xf32> to vector<512x1024xbf16>
      %get3A_12 = arith.constant 0 : index
      %get3A_13 = arith.constant 0 : index
      %get3A_14 = arith.constant 0 : index
      %get3A_15 = vector.load %arg5[%get3A_12, %get3A_13, %get3A_14] : memref<1x512x1024xf32, #tpu.memory_space<vmem>>, vector<1x512x1024xf32>
      %get3A_16 = vector.shape_cast %get3A_15 : vector<1x512x1024xf32> to vector<512x1024xf32>
      %convert_element_type3A_17 = arith.truncf %get3A_16 : vector<512x1024xf32> to vector<512x1024xbf16>
      %get3A_18 = arith.constant 0 : index
      %get3A_19 = arith.constant 0 : index
      %get3A_20 = arith.constant 0 : index
      %get3A_21 = vector.load %arg6[%get3A_18, %get3A_19, %get3A_20] : memref<1x1024x512xf32, #tpu.memory_space<vmem>>, vector<1x1024x512xf32>
      %get3A_22 = vector.shape_cast %get3A_21 : vector<1x1024x512xf32> to vector<1024x512xf32>
      %convert_element_type3A_23 = arith.truncf %get3A_22 : vector<1024x512xf32> to vector<1024x512xbf16>
      %dot_general3A = arith.constant dense<0.000000e+00> : vector<128x512xf32>
      %dot_general3A_24 = tpu.matmul %convert_element_type3A_5, %convert_element_type3A_11, %dot_general3A {dimension_numbers = #tpu.dot_dimension_numbers<[1], [1], [0], [0], [0, 0, 1, 0], [], []>, transpose_lhs_hint = false} : vector<128x1024xbf16>, vector<512x1024xbf16>, vector<128x512xf32> -> vector<128x512xf32>
      %dot_general3A_25 = arith.constant dense<0.000000e+00> : vector<128x512xf32>
      %dot_general3A_26 = tpu.matmul %convert_element_type3A_5, %convert_element_type3A_17, %dot_general3A_25 {dimension_numbers = #tpu.dot_dimension_numbers<[1], [1], [0], [0], [0, 0, 1, 0], [], []>, transpose_lhs_hint = false} : vector<128x1024xbf16>, vector<512x1024xbf16>, vector<128x512xf32> -> vector<128x512xf32>
      %logistic3A = arith.negf %dot_general3A_24 : vector<128x512xf32>
      %logistic3A_27 = math.exp %logistic3A : vector<128x512xf32>
      %logistic3A_28 = arith.constant 1.000000e+00 : f32
      %logistic3A_29 = vector.broadcast %logistic3A_28 : f32 to vector<128x512xf32>
      %logistic3A_30 = arith.addf %logistic3A_29, %logistic3A_27 : vector<128x512xf32>
      %logistic3A_31 = arith.divf %logistic3A_29, %logistic3A_30 : vector<128x512xf32>
      %mul3A = arith.mulf %dot_general3A_24, %logistic3A_31 : vector<128x512xf32>
      %mul3A_32 = arith.mulf %mul3A, %dot_general3A_26 : vector<128x512xf32>
      %convert_element_type3A_33 = arith.truncf %mul3A_32 : vector<128x512xf32> to vector<128x512xbf16>
      %dot_general3A_34 = arith.constant dense<0.000000e+00> : vector<128x1024xf32>
      %dot_general3A_35 = tpu.matmul %convert_element_type3A_33, %convert_element_type3A_23, %dot_general3A_34 {dimension_numbers = #tpu.dot_dimension_numbers<[1], [1], [0], [0], [0, 0, 1, 0], [], []>, transpose_lhs_hint = false} : vector<128x512xbf16>, vector<1024x512xbf16>, vector<128x1024xf32> -> vector<128x1024xf32>
      %swap3A = arith.constant 0 : index
      %swap3A_36 = arith.constant 0 : index
      %swap3A_37 = vector.load %arg7[%swap3A, %swap3A_36] : memref<128x1024xf32, #tpu.memory_space<vmem>>, vector<128x1024xf32>
      tpu.vector_store %arg7[%swap3A, %swap3A_36], %dot_general3A_35 {strides = array<i32>} : memref<128x1024xf32, #tpu.memory_space<vmem>>, vector<128x1024xf32>,
    } else {
    }
    return
  }
  func.func @transform_0(%arg0: i32, %arg1: memref<48xi32, #tpu.memory_space<smem>>, %arg2: memref<1xi32, #tpu.memory_space<smem>>) -> (i32, i32) {
    %get3A = arith.constant 0 : index
    %get3A_0 = memref.load %arg2[%get3A] : memref<1xi32, #tpu.memory_space<smem>>
    %sub3A = arith.constant 1 : i32
    %sub3A_1 = arith.subi %get3A_0, %sub3A : i32
    %min3A = arith.minsi %arg0, %sub3A_1 : i32
    %c0_i32 = arith.constant 0 : i32
    %c0_i32_2 = arith.constant 0 : i32
    return %min3A, %c0_i32 : i32, i32
  }
  func.func @transform_1(%arg0: i32, %arg1: memref<48xi32, #tpu.memory_space<smem>>, %arg2: memref<1xi32, #tpu.memory_space<smem>>) -> (i32, i32, i32) {
    %get3A = arith.index_cast %arg0 : i32 to index
    %get3A_0 = memref.load %arg1[%get3A] : memref<48xi32, #tpu.memory_space<smem>>
    %c0_i32 = arith.constant 0 : i32
    %c0_i32_1 = arith.constant 0 : i32
    %c0_i32_2 = arith.constant 0 : i32
    return %get3A_0, %c0_i32, %c0_i32_1 : i32, i32, i32
  }
  func.func @transform_2(%arg0: i32, %arg1: memref<48xi32, #tpu.memory_space<smem>>, %arg2: memref<1xi32, #tpu.memory_space<smem>>) -> (i32, i32, i32) {
    %get3A = arith.index_cast %arg0 : i32 to index
    %get3A_0 = memref.load %arg1[%get3A] : memref<48xi32, #tpu.memory_space<smem>>
    %c0_i32 = arith.constant 0 : i32
    %c0_i32_1 = arith.constant 0 : i32
    %c0_i32_2 = arith.constant 0 : i32
    return %get3A_0, %c0_i32, %c0_i32_1 : i32, i32, i32
  }
  func.func @transform_3(%arg0: i32, %arg1: memref<48xi32, #tpu.memory_space<smem>>, %arg2: memref<1xi32, #tpu.memory_space<smem>>) -> (i32, i32, i32) {
    %get3A = arith.index_cast %arg0 : i32 to index
    %get3A_0 = memref.load %arg1[%get3A] : memref<48xi32, #tpu.memory_space<smem>>
    %c0_i32 = arith.constant 0 : i32
    %c0_i32_1 = arith.constant 0 : i32
    %c0_i32_2 = arith.constant 0 : i32
    return %get3A_0, %c0_i32, %c0_i32_1 : i32, i32, i32
  }
  func.func @transform_4(%arg0: i32, %arg1: memref<48xi32, #tpu.memory_space<smem>>, %arg2: memref<1xi32, #tpu.memory_space<smem>>) -> (i32, i32) {
    %get3A = arith.constant 0 : index
    %get3A_0 = memref.load %arg2[%get3A] : memref<1xi32, #tpu.memory_space<smem>>
    %sub3A = arith.constant 1 : i32
    %sub3A_1 = arith.subi %get3A_0, %sub3A : i32
    %min3A = arith.minsi %arg0, %sub3A_1 : i32
    %c0_i32 = arith.constant 0 : i32
    %c0_i32_2 = arith.constant 0 : i32
    return %min3A, %c0_i32 : i32, i32
  }
}

module attributes {stable_mosaic.version = 14 : i64} {
  func.func @_shared_body(%arg0: i32, %arg1: memref<256x1024xf32, #tpu.memory_space<vmem>>, %arg2: memref<1024x1024xf32, #tpu.memory_space<vmem>>, %arg3: memref<1024x1024xf32, #tpu.memory_space<vmem>>, %arg4: memref<1024x1024xf32, #tpu.memory_space<vmem>>, %arg5: memref<256x1024xf32, #tpu.memory_space<vmem>>) attributes {dimension_semantics = [#tpu.dimension_semantics<arbitrary>], iteration_bounds = array<i64: 8>, scalar_prefetch = 0 : i64, scratch_operands = 0 : i64, tpu.core_type = #tpu.core_type<tc>, window_params = [{transform_indices = @transform_0, window_bounds = array<i64: 256, 1024>}, {pipeline_mode = #tpu.pipeline_mode<synchronous>, transform_indices = @transform_1, window_bounds = array<i64: 1024, 1024>}, {pipeline_mode = #tpu.pipeline_mode<synchronous>, transform_indices = @transform_2, window_bounds = array<i64: 1024, 1024>}, {pipeline_mode = #tpu.pipeline_mode<synchronous>, transform_indices = @transform_3, window_bounds = array<i64: 1024, 1024>}, {transform_indices = @transform_4, window_bounds = array<i64: 256, 1024>}]} {
    %get3A = arith.constant 0 : index
    %get3A_0 = arith.constant 0 : index
    %get3A_1 = vector.load %arg1[%get3A, %get3A_0] : memref<256x1024xf32, #tpu.memory_space<vmem>>, vector<256x1024xf32>
    %convert_element_type3A = arith.truncf %get3A_1 : vector<256x1024xf32> to vector<256x1024xbf16>
    %get3A_2 = arith.constant 0 : index
    %get3A_3 = arith.constant 0 : index
    %get3A_4 = vector.load %arg2[%get3A_2, %get3A_3] : memref<1024x1024xf32, #tpu.memory_space<vmem>>, vector<1024x1024xf32>
    %convert_element_type3A_5 = arith.truncf %get3A_4 : vector<1024x1024xf32> to vector<1024x1024xbf16>
    %get3A_6 = arith.constant 0 : index
    %get3A_7 = arith.constant 0 : index
    %get3A_8 = vector.load %arg3[%get3A_6, %get3A_7] : memref<1024x1024xf32, #tpu.memory_space<vmem>>, vector<1024x1024xf32>
    %convert_element_type3A_9 = arith.truncf %get3A_8 : vector<1024x1024xf32> to vector<1024x1024xbf16>
    %get3A_10 = arith.constant 0 : index
    %get3A_11 = arith.constant 0 : index
    %get3A_12 = vector.load %arg4[%get3A_10, %get3A_11] : memref<1024x1024xf32, #tpu.memory_space<vmem>>, vector<1024x1024xf32>
    %convert_element_type3A_13 = arith.truncf %get3A_12 : vector<1024x1024xf32> to vector<1024x1024xbf16>
    %dot_general3A = arith.constant dense<0.000000e+00> : vector<256x1024xf32>
    %dot_general3A_14 = tpu.matmul %convert_element_type3A, %convert_element_type3A_5, %dot_general3A {dimension_numbers = #tpu.dot_dimension_numbers<[1], [1], [0], [0], [0, 0, 1, 0], [], []>, transpose_lhs_hint = false} : vector<256x1024xbf16>, vector<1024x1024xbf16>, vector<256x1024xf32> -> vector<256x1024xf32>
    %dot_general3A_15 = arith.constant dense<0.000000e+00> : vector<256x1024xf32>
    %dot_general3A_16 = tpu.matmul %convert_element_type3A, %convert_element_type3A_9, %dot_general3A_15 {dimension_numbers = #tpu.dot_dimension_numbers<[1], [1], [0], [0], [0, 0, 1, 0], [], []>, transpose_lhs_hint = false} : vector<256x1024xbf16>, vector<1024x1024xbf16>, vector<256x1024xf32> -> vector<256x1024xf32>
    %logistic3A = arith.negf %dot_general3A_14 : vector<256x1024xf32>
    %logistic3A_17 = math.exp %logistic3A : vector<256x1024xf32>
    %logistic3A_18 = arith.constant 1.000000e+00 : f32
    %logistic3A_19 = vector.broadcast %logistic3A_18 : f32 to vector<256x1024xf32>
    %logistic3A_20 = arith.addf %logistic3A_19, %logistic3A_17 : vector<256x1024xf32>
    %logistic3A_21 = arith.divf %logistic3A_19, %logistic3A_20 : vector<256x1024xf32>
    %mul3A = arith.mulf %dot_general3A_14, %logistic3A_21 : vector<256x1024xf32>
    %mul3A_22 = arith.mulf %mul3A, %dot_general3A_16 : vector<256x1024xf32>
    %convert_element_type3A_23 = arith.truncf %mul3A_22 : vector<256x1024xf32> to vector<256x1024xbf16>
    %dot_general3A_24 = arith.constant dense<0.000000e+00> : vector<256x1024xf32>
    %dot_general3A_25 = tpu.matmul %convert_element_type3A_23, %convert_element_type3A_13, %dot_general3A_24 {dimension_numbers = #tpu.dot_dimension_numbers<[1], [1], [0], [0], [0, 0, 1, 0], [], []>, transpose_lhs_hint = false} : vector<256x1024xbf16>, vector<1024x1024xbf16>, vector<256x1024xf32> -> vector<256x1024xf32>
    %swap3A = arith.constant 0 : index
    %swap3A_26 = arith.constant 0 : index
    %swap3A_27 = vector.load %arg5[%swap3A, %swap3A_26] : memref<256x1024xf32, #tpu.memory_space<vmem>>, vector<256x1024xf32>
    tpu.vector_store %arg5[%swap3A, %swap3A_26], %dot_general3A_25 {strides = array<i32>} : memref<256x1024xf32, #tpu.memory_space<vmem>>, vector<256x1024xf32>,
    return
  }
  func.func @transform_0(%arg0: i32) -> (i32, i32) {
    %c0_i32 = arith.constant 0 : i32
    %c0_i32_0 = arith.constant 0 : i32
    return %arg0, %c0_i32 : i32, i32
  }
  func.func @transform_1(%arg0: i32) -> (i32, i32) {
    %c0_i32 = arith.constant 0 : i32
    %c0_i32_0 = arith.constant 0 : i32
    %c0_i32_1 = arith.constant 0 : i32
    return %c0_i32, %c0_i32_0 : i32, i32
  }
  func.func @transform_2(%arg0: i32) -> (i32, i32) {
    %c0_i32 = arith.constant 0 : i32
    %c0_i32_0 = arith.constant 0 : i32
    %c0_i32_1 = arith.constant 0 : i32
    return %c0_i32, %c0_i32_0 : i32, i32
  }
  func.func @transform_3(%arg0: i32) -> (i32, i32) {
    %c0_i32 = arith.constant 0 : i32
    %c0_i32_0 = arith.constant 0 : i32
    %c0_i32_1 = arith.constant 0 : i32
    return %c0_i32, %c0_i32_0 : i32, i32
  }
  func.func @transform_4(%arg0: i32) -> (i32, i32) {
    %c0_i32 = arith.constant 0 : i32
    %c0_i32_0 = arith.constant 0 : i32
    return %arg0, %c0_i32 : i32, i32
  }
}

module attributes {stable_mosaic.version = 14 : i64} {
  func.func @_epilogue_body(%arg0: i32, %arg1: memref<256x1024xf32, #tpu.memory_space<vmem>>, %arg2: memref<256x1024xf32, #tpu.memory_space<vmem>>, %arg3: memref<256x1024xf32, #tpu.memory_space<vmem>>, %arg4: memref<256x2xf32, #tpu.memory_space<vmem>>, %arg5: memref<256x1024xf32, #tpu.memory_space<vmem>>) attributes {dimension_semantics = [#tpu.dimension_semantics<arbitrary>], iteration_bounds = array<i64: 8>, scalar_prefetch = 0 : i64, scratch_operands = 0 : i64, tpu.core_type = #tpu.core_type<tc>, window_params = [{transform_indices = @transform_0, window_bounds = array<i64: 256, 1024>}, {transform_indices = @transform_1, window_bounds = array<i64: 256, 1024>}, {transform_indices = @transform_2, window_bounds = array<i64: 256, 1024>}, {transform_indices = @transform_3, window_bounds = array<i64: 256, 2>}, {transform_indices = @transform_4, window_bounds = array<i64: 256, 1024>}]} {
    %get3A = arith.constant 0 : index
    %get3A_0 = arith.constant 0 : index
    %get3A_1 = vector.load %arg4[%get3A, %get3A_0] : memref<256x2xf32, #tpu.memory_space<vmem>>, vector<256x2xf32>
    %get3A_2 = arith.constant 0 : index
    %get3A_3 = arith.constant 0 : index
    %get3A_4 = vector.load %arg1[%get3A_2, %get3A_3] : memref<256x1024xf32, #tpu.memory_space<vmem>>, vector<256x1024xf32>
    %slice3A = vector.extract_strided_slice %get3A_1 {offsets = [0, 0], sizes = [256, 1], strides = [1, 1]} : vector<256x2xf32> to vector<256x1xf32>
    %get3A_5 = arith.constant 0 : index
    %get3A_6 = arith.constant 0 : index
    %get3A_7 = vector.load %arg2[%get3A_5, %get3A_6] : memref<256x1024xf32, #tpu.memory_space<vmem>>, vector<256x1024xf32>
    %mul3A = vector.broadcast %slice3A : vector<256x1xf32> to vector<256x1024xf32>
    %mul3A_8 = arith.mulf %mul3A, %get3A_7 : vector<256x1024xf32>
    %add3A = arith.addf %get3A_4, %mul3A_8 : vector<256x1024xf32>
    %slice3A_9 = vector.extract_strided_slice %get3A_1 {offsets = [0, 1], sizes = [256, 1], strides = [1, 1]} : vector<256x2xf32> to vector<256x1xf32>
    %get3A_10 = arith.constant 0 : index
    %get3A_11 = arith.constant 0 : index
    %get3A_12 = vector.load %arg3[%get3A_10, %get3A_11] : memref<256x1024xf32, #tpu.memory_space<vmem>>, vector<256x1024xf32>
    %mul3A_13 = vector.broadcast %slice3A_9 : vector<256x1xf32> to vector<256x1024xf32>
    %mul3A_14 = arith.mulf %mul3A_13, %get3A_12 : vector<256x1024xf32>
    %add3A_15 = arith.addf %add3A, %mul3A_14 : vector<256x1024xf32>
    %swap3A = arith.constant 0 : index
    %swap3A_16 = arith.constant 0 : index
    %swap3A_17 = vector.load %arg5[%swap3A, %swap3A_16] : memref<256x1024xf32, #tpu.memory_space<vmem>>, vector<256x1024xf32>
    tpu.vector_store %arg5[%swap3A, %swap3A_16], %add3A_15 {strides = array<i32>} : memref<256x1024xf32, #tpu.memory_space<vmem>>, vector<256x1024xf32>,
    return
  }
  func.func @transform_0(%arg0: i32) -> (i32, i32) {
    %c0_i32 = arith.constant 0 : i32
    %c0_i32_0 = arith.constant 0 : i32
    return %arg0, %c0_i32 : i32, i32
  }
  func.func @transform_1(%arg0: i32) -> (i32, i32) {
    %c0_i32 = arith.constant 0 : i32
    %c0_i32_0 = arith.constant 0 : i32
    return %arg0, %c0_i32 : i32, i32
  }
  func.func @transform_2(%arg0: i32) -> (i32, i32) {
    %c0_i32 = arith.constant 0 : i32
    %c0_i32_0 = arith.constant 0 : i32
    return %arg0, %c0_i32 : i32, i32
  }
  func.func @transform_3(%arg0: i32) -> (i32, i32) {
    %c0_i32 = arith.constant 0 : i32
    %c0_i32_0 = arith.constant 0 : i32
    return %arg0, %c0_i32 : i32, i32
  }
  func.func @transform_4(%arg0: i32) -> (i32, i32) {
    %c0_i32 = arith.constant 0 : i32
    %c0_i32_0 = arith.constant 0 : i32
    return %arg0, %c0_i32 : i32, i32
  }
}

</mosaic_0001>

<sc_bundles>
// kernel: kernel.11.cloned.1.call-start
scs
__scs_entry_jumppad:
0x0: {  	(pc) =	sbr.rel $0x88, $3  }
0x1: {  	(tag) =	ssettag $0x0;
	lr =	simm.s32 $0x1  }
0x2: {  	[smem:$0x3F98] =	sst lr;
	_ =	strace $0xD0000000  }
0x3: {  	_ = 	snop  }
0x4: {  	_ = 	snop  }
0x5: {  	_ = 	snop  }
0x6: {  	_ = 	snop  }
0x7: {  	_ = 	snop  }
__scs_overlays_trampoline_lowered:
0x8: {  	[smem:$0x3FA7] =	sst s0  }
0x9: {  	[smem:$0x3FA8] =	sst s1  }
0xa: {  	[smem:$0x3FA9] =	sst s2  }
0xb: {  	[smem:$0x3FAA] =	sst s3  }
0xc: {  	[smem:$0x3FAB] =	sst s4  }
0xd: {  	[smem:$0x3FAC] =	sst s5  }
0xe: {  	[smem:$0x3FAD] =	sst s6  }
0xf: {  	[smem:$0x3FAE] =	sst s7  }
0x10: {  	[smem:$0x3FAF] =	sst s8  }
0x11: {  	[smem:$0x3FB0] =	sst s9;
	s0 =	simm.s32 @!p0 $0x0  }
0x12: {  	s1 =	sld [smem:$0x3F96];
	s0 =	simm.s32 @p0 $0x1  }
0x13: {  	[smem:$0x3FB1] =	sst s0;
	s0 =	simm.s32 @!p1 $0x0  }
0x14: {  	s2 =	sld [smem:$0x3F95];
	s0 =	simm.s32 @p1 $0x1  }
0x15: {  	[smem:$0x3FB2] =	sst s0;
	s0 =	simm.s32 @!p2 $0x0  }
0x16: {  	s3 =	sld [smem:$0x3FDB];
	s0 =	simm.s32 @p2 $0x1  }
0x17: {  	s4 =	simm.s32 $0x1BF5;
	[smem:$0x3FB4] =	sst s0  }
0x18: {  	s0 =	sld [smem:$0x3F97];
	_ =	swait.ge [sflag:s4], $0x0  }
0x19: {  	s7 =	sld [smem:$0x3F98]  }
0x1a: {  	s8 =	sadd.s32 $0xFFFFE003, lr  }
0x1b: {  	s9 =	sadd.s32 $0xFFFFFEF7, lr;
	s5 =	simm.s32 $0xFFFFFFFF;
	p2 =	slt.u32 s8, $0xFFFFF086  }
0x1c: {  	p1 =	slt.u32 s9, $0xF7A;
	s5 =	simm.s32 @!p2 $0x0  }
0x1d: {  	s5 =	simm.s32 @p1 $0x1;
	p0 =	seq.s32 s7, s2  }
0x1e: {  	s7 =	smul.u32 @!p0 $0xF7A, s2;
	p2 =	seq.s32 @!p0 s5, $0x0  }
0x1f: {  	s9 =	smul.u32 $0xF7A, s1;
	s8 =	simm.s32 @!p0 $0x1BF5;
	p2 =	por !p2, p0  }
0x20: {  	[sflag:s8] =	ssyncset.s32 @!p0 $0xFFFFF086;
	s6 =	sadd.s32 @!p0 s3, s7;
	s7 =	simm.s32 @!p0 $0x108  }
0x21: {  	s3 =	sadd.s32 s3, s9;
	s6 =	sadd.s32 @!p0 $0x88, s6;
	s7 =	simm.s32 @p2 $0x1082  }
0x22: {  	[simem:s7], [sflag:s8] =	dma.local @!p0 [hbm:s6], $0xF7A  }
0x23: {  	s9 =	sor.u32 $0xD0000000, s2;
	s6 =	simm.s32 $0x108;
	_ =	swait.ge @!p0 [sflag:s8], $0x0  }
0x24: {  	s3 =	sadd.s32 $0x88, s3;
	s6 =	simm.s32 @!p1 $0x1082;
	[sflag:s4] =	ssyncset.s32 $0xFFFFF086  }
0x25: {  	[simem:s6], [sflag:s4] =	dma.local [hbm:s3], $0xF7A  }
0x26: {  	[smem:$0x3F98] =	sst s1;
	(tag) =	ssettag s2;
	_ =	strace s9  }
0x27: {  	s1 =	sld [smem:$0x3FA8]  }
0x28: {  	s2 =	sld [smem:$0x3FA9]  }
0x29: {  	s4 =	sld [smem:$0x3FAB]  }
0x2a: {  	p0 =	seq.s32 s5, $0x0;
	s5 =	sld [smem:$0x3FAC]  }
0x2b: {  	s6 =	sld [smem:$0x3FAD]  }
0x2c: {  	s7 =	sld [smem:$0x3FAE]  }
0x2d: {  	s3 =	simm.s32 $0x108;
	s8 =	sld [smem:$0x3FAF]  }
0x2e: {  	s3 =	simm.s32 @!p0 $0x1082;
	s9 =	sld [smem:$0x3FB0]  }
0x2f: {  	lr =	sadd.s32 s0, s3;
	s0 =	sld [smem:$0x3FA7]  }
0x30: {  	s3 =	sld [smem:$0x3FAA]  }
0x31: {  	[smem:$0x3FB3] =	sst s10  }
0x32: {  	s10 =	sld [smem:$0x3FB1];
	_ =	sdelay $0x3  }
0x33: {  	p0 =	seq.s32 s10, $0x1;
	s10 =	sld [smem:$0x3FB3];
	_ =	sdelay $0x3  }
0x34: {  	[smem:$0x3FB3] =	sst s10  }
0x35: {  	s10 =	sld [smem:$0x3FB2];
	_ =	sdelay $0x3  }
0x36: {  	p1 =	seq.s32 s10, $0x1;
	s10 =	sld [smem:$0x3FB3];
	_ =	sdelay $0x3  }
0x37: {  	[smem:$0x3FB3] =	sst s10  }
0x38: {  	s10 =	sld [smem:$0x3FB4]  }
0x39: {  	_ = 	snop;
	(pc) =	sbr.ind lr, $3  }
0x3a: {  	_ = 	snop  }
0x3b: {  	_ = 	snop  }
0x3c: {  	p2 =	seq.s32 s10, $0x1;
	s10 =	sld [smem:$0x3FB3]  }
0x3d: {  	_ =	shalt  }
0x3e: {  	_ =	shalt  }
0x3f: {  	_ =	shalt  }
0x40: {  	_ =	shalt  }
0x41: {  	_ =	shalt  }
0x42: {  	_ =	shalt  }
0x43: {  	_ =	shalt  }
0x44: {  	_ =	shalt  }
0x45: {  	_ =	shalt  }
0x46: {  	_ =	shalt  }
0x47: {  	_ =	shalt  }
0x48: {  	_ =	shalt  }
0x49: {  	_ =	shalt  }
0x4a: {  	_ =	shalt  }
0x4b: {  	_ =	shalt  }
0x4c: {  	_ =	shalt  }
0x4d: {  	_ =	shalt  }
0x4e: {  	_ =	shalt  }
0x4f: {  	_ =	shalt  }
0x50: {  	_ =	shalt  }
0x51: {  	_ =	shalt  }
0x52: {  	_ =	shalt  }
0x53: {  	_ =	shalt  }
0x54: {  	_ =	shalt  }
0x55: {  	_ =	shalt  }
0x56: {  	_ =	shalt  }
0x57: {  	_ =	shalt  }
0x58: {  	_ =	shalt  }
0x59: {  	_ =	shalt  }
0x5a: {  	_ =	shalt  }
0x5b: {  	_ =	shalt  }
0x5c: {  	_ =	shalt  }
0x5d: {  	_ =	shalt  }
0x5e: {  	_ =	shalt  }
0x5f: {  	_ =	shalt  }
0x60: {  	_ =	shalt  }
0x61: {  	_ =	shalt  }
0x62: {  	_ =	shalt  }
0x63: {  	_ =	shalt  }
0x64: {  	_ =	shalt  }
0x65: {  	_ =	shalt  }
0x66: {  	_ =	shalt  }
0x67: {  	_ =	shalt  }
0x68: {  	_ =	shalt  }
0x69: {  	_ =	shalt  }
0x6a: {  	_ =	shalt  }
0x6b: {  	_ =	shalt  }
0x6c: {  	_ =	shalt  }
0x6d: {  	_ =	shalt  }
0x6e: {  	_ =	shalt  }
0x6f: {  	_ =	shalt  }
0x70: {  	_ =	shalt  }
0x71: {  	_ =	shalt  }
0x72: {  	_ =	shalt  }
0x73: {  	_ =	shalt  }
0x74: {  	_ =	shalt  }
0x75: {  	_ =	shalt  }
0x76: {  	_ =	shalt  }
0x77: {  	_ =	shalt  }
0x78: {  	_ =	shalt  }
0x79: {  	_ =	shalt  }
0x7a: {  	_ =	shalt  }
0x7b: {  	_ =	shalt  }
0x7c: {  	_ =	shalt  }
0x7d: {  	_ =	shalt  }
0x7e: {  	_ =	shalt  }
0x7f: {  	_ =	shalt  }
0x80: {  	_ =	shalt  }
0x81: {  	_ =	shalt  }
0x82: {  	_ =	shalt  }
0x83: {  	_ =	shalt  }
0x84: {  	_ =	shalt  }
0x85: {  	_ =	shalt  }
0x86: {  	_ =	shalt  }
0x87: {  	_ =	shalt  }
.Lfunc_end0:
.L_simem_size_0:
called_computation.1_lowered:
.L_overlay_start_0:
0x88: {  	s2 =	sld [smem:$0x3FD9]  }
0x89: {  	s3 =	sld [smem:$0x3FFE];
	_ =	sdelay $0x1  }
0x8a: {  	s1 =	srdreg.scid  }
0x8b: {  	s0 =	sand.u32 $0x1, s1  }
0x8c: {  	s17 =	sshll.u32 s0, $0xA;
	s2 =	sadd.s32 s3, s2  }
0x8d: {  	s2 =	sadd.s32 s2, s17  }
0x8e: {  	[smem:$0x3FBF] =	sst s2  }
0x8f: {  	_ = 	snop  }
0x90: {  	s2 =	sld [smem:$0x3FD0];
	(tm) =	ssettm $0x1  }
0x91: {  	s18 =	sld [smem:$0x3FFB];
	_ =	sdelay $0x3  }
0x92: {  	_ =	strace s18  }
0x93: {  	s3 =	sld [smem:$0x3FFC];
	_ =	sdelay $0x3  }
0x94: {  	_ =	strace s3  }
0x95: {  	s3 =	sld [smem:$0x3FFD];
	_ =	sdelay $0x3  }
0x96: {  	_ =	strace s3  }
0x97: {  	_ =	strace $0x8FFFFFFF  }
0x98: {  	s19 =	sld [smem:$0x3FDB];
	_ =	sdelay $0x1  }
0x99: {  	s4 =	simm.s32 $_scs_section_size  }
0x9a: {  	s5 =	simm.s32 $_size__tile_overlayer_lowered;
	s6 =	simm.s32 $_tile_overlayer_lowered  }
0x9b: {  	s22 =	simm.s32 $0x1BFF;
	s21 =	sshll.u32 s6, $0x1;
	s3 =	sadd.s32 s4, s19  }
0x9c: {  	s7 =	simm.s32 $0x0;
	s20 =	sshll.u32 s5, $0x1;
	s5 =	sadd.s32 s21, s3  }
0x9d: {  	[timem:s7], [sflag:s22] =	dma.local [hbm:s5], s20  }
0x9e: {  	_ =	swait.ge [sflag:s22], s20  }
0x9f: {  	s4 =	ssub.s32 $0x0, s20;
	[sflag:s22] =	ssyncset.done $0x0  }
0xa0: {  	[sflag:s22] =	ssyncadd.s32 s4;
	_ =	sdelay $0x1  }
0xa1: {  	s23 =	simm.s32 $0x1B8B  }
0xa2: {  	_ =	swait.ge [sflag:s23], $0x1  }
0xa3: {  	[sflag:s23] =	ssyncset.done $0x0  }
0xa4: {  	s25 =	simm.s32 $0x1B8E;
	s24 =	sld [smem:$0x3FFE];
	[sflag:s23] =	ssyncadd.s32 $0xFFFFFFFF  }
0xa5: {  	s26 =	simm.s32 $execute0_lowered;
	[smem:$0x3FD2] =	sst s25  }
0xa6: {  	s5 =	sshll.u32 s26, $0x1;
	_ =	strace $0x80000051;
	[dreg:$0x1] =	wrdreg $0xFFFFFFFF  }
0xa7: {  	s28 =	simm.s32 $_size_execute0_lowered;
	s3 =	sadd.s32 s3, s5;
	[dreg:$0x0] =	wrdreg $0x0  }
0xa8: {  	s5 =	sshll.u32 s28, $0x1;
	[dreg:$0x2] =	wrdreg s3  }
0xa9: {  	[dreg:$0x3] =	wrdreg s5  }
0xaa: {  	[dreg:$0x4] =	wrdreg $0xC0  }
0xab: {  	_ =	task [dreg:s7], $0x5FFFF  }
0xac: {  	[dreg:$0x1] =	wrdreg $0xFFFFFFFF  }
0xad: {  	[dreg:$0x0] =	wrdreg $0x60  }
0xae: {  	[dreg:$0x2] =	wrdreg s24  }
0xaf: {  	[dreg:$0x3] =	wrdreg s2  }
0xb0: {  	[dreg:$0x4] =	wrdreg $0x9  }
0xb1: {  	_ =	task.clear_ibuf [dreg:s7], $0x5FFFF;
	_ =	strace $0x90000051  }
0xb2: {  	s29 =	simm.s32 $0x9;
	_ =	strace $0x8000005E  }
0xb3: {  	_ =	swait.ge [sflag:s29], $0x1  }
0xb4: {  	[sflag:s29] =	ssyncadd.s32 $0xFFFFFFFF  }
0xb5: {  	_ =	strace $0x9000005E  }
0xb6: {  	_ =	sfence  }
0xb7: {  	s30 =	sld [smem:$0x0];
	_ =	sdelay $0x2  }
0xb8: {  	s31 =	sshll.u32 s1, $0xD;
	s1 =	sshrl.u32 s1, $0x2  }
0xb9: {  	s3 =	sand.u32 $0x4000, s31;
	s1 =	sadd.s32 s1, s30  }
0xba: {  	s0 =	sor.u32 s3, s0;
	s1 =	sshll.u32 s1, $0x11  }
0xbb: {  	s0 =	sor.u32 s1, s0  }
0xbc: {  	s0 =	sadd.s32 $0x8F2B, s0  }
0xbd: {  	[sflag:s0] =	ssyncadd.remote.s32 $0x1  }
0xbe: {  	_ =	sfence.sel $0xFFFF  }
0xbf: {  	[dreg:$0x0] =	wrdreg $0xFFFFFFFF;
	(pc) =	sbr.abs _section_cstart, $3  }
0xc0: {  	[dreg:$0x1] =	wrdreg $0xFFFFFFFF  }
0xc1: {  	_ =	task.clear_ibuf [dreg:s7], $0x2FFFF;
	_ =	strace $0x9FFFFFFF  }
0xc2: {  	(tm) =	ssettm $0x7FFFFFFF  }
0xc3: {  	_ =	shalt  }
tec
execute0_lowered:
.L_overlay_start_1:
0x0: {  	(tag) =	ssettag $0x1  }
0x1: {  	s0 =	rddreg [dreg:$0x0]  }
0x2: {  	s1 =	rddreg [dreg:$0x1];
	s3 =	simm.s32 $0x0  }
0x3: {  	s2 =	srdreg.scid;
	s9 =	stileid.u32;
	s16 =	simm.s32 $0x9  }
0x4: {  	s17 =	simm.s32 $0x0;
	[smem:$0x7FF] =	sst s3;
	s2 =	sand.u32 $0x1, s2  }
0x5: {  	s4 =	sadd.s32 $0xC2A00, s0;
	s8 =	sshll.u32 s9, $0x2;
	s7 =	sshll.u32 s2, $0x6  }
0x6: {  	s5 =	sadd.s32 $0xC1A00, s0;
	s6 =	sadd.s32 $0xC2200, s0;
	s7 =	sor.u32 s8, s7  }
0x7: {  	s9 =	sshll.u32 s9, $0x6;
	s12 =	sadd.s32 $0xC2C00, s0;
	s8 =	sshll.u32 s7, $0x4  }
0x8: {  	s2 =	ssub.s32 $0x2, s2;
	s9 =	sand.u32 $0x40, s9;
	s11 =	sand.u32 $0x780, s8  }
0x9: {  	s13 =	sadd.s32 $0xC2D00, s0;
	s10 =	sshrl.u32 s2, $0x1;
	s30 =	sor.u32 s9, s11  }
0xa: {  	v2 =	vlaneseq.u32;
	_ =	strace $0x80000052;
	s2 =	ssub.s32 s2, s10;
	s9 =	sadd.s32 s5, s30  }
0xb: {  	vm0 =	vmmov $0xffff;
	v1 =	vshrl.u32 v2, $0x3;
	s8 =	sadd.s32 $0x1400, s0;
	s31 =	sadd.s32 s6, s30;
	[dreg:$0x3] =	wrdreg s9  }
0xc: {  	v0 =	vand.u32 $0x7, v2;
	v2 =	vor.u32 $0x8, v2;
	v1 =	vmul.u32 $0x8, v1;
	s14 =	smax.u32 s2, $0x1;
	s11 =	sadd.s32 $0xC2B00, s0;
	[dreg:$0x4] =	wrdreg s31  }
.LBB2_1:
0xd: {  	_ =	strace $0x80000053;
	s2 =	simm.s32 $0x100;
	s28 =	simm.s32 $0x1  }
0xe: {  	s19 =	simm.s32 $0x4;
	s29 =	simm.s32 $0x0;
	s18 =	simm.s32 $0x0  }
0xf: {  	s20 =	simm.s32 $0x0;
	s25 =	simm.s32 $0x0;
	s0 =	rddreg [dreg:$0x3]  }
0x10: {  	[tilespmem:s3], [sflag:$0x1] =	stream.linear.gather [hbm4b:s0+s3], $0x80, $0x200038;
	[tilespmem:$0x10200] =	vst v63  }
0x11: {  	s21 =	simm.s32 $0x0;
	s22 =	simm.s32 $0x0;
	s31 =	rddreg [dreg:$0x4]  }
0x12: {  	[tilespmem:s2], [sflag:$0x3] =	stream.linear.gather [hbm4b:s31+s3], $0x80, $0x200038;
	[tilespmem:$0x10200] =	vst v63  }
0x13: {  	s23 =	simm.s32 $0x1;
	s24 =	simm.s32 $0x0;
	_ =	strace $0x90000053  }
.LBB2_2:
0x14: {  	s26 =	sadd.s32 $0x1, s29  }
0x15: {  	p0 =	seq.s32 s26, $0x4  }
0x16: {  	s26 =	simm.s32 @p0 $0x0;
	p0 =	seq.s32 s19, $0x1  }
0x17: {  	p1 =	seq.s32 @!p0 s29, s26  }
0x18: {  	p2 =	por p1, p0  }
0x19: {  	s0 =	sadd.s32 @!p2 s7, s26  }
0x1a: {  	s2 =	sand.u32 @!p2 $0x1, s28;
	s0 =	sshll.u32 @!p2 s0, $0x4  }
0x1b: {  	_ =	strace @!p2 $0x80000054;
	s31 =	simm.s32 @!p2 $0x0;
	s0 =	sand.u32 @!p2 $0x1FFFFFF0, s0  }
0x1c: {  	s15 =	sshll.u32 @!p2 s2, $0x7;
	s2 =	sadd.s32 @!p2 $0x1, s2;
	s30 =	sadd.s32 @!p2 s5, s0  }
0x1d: {  	[tilespmem:s15], [sflag:s2] =	stream.linear.gather @!p2 [hbm4b:s30+s31], $0x80, $0x200038;
	[tilespmem:$0x10200] =	vst v63  }
0x1e: {  	s2 =	sand.u32 @!p2 $0x1, s23  }
0x1f: {  	s0 =	sadd.s32 @!p2 s6, s0;
	_ =	strace @!p2 $0x90000054;
	s15 =	sshll.u32 @!p2 s2, $0x7  }
0x20: {  	s2 =	sadd.s32 @!p2 $0x3, s2;
	_ =	strace @!p2 $0x80000055;
	s15 =	sor.u32 @!p2 $0x100, s15  }
0x21: {  	[tilespmem:s15], [sflag:s2] =	stream.linear.gather @!p2 [hbm4b:s0+s31], $0x80, $0x200038;
	[tilespmem:$0x10200] =	vst v63  }
0x22: {  	s30 =	sand.u32 $0x1, s24;
	_ =	strace @!p2 $0x90000055  }
0x23: {  	s0 =	sadd.s32 $0x1, s30;
	_ =	strace $0x80000056  }
0x24: {  	_ =	swait.ge [sflag:s0], $0x80  }
0x25: {  	[sflag:s0] =	ssyncset.done $0x0  }
0x26: {  	[sflag:s0] =	ssyncadd.s32 $0xFFFFFF80  }
0x27: {  	s31 =	sand.u32 $0x1, s22;
	_ =	strace $0x90000056  }
0x28: {  	s0 =	sadd.s32 $0x3, s31;
	_ =	strace $0x80000057  }
0x29: {  	_ =	swait.ge [sflag:s0], $0x80  }
0x2a: {  	[sflag:s0] =	ssyncset.done $0x0  }
0x2b: {  	[sflag:s0] =	ssyncadd.s32 $0xFFFFFF80  }
0x2c: {  	s2 =	sshll.u32 s24, $0x7;
	_ =	strace $0x90000057  }
0x2d: {  	s0 =	sand.u32 $0x80, s2;
	_ =	strace $0x80000058  }
0x2e: {  	v3 =	vld [tilespmem:s0+$0x0];
	_ =	sdelay $0x4  }
0x2f: {  	v4 =	vshll.u32 v3, $0x3  }
0x30: {  	v3 =	vand.u32 $0x7, v3;
	v4 =	vand.u32 $0xFFFFFFC0, v4  }
0x31: {  	v3 =	vor.u32 v3, v4  }
0x32: {  	v4 =	vperm.xlane v3, v0;
	_ =	sdelay $0x1  }
0x33: {  	v4 =	vadd.s32 v1, v4;
	_ =	sdelay $0x1  }
0x34: {  	s31 =	sand.u32 $0x1, s21  }
0x35: {  	s2 =	sshll.u32 s31, $0xE  }
0x36: {  	s30 =	simm.s32 $0x0;
	s0 =	sor.u32 $0x200, s2  }
0x37: {  	[tilespmem:s0], [sflag:$0x9] =	stream.indirect_vreg.gather [hbm4b:s4+s30], $0x80, v4, vm0, $0x2000b8;
	[tilespmem:$0x10200] =	vst v63  }
0x38: {  	s9 =	sor.u32 $0xA00, s2;
	v3 =	vperm.xlane v3, v2  }
0x39: {  	[tilespmem:s9], [sflag:$0x9] =	stream.indirect_vreg.gather [hbm4b:s11+s30], $0x80, v4, vm0, $0x2000b8;
	[tilespmem:$0x10200] =	vst v63  }
0x3a: {  	s10 =	sor.u32 $0x1200, s2;
	v3 =	vadd.s32 v1, v3  }
0x3b: {  	[tilespmem:s10], [sflag:$0x9] =	stream.indirect_vreg.gather [hbm4b:s12+s30], $0x80, v4, vm0, $0x2000b8;
	[tilespmem:$0x10200] =	vst v63  }
0x3c: {  	s9 =	sor.u32 $0x1A00, s2  }
0x3d: {  	[tilespmem:s9], [sflag:$0x9] =	stream.indirect_vreg.gather [hbm4b:s13+s30], $0x80, v4, vm0, $0x2000b8;
	[tilespmem:$0x10200] =	vst v63  }
0x3e: {  	s10 =	sor.u32 $0x2200, s2  }
0x3f: {  	[tilespmem:s10], [sflag:$0x9] =	stream.indirect_vreg.gather [hbm4b:s4+s30], $0x80, v3, vm0, $0x2000b8;
	[tilespmem:$0x10200] =	vst v63  }
0x40: {  	s9 =	sor.u32 $0x2A00, s2  }
0x41: {  	[tilespmem:s9], [sflag:$0x9] =	stream.indirect_vreg.gather [hbm4b:s11+s30], $0x80, v3, vm0, $0x2000b8;
	[tilespmem:$0x10200] =	vst v63  }
0x42: {  	s10 =	sor.u32 $0x3200, s2  }
0x43: {  	[tilespmem:s10], [sflag:$0x9] =	stream.indirect_vreg.gather [hbm4b:s12+s30], $0x80, v3, vm0, $0x2000b8;
	[tilespmem:$0x10200] =	vst v63  }
0x44: {  	s2 =	sor.u32 $0x3A00, s2  }
0x45: {  	[tilespmem:s2], [sflag:$0x9] =	stream.indirect_vreg.gather [hbm4b:s13+s30], $0x80, v3, vm0, $0x2000b8;
	[tilespmem:$0x10200] =	vst v63  }
0x46: {  	_ =	swait.ge [sflag:s16], $0x4000  }
0x47: {  	s15 =	sshll.u32 s22, $0x7;
	[sflag:s16] =	ssyncset.done $0x0  }
0x48: {  	s2 =	sand.u32 $0x80, s15;
	[sflag:s16] =	ssyncadd.s32 $0xFFFFC000  }
0x49: {  	v3 =	vld [tilespmem:s2+$0x100];
	_ =	sdelay $0x4  }
0x4a: {  	v63 =	vshll.u32 v3, $0x3  }
0x4b: {  	v3 =	vand.u32 $0x7, v3;
	v4 =	vand.u32 $0xFFFFFFC0, v63  }
0x4c: {  	v3 =	vor.u32 v3, v4  }
0x4d: {  	v4 =	vperm.xlane v3, v0;
	_ =	sdelay $0x1  }
0x4e: {  	v4 =	vadd.s32 v1, v4;
	_ =	sdelay $0x1  }
0x4f: {  	s2 =	sand.u32 $0x1, s20  }
0x50: {  	s9 =	sshll.u32 s2, $0xE  }
0x51: {  	s15 =	sor.u32 $0x8200, s9  }
0x52: {  	[tilespmem:s15], [sflag:$0x9] =	stream.indirect_vreg.gather [hbm4b:s4+s30], $0x80, v4, vm0, $0x2000b8;
	[tilespmem:$0x10200] =	vst v63  }
0x53: {  	s10 =	sor.u32 $0x8A00, s9;
	v3 =	vperm.xlane v3, v2  }
0x54: {  	[tilespmem:s10], [sflag:$0x9] =	stream.indirect_vreg.gather [hbm4b:s11+s30], $0x80, v4, vm0, $0x2000b8;
	[tilespmem:$0x10200] =	vst v63  }
0x55: {  	v3 =	vadd.s32 v1, v3;
	s10 =	sor.u32 $0x9200, s9  }
0x56: {  	[tilespmem:s10], [sflag:$0x9] =	stream.indirect_vreg.gather [hbm4b:s12+s30], $0x80, v4, vm0, $0x2000b8;
	[tilespmem:$0x10200] =	vst v63  }
0x57: {  	s10 =	sor.u32 $0x9A00, s9  }
0x58: {  	[tilespmem:s10], [sflag:$0x9] =	stream.indirect_vreg.gather [hbm4b:s13+s30], $0x80, v4, vm0, $0x2000b8;
	[tilespmem:$0x10200] =	vst v63  }
0x59: {  	s10 =	sor.u32 $0xA200, s9  }
0x5a: {  	[tilespmem:s10], [sflag:$0x9] =	stream.indirect_vreg.gather [hbm4b:s4+s30], $0x80, v3, vm0, $0x2000b8;
	[tilespmem:$0x10200] =	vst v63  }
0x5b: {  	s10 =	sor.u32 $0xAA00, s9  }
0x5c: {  	[tilespmem:s10], [sflag:$0x9] =	stream.indirect_vreg.gather [hbm4b:s11+s30], $0x80, v3, vm0, $0x2000b8;
	[tilespmem:$0x10200] =	vst v63  }
0x5d: {  	s10 =	sor.u32 $0xB200, s9  }
0x5e: {  	[tilespmem:s10], [sflag:$0x9] =	stream.indirect_vreg.gather [hbm4b:s12+s30], $0x80, v3, vm0, $0x2000b8;
	[tilespmem:$0x10200] =	vst v63  }
0x5f: {  	s9 =	sor.u32 $0xBA00, s9  }
0x60: {  	[tilespmem:s9], [sflag:$0x9] =	stream.indirect_vreg.gather [hbm4b:s13+s30], $0x80, v3, vm0, $0x2000b8;
	[tilespmem:$0x10200] =	vst v63  }
0x61: {  	p3 =	por p0, !p1;
	_ =	swait.ge [sflag:s16], $0x4000  }
0x62: {  	s9 =	sadd.s32 @p3 s7, s29;
	[sflag:s16] =	ssyncset.done $0x0  }
0x63: {  	s9 =	sshll.u32 @p3 s9, $0xB;
	[sflag:s16] =	ssyncadd.s32 $0xFFFFC000  }
0x64: {  	s9 =	sand.u32 @p3 $0x1FFFF800, s9;
	_ =	strace $0x90000058  }
0x65: {  	s10 =	sadd.s32 @p3 $0x5, s31;
	s29 =	sadd.s32 @p3 s1, s9;
	_ =	strace @p3 $0x80000059  }
0x66: {  	[hbm4b:s29+s3] =	stream.linear.scatter @p3 [tilespmem:s0], [sflag:s10], $0x4000, $0x200038;
	[tilespmem:$0x10200] =	vst v63  }
0x67: {  	p1 =	por !p1, p0;
	s21 =	sadd.s32 @p3 $0x1, s21;
	_ =	strace @p3 $0x90000059  }
0x68: {  	s0 =	sadd.s32 @p3 $0x7, s2;
	s2 =	sadd.s32 @p3 s8, s9;
	_ =	strace @p3 $0x8000005A  }
0x69: {  	[hbm4b:s2+s3] =	stream.linear.scatter @p3 [tilespmem:s15], [sflag:s0], $0x4000, $0x200038;
	[tilespmem:$0x10200] =	vst v63  }
0x6a: {  	s30 =	simm.s32 @p3 $0x1;
	_ =	strace @p3 $0x9000005A;
	p3 =	seq.s32 s19, $0x4  }
0x6b: {  	s20 =	sadd.s32 s20, s30;
	s24 =	sadd.s32 s24, s30;
	s0 =	sand.u32 @!p3 $0x1, s25  }
0x6c: {  	s22 =	sadd.s32 s22, s30;
	_ =	strace @!p3 $0x8000005B;
	s0 =	sadd.s32 @!p3 $0x5, s0  }
0x6d: {  	s10 =	smov.u32 s28;
	s2 =	sadd.s32 @!p2 $0x1, s28;
	_ =	swait.ge @!p3 [sflag:s0], $0x4000  }
0x6e: {  	s10 =	smov.u32 @p1 s2;
	s19 =	sadd.s32 $0xFFFFFFFF, s19;
	[sflag:s0] =	ssyncset.done @!p3 $0x0  }
0x6f: {  	s9 =	sand.u32 @!p3 $0x1, s18;
	[sflag:s0] =	ssyncadd.s32 @!p3 $0xFFFFC000;
	s0 =	simm.s32 $0x0  }
0x70: {  	s10 =	smov.u32 @p0 s28;
	s2 =	simm.s32 @!p3 $0x1;
	s0 =	simm.s32 @p1 $0x1  }
0x71: {  	_ =	strace @!p3 $0x9000005B;
	s0 =	simm.s32 @p0 $0x0;
	p0 =	sne.s32 s19, $0x0  }
.Ltmp0:
0x72: {  	s9 =	sadd.s32 @!p3 $0x7, s9;
	_ =	strace @!p3 $0x8000005C;
	(pc) =	sbr.rel @p0 .LBB2_2-.Ltmp0, $4  }
0x73: {  	s29 =	smov.u32 s26;
	s2 =	simm.s32 @p3 $0x0;
	_ =	swait.ge @!p3 [sflag:s9], $0x4000  }
0x74: {  	s23 =	sadd.s32 s23, s0;
	s0 =	sadd.s32 @!p3 $0x1, s25;
	[sflag:s9] =	ssyncset.done @!p3 $0x0  }
0x75: {  	s28 =	smov.u32 s10;
	s0 =	smov.u32 @p3 s25;
	[sflag:s9] =	ssyncadd.s32 @!p3 $0xFFFFC000  }
0x76: {  	s18 =	sadd.s32 s18, s2;
	s25 =	smov.u32 s0;
	_ =	strace @!p3 $0x9000005C  }
0x77: {  	s0 =	sand.u32 $0x1, s0  }
0x78: {  	_ =	strace $0x8000005D;
	s0 =	sadd.s32 $0x5, s0  }
0x79: {  	s17 =	sadd.s32 $0x1, s17;
	_ =	swait.ge [sflag:s0], $0x4000  }
0x7a: {  	s2 =	sand.u32 $0x1, s18;
	p0 =	sne.s32 s17, s14;
	[sflag:s0] =	ssyncset.done $0x0  }
.Ltmp1:
0x7b: {  	s31 =	sadd.s32 $0x7, s2;
	[sflag:s0] =	ssyncadd.s32 $0xFFFFC000;
	(pc) =	sbr.rel @p0 .LBB2_1-.Ltmp1, $4  }
0x7c: {  	_ =	swait.ge [sflag:s31], $0x4000  }
0x7d: {  	[sflag:s31] =	ssyncset.done $0x0  }
0x7e: {  	[sflag:s31] =	ssyncadd.s32 $0xFFFFC000  }
0x7f: {  	_ =	strace $0x9000005D  }
0x80: {  	_ =	sfence.sel $0x180000  }
0x81: {  	[bflag:$0x0] =	sbarrier.arrive $0xFFFF  }
0x82: {  	_ =	strace $0x90000052  }
0x83: {  	s0 =	stileid.u32;
	[bflag:$0x2] =	sbarrier.arrive $0xFFFF  }
0x84: {  	p0 =	sne.s32 s0, $0x0;
	s0 =	rddreg [dreg:$0x2]  }
0x85: {  	s0 =	sadd.s32 @!p0 $0x100000, s0  }
0x86: {  	[sflag:s0] =	ssyncadd.tile.s32 @!p0 $0x1;
	_ =	shalt  }
.Lfunc_end2:
_tile_overlayer_lowered:
.L_overlay_start_2:
0x87: {  	(tag) =	ssettag $0x2  }
0x88: {  	s0 =	rddreg [dreg:$0x0];
	s2 =	stileid.u32  }
0x89: {  	s1 =	rddreg [dreg:$0x1];
	p0 =	sne.s32 s2, $0x0  }
0x8a: {  	s3 =	rddreg [dreg:$0x2];
	[bflag:$0x3] =	sbarrier.arrive $0xFFFF;
	s2 =	simm.s32 @!p0 $0x1C01  }
0x8b: {  	[timem:s3], [sflag:s2] =	dma.local @!p0 [hbm:s0], s1  }
0x8c: {  	s0 =	simm.s32 @!p0 $0x1  }
0x8d: {  	_ =	swait.ge @!p0 [sflag:s0], s1  }
0x8e: {  	s1 =	ssub.s32 @!p0 $0x0, s1;
	[sflag:s0] =	ssyncset.done @!p0 $0x0  }
0x8f: {  	[sflag:s0] =	ssyncadd.s32 @!p0 s1  }
0x90: {  	[bflag:$0x3] =	sbarrier.arrive $0xFFFF  }
0x91: {  	_ =	shalt  }

// kernel: kernel.8.cloned.1.call-start
scs
__scs_entry_jumppad:
0x0: {  	(pc) =	sbr.rel $0x88, $3  }
0x1: {  	(tag) =	ssettag $0x0;
	lr =	simm.s32 $0x1  }
0x2: {  	[smem:$0x3F98] =	sst lr;
	_ =	strace $0xD0000000  }
0x3: {  	_ = 	snop  }
0x4: {  	_ = 	snop  }
0x5: {  	_ = 	snop  }
0x6: {  	_ = 	snop  }
0x7: {  	_ = 	snop  }
__scs_overlays_trampoline_lowered:
0x8: {  	[smem:$0x3FA7] =	sst s0  }
0x9: {  	[smem:$0x3FA8] =	sst s1  }
0xa: {  	[smem:$0x3FA9] =	sst s2  }
0xb: {  	[smem:$0x3FAA] =	sst s3  }
0xc: {  	[smem:$0x3FAB] =	sst s4  }
0xd: {  	[smem:$0x3FAC] =	sst s5  }
0xe: {  	[smem:$0x3FAD] =	sst s6  }
0xf: {  	[smem:$0x3FAE] =	sst s7  }
0x10: {  	[smem:$0x3FAF] =	sst s8  }
0x11: {  	[smem:$0x3FB0] =	sst s9;
	s0 =	simm.s32 @!p0 $0x0  }
0x12: {  	s1 =	sld [smem:$0x3F96];
	s0 =	simm.s32 @p0 $0x1  }
0x13: {  	[smem:$0x3FB1] =	sst s0;
	s0 =	simm.s32 @!p1 $0x0  }
0x14: {  	s2 =	sld [smem:$0x3F95];
	s0 =	simm.s32 @p1 $0x1  }
0x15: {  	[smem:$0x3FB2] =	sst s0;
	s0 =	simm.s32 @!p2 $0x0  }
0x16: {  	s3 =	sld [smem:$0x3FDB];
	s0 =	simm.s32 @p2 $0x1  }
0x17: {  	s4 =	simm.s32 $0x1BF5;
	[smem:$0x3FB4] =	sst s0  }
0x18: {  	s0 =	sld [smem:$0x3F97];
	_ =	swait.ge [sflag:s4], $0x0  }
0x19: {  	s7 =	sld [smem:$0x3F98]  }
0x1a: {  	s8 =	sadd.s32 $0xFFFFE003, lr  }
0x1b: {  	s9 =	sadd.s32 $0xFFFFFEF7, lr;
	s5 =	simm.s32 $0xFFFFFFFF;
	p2 =	slt.u32 s8, $0xFFFFF086  }
0x1c: {  	p1 =	slt.u32 s9, $0xF7A;
	s5 =	simm.s32 @!p2 $0x0  }
0x1d: {  	s5 =	simm.s32 @p1 $0x1;
	p0 =	seq.s32 s7, s2  }
0x1e: {  	s7 =	smul.u32 @!p0 $0xF7A, s2;
	p2 =	seq.s32 @!p0 s5, $0x0  }
0x1f: {  	s9 =	smul.u32 $0xF7A, s1;
	s8 =	simm.s32 @!p0 $0x1BF5;
	p2 =	por !p2, p0  }
0x20: {  	[sflag:s8] =	ssyncset.s32 @!p0 $0xFFFFF086;
	s6 =	sadd.s32 @!p0 s3, s7;
	s7 =	simm.s32 @!p0 $0x108  }
0x21: {  	s3 =	sadd.s32 s3, s9;
	s6 =	sadd.s32 @!p0 $0x88, s6;
	s7 =	simm.s32 @p2 $0x1082  }
0x22: {  	[simem:s7], [sflag:s8] =	dma.local @!p0 [hbm:s6], $0xF7A  }
0x23: {  	s9 =	sor.u32 $0xD0000000, s2;
	s6 =	simm.s32 $0x108;
	_ =	swait.ge @!p0 [sflag:s8], $0x0  }
0x24: {  	s3 =	sadd.s32 $0x88, s3;
	s6 =	simm.s32 @!p1 $0x1082;
	[sflag:s4] =	ssyncset.s32 $0xFFFFF086  }
0x25: {  	[simem:s6], [sflag:s4] =	dma.local [hbm:s3], $0xF7A  }
0x26: {  	[smem:$0x3F98] =	sst s1;
	(tag) =	ssettag s2;
	_ =	strace s9  }
0x27: {  	s1 =	sld [smem:$0x3FA8]  }
0x28: {  	s2 =	sld [smem:$0x3FA9]  }
0x29: {  	s4 =	sld [smem:$0x3FAB]  }
0x2a: {  	p0 =	seq.s32 s5, $0x0;
	s5 =	sld [smem:$0x3FAC]  }
0x2b: {  	s6 =	sld [smem:$0x3FAD]  }
0x2c: {  	s7 =	sld [smem:$0x3FAE]  }
0x2d: {  	s3 =	simm.s32 $0x108;
	s8 =	sld [smem:$0x3FAF]  }
0x2e: {  	s3 =	simm.s32 @!p0 $0x1082;
	s9 =	sld [smem:$0x3FB0]  }
0x2f: {  	lr =	sadd.s32 s0, s3;
	s0 =	sld [smem:$0x3FA7]  }
0x30: {  	s3 =	sld [smem:$0x3FAA]  }
0x31: {  	[smem:$0x3FB3] =	sst s10  }
0x32: {  	s10 =	sld [smem:$0x3FB1];
	_ =	sdelay $0x3  }
0x33: {  	p0 =	seq.s32 s10, $0x1;
	s10 =	sld [smem:$0x3FB3];
	_ =	sdelay $0x3  }
0x34: {  	[smem:$0x3FB3] =	sst s10  }
0x35: {  	s10 =	sld [smem:$0x3FB2];
	_ =	sdelay $0x3  }
0x36: {  	p1 =	seq.s32 s10, $0x1;
	s10 =	sld [smem:$0x3FB3];
	_ =	sdelay $0x3  }
0x37: {  	[smem:$0x3FB3] =	sst s10  }
0x38: {  	s10 =	sld [smem:$0x3FB4]  }
0x39: {  	_ = 	snop;
	(pc) =	sbr.ind lr, $3  }
0x3a: {  	_ = 	snop  }
0x3b: {  	_ = 	snop  }
0x3c: {  	p2 =	seq.s32 s10, $0x1;
	s10 =	sld [smem:$0x3FB3]  }
0x3d: {  	_ =	shalt  }
0x3e: {  	_ =	shalt  }
0x3f: {  	_ =	shalt  }
0x40: {  	_ =	shalt  }
0x41: {  	_ =	shalt  }
0x42: {  	_ =	shalt  }
0x43: {  	_ =	shalt  }
0x44: {  	_ =	shalt  }
0x45: {  	_ =	shalt  }
0x46: {  	_ =	shalt  }
0x47: {  	_ =	shalt  }
0x48: {  	_ =	shalt  }
0x49: {  	_ =	shalt  }
0x4a: {  	_ =	shalt  }
0x4b: {  	_ =	shalt  }
0x4c: {  	_ =	shalt  }
0x4d: {  	_ =	shalt  }
0x4e: {  	_ =	shalt  }
0x4f: {  	_ =	shalt  }
0x50: {  	_ =	shalt  }
0x51: {  	_ =	shalt  }
0x52: {  	_ =	shalt  }
0x53: {  	_ =	shalt  }
0x54: {  	_ =	shalt  }
0x55: {  	_ =	shalt  }
0x56: {  	_ =	shalt  }
0x57: {  	_ =	shalt  }
0x58: {  	_ =	shalt  }
0x59: {  	_ =	shalt  }
0x5a: {  	_ =	shalt  }
0x5b: {  	_ =	shalt  }
0x5c: {  	_ =	shalt  }
0x5d: {  	_ =	shalt  }
0x5e: {  	_ =	shalt  }
0x5f: {  	_ =	shalt  }
0x60: {  	_ =	shalt  }
0x61: {  	_ =	shalt  }
0x62: {  	_ =	shalt  }
0x63: {  	_ =	shalt  }
0x64: {  	_ =	shalt  }
0x65: {  	_ =	shalt  }
0x66: {  	_ =	shalt  }
0x67: {  	_ =	shalt  }
0x68: {  	_ =	shalt  }
0x69: {  	_ =	shalt  }
0x6a: {  	_ =	shalt  }
0x6b: {  	_ =	shalt  }
0x6c: {  	_ =	shalt  }
0x6d: {  	_ =	shalt  }
0x6e: {  	_ =	shalt  }
0x6f: {  	_ =	shalt  }
0x70: {  	_ =	shalt  }
0x71: {  	_ =	shalt  }
0x72: {  	_ =	shalt  }
0x73: {  	_ =	shalt  }
0x74: {  	_ =	shalt  }
0x75: {  	_ =	shalt  }
0x76: {  	_ =	shalt  }
0x77: {  	_ =	shalt  }
0x78: {  	_ =	shalt  }
0x79: {  	_ =	shalt  }
0x7a: {  	_ =	shalt  }
0x7b: {  	_ =	shalt  }
0x7c: {  	_ =	shalt  }
0x7d: {  	_ =	shalt  }
0x7e: {  	_ =	shalt  }
0x7f: {  	_ =	shalt  }
0x80: {  	_ =	shalt  }
0x81: {  	_ =	shalt  }
0x82: {  	_ =	shalt  }
0x83: {  	_ =	shalt  }
0x84: {  	_ =	shalt  }
0x85: {  	_ =	shalt  }
0x86: {  	_ =	shalt  }
0x87: {  	_ =	shalt  }
.Lfunc_end0:
.L_simem_size_0:
called_computation_lowered:
.L_overlay_start_0:
0x88: {  	s2 =	sld [smem:$0x3FD9]  }
0x89: {  	s3 =	sld [smem:$0x3FFE];
	_ =	sdelay $0x1  }
0x8a: {  	s1 =	srdreg.scid  }
0x8b: {  	s0 =	sand.u32 $0x1, s1  }
0x8c: {  	s17 =	sshll.u32 s0, $0xA;
	s2 =	sadd.s32 s3, s2  }
0x8d: {  	s2 =	sadd.s32 s2, s17  }
0x8e: {  	[smem:$0x3FBF] =	sst s2  }
0x8f: {  	_ = 	snop  }
0x90: {  	s2 =	sld [smem:$0x3FC9]  }
0x91: {  	s18 =	sld [smem:$0x3FD0];
	(tm) =	ssettm $0x1  }
0x92: {  	s4 =	sld [smem:$0x3FFB];
	_ =	sdelay $0x3  }
0x93: {  	_ =	strace s4  }
0x94: {  	s4 =	sld [smem:$0x3FFC];
	_ =	sdelay $0x3  }
0x95: {  	_ =	strace s4  }
0x96: {  	s4 =	sld [smem:$0x3FFD];
	_ =	sdelay $0x3  }
0x97: {  	_ =	strace s4  }
0x98: {  	_ =	strace $0x8FFFFFFF  }
0x99: {  	s19 =	sld [smem:$0x3FDB];
	_ =	sdelay $0x1  }
0x9a: {  	s5 =	simm.s32 $_scs_section_size  }
0x9b: {  	s6 =	simm.s32 $_size__tile_overlayer_lowered;
	s7 =	simm.s32 $_tile_overlayer_lowered  }
0x9c: {  	s22 =	simm.s32 $0x1BFF;
	s21 =	sshll.u32 s7, $0x1;
	s4 =	sadd.s32 s5, s19  }
0x9d: {  	s8 =	simm.s32 $0x0;
	s20 =	sshll.u32 s6, $0x1;
	s6 =	sadd.s32 s21, s4  }
0x9e: {  	[timem:s8], [sflag:s22] =	dma.local [hbm:s6], s20  }
0x9f: {  	_ =	swait.ge [sflag:s22], s20  }
0xa0: {  	s5 =	ssub.s32 $0x0, s20;
	[sflag:s22] =	ssyncset.done $0x0  }
0xa1: {  	[sflag:s22] =	ssyncadd.s32 s5;
	_ =	sdelay $0x1  }
0xa2: {  	s23 =	simm.s32 $0x1B8B  }
0xa3: {  	_ =	swait.ge [sflag:s23], $0x1  }
0xa4: {  	[sflag:s23] =	ssyncset.done $0x0  }
0xa5: {  	s25 =	simm.s32 $0x1B8E;
	s24 =	sld [smem:$0x3FFE];
	[sflag:s23] =	ssyncadd.s32 $0xFFFFFFFF  }
0xa6: {  	s26 =	simm.s32 $execute0_lowered;
	[smem:$0x3FD2] =	sst s25  }
0xa7: {  	s6 =	sshll.u32 s26, $0x1;
	_ =	strace $0x80000046;
	[dreg:$0x1] =	wrdreg $0xFFFFFFFF  }
0xa8: {  	s28 =	simm.s32 $_size_execute0_lowered;
	s4 =	sadd.s32 s4, s6;
	[dreg:$0x0] =	wrdreg $0x0  }
0xa9: {  	s6 =	sshll.u32 s28, $0x1;
	[dreg:$0x2] =	wrdreg s4  }
0xaa: {  	[dreg:$0x3] =	wrdreg s6  }
0xab: {  	[dreg:$0x4] =	wrdreg $0xC0  }
0xac: {  	_ =	task [dreg:s8], $0x5FFFF  }
0xad: {  	[dreg:$0x1] =	wrdreg $0xFFFFFFFF  }
0xae: {  	[dreg:$0x0] =	wrdreg $0x60  }
0xaf: {  	[dreg:$0x2] =	wrdreg s2  }
0xb0: {  	[dreg:$0x3] =	wrdreg s18  }
0xb1: {  	[dreg:$0x4] =	wrdreg s24  }
0xb2: {  	[dreg:$0x5] =	wrdreg $0x9  }
0xb3: {  	_ =	task.clear_ibuf [dreg:s8], $0x6FFFF;
	_ =	strace $0x90000046  }
0xb4: {  	s29 =	simm.s32 $0x9;
	_ =	strace $0x80000050  }
0xb5: {  	_ =	swait.ge [sflag:s29], $0x1  }
0xb6: {  	[sflag:s29] =	ssyncadd.s32 $0xFFFFFFFF  }
0xb7: {  	_ =	strace $0x90000050  }
0xb8: {  	_ =	sfence  }
0xb9: {  	s30 =	sld [smem:$0x0];
	_ =	sdelay $0x2  }
0xba: {  	s31 =	sshll.u32 s1, $0xD;
	s1 =	sshrl.u32 s1, $0x2  }
0xbb: {  	s3 =	sand.u32 $0x4000, s31;
	s1 =	sadd.s32 s1, s30  }
0xbc: {  	s0 =	sor.u32 s3, s0;
	s1 =	sshll.u32 s1, $0x11  }
0xbd: {  	s0 =	sor.u32 s1, s0  }
0xbe: {  	s0 =	sadd.s32 $0x8F2B, s0  }
0xbf: {  	[sflag:s0] =	ssyncadd.remote.s32 $0x1  }
0xc0: {  	_ =	sfence.sel $0xFFFF  }
0xc1: {  	[dreg:$0x0] =	wrdreg $0xFFFFFFFF;
	(pc) =	sbr.abs _section_cstart, $3  }
0xc2: {  	[dreg:$0x1] =	wrdreg $0xFFFFFFFF  }
0xc3: {  	_ =	task.clear_ibuf [dreg:s8], $0x2FFFF;
	_ =	strace $0x9FFFFFFF  }
0xc4: {  	(tm) =	ssettm $0x7FFFFFFF  }
0xc5: {  	_ =	shalt  }
tec
execute0_lowered:
.L_overlay_start_1:
0x0: {  	(tag) =	ssettag $0x1  }
0x1: {  	s0 =	rddreg [dreg:$0x0]  }
0x2: {  	s1 =	rddreg [dreg:$0x1]  }
0x3: {  	s13 =	rddreg [dreg:$0x2]  }
0x4: {  	s3 =	simm.s32 $0x0;
	s4 =	srdreg.scid;
	s2 =	stileid.u32  }
0x5: {  	s6 =	simm.s32 $0x0;
	[smem:$0x7FF] =	sst s3;
	s7 =	sand.u32 $0x1, s4  }
0x6: {  	s4 =	sadd.s32 $0x1600, s13;
	s26 =	sadd.s32 $0x1A00, s13;
	s10 =	sshll.u32 s2, $0x5  }
0x7: {  	_ =	strace $0x80000047;
	s8 =	sshll.u32 s7, $0x4;
	s7 =	ssub.s32 $0x2, s7  }
0x8: {  	s10 =	sand.u32 $0x60, s10;
	[dreg:$0x4] =	wrdreg s4;
	s8 =	sor.u32 s2, s8  }
0x9: {  	s11 =	sshrl.u32 s7, $0x1;
	s9 =	sshll.u32 s8, $0x5;
	s28 =	sshll.u32 s8, $0xD  }
0xa: {  	s14 =	ssub.s32 s7, s11;
	s9 =	sand.u32 $0x380, s9;
	s5 =	sadd.s32 s0, s28  }
0xb: {  	s31 =	smax.u32 s14, $0x1;
	s10 =	sor.u32 s10, s9;
	[dreg:$0x5] =	wrdreg s5  }
0xc: {  	v2 =	vlaneseq.u32;
	s12 =	sadd.s32 $0x1C00, s13;
	[dreg:$0x8] =	wrdreg s31;
	s29 =	sadd.s32 s1, s10  }
0xd: {  	vm0 =	vmmov $0xffff;
	v1 =	vshrl.u32 v2, $0x3;
	s17 =	sshll.u32 s8, $0x1;
	s30 =	sadd.s32 s4, s10;
	[dreg:$0x6] =	wrdreg s29  }
0xe: {  	v0 =	vand.u32 $0x7, v2;
	v2 =	vor.u32 $0x8, v2;
	v1 =	vmul.u32 $0x8, v1;
	s11 =	sadd.s32 $0x1B00, s13;
	s13 =	sadd.s32 $0x1D00, s13;
	[dreg:$0x7] =	wrdreg s30  }
.LBB2_1:
0xf: {  	[dreg:$0x9] =	wrdreg s6;
	s7 =	simm.s32 $0x10000;
	s31 =	simm.s32 $0x10100  }
0x10: {  	p2 =	por $0x1, $0x1;
	p0 =	por $0x0, $0x0;
	_ =	strace $0x80000048  }
0x11: {  	s19 =	simm.s32 $0x0;
	s20 =	simm.s32 $0x0;
	s5 =	rddreg [dreg:$0x5]  }
0x12: {  	[tilespmem:s3], [sflag:$0x1] =	stream.linear.gather [hbm4b:s5+s3], $0x8000, $0x200038;
	[tilespmem:$0x10200] =	vst v63  }
0x13: {  	s21 =	simm.s32 $0x1;
	s22 =	simm.s32 $0x0;
	s29 =	rddreg [dreg:$0x6]  }
0x14: {  	[tilespmem:s7], [sflag:$0x3] =	stream.linear.gather [hbm4b:s29+s3], $0x80, $0x200038;
	[tilespmem:$0x10200] =	vst v63  }
0x15: {  	s23 =	simm.s32 $0x1;
	s24 =	simm.s32 $0x0;
	s30 =	rddreg [dreg:$0x7]  }
0x16: {  	[tilespmem:s31], [sflag:$0x5] =	stream.linear.gather [hbm4b:s30+s3], $0x80, $0x200038;
	[tilespmem:$0x10200] =	vst v63  }
0x17: {  	s25 =	simm.s32 $0x1;
	s7 =	simm.s32 $0x7;
	_ =	strace $0x90000048  }
.LBB2_2:
0x18: {  	s5 =	smov.u32 s19;
	s19 =	sadd.s32 $0x1, s19  }
0x19: {  	p3 =	seq.s32 s19, $0x2  }
0x1a: {  	s19 =	simm.s32 @p3 $0x0  }
0x1b: {  	p1 =	por p2, p2;
	p2 =	seq.s32 @p2 s5, s19  }
0x1c: {  	p3 =	por p2, !p1  }
0x1d: {  	[dreg:$0xa] =	wrdreg s5;
	s28 =	sadd.s32 @!p3 s17, s19  }
0x1e: {  	s29 =	sand.u32 @!p3 $0x1, s25;
	_ =	strace @!p3 $0x80000049;
	s30 =	sshll.u32 @!p3 s28, $0xC  }
0x1f: {  	s31 =	sshll.u32 @!p3 s29, $0xF;
	s29 =	sadd.s32 @!p3 $0x1, s29;
	s30 =	sand.u32 @!p3 $0x1FFFF000, s30  }
0x20: {  	s28 =	sshll.u32 @!p3 s28, $0x4;
	s30 =	sadd.s32 @!p3 s0, s30;
	s0 =	simm.s32 @!p3 $0x0  }
0x21: {  	[tilespmem:s31], [sflag:s29] =	stream.linear.gather @!p3 [hbm4b:s30+s0], $0x8000, $0x200038;
	[tilespmem:$0x10200] =	vst v63  }
0x22: {  	s28 =	sand.u32 @!p3 $0x1FFFFFF0, s28;
	s29 =	sand.u32 @!p3 $0x1, s23  }
0x23: {  	s31 =	sadd.s32 @!p3 s1, s28;
	_ =	strace @!p3 $0x90000049;
	s30 =	sshll.u32 @!p3 s29, $0x7  }
0x24: {  	s29 =	sadd.s32 @!p3 $0x3, s29;
	_ =	strace @!p3 $0x8000004A;
	s30 =	sor.u32 @!p3 $0x10000, s30  }
0x25: {  	[tilespmem:s30], [sflag:s29] =	stream.linear.gather @!p3 [hbm4b:s31+s0], $0x80, $0x200038;
	[tilespmem:$0x10200] =	vst v63  }
0x26: {  	s29 =	sand.u32 @!p3 $0x1, s21  }
0x27: {  	s28 =	sadd.s32 @!p3 s4, s28;
	_ =	strace @!p3 $0x9000004A;
	s30 =	sshll.u32 @!p3 s29, $0x7  }
0x28: {  	s29 =	sadd.s32 @!p3 $0x5, s29;
	_ =	strace @!p3 $0x8000004B;
	s30 =	sor.u32 @!p3 $0x10100, s30  }
0x29: {  	[tilespmem:s30], [sflag:s29] =	stream.linear.gather @!p3 [hbm4b:s28+s0], $0x80, $0x200038;
	[tilespmem:$0x10200] =	vst v63  }
0x2a: {  	s16 =	sand.u32 $0x1, s24;
	_ =	strace @!p3 $0x9000004B  }
0x2b: {  	s0 =	sadd.s32 $0x1, s16;
	_ =	strace $0x8000004C  }
0x2c: {  	_ =	swait.ge [sflag:s0], $0x8000  }
0x2d: {  	[sflag:s0] =	ssyncset.done $0x0  }
0x2e: {  	[sflag:s0] =	ssyncadd.s32 $0xFFFF8000  }
0x2f: {  	s18 =	sand.u32 $0x1, s22;
	_ =	strace $0x9000004C  }
0x30: {  	s0 =	sadd.s32 $0x3, s18;
	_ =	strace $0x8000004D  }
0x31: {  	_ =	swait.ge [sflag:s0], $0x80  }
0x32: {  	[sflag:s0] =	ssyncset.done $0x0  }
0x33: {  	[sflag:s0] =	ssyncadd.s32 $0xFFFFFF80  }
0x34: {  	s28 =	sand.u32 $0x1, s20;
	_ =	strace $0x9000004D  }
0x35: {  	s0 =	sadd.s32 $0x5, s28;
	_ =	strace $0x8000004E  }
0x36: {  	_ =	swait.ge [sflag:s0], $0x80  }
0x37: {  	[sflag:s0] =	ssyncset.done $0x0  }
0x38: {  	[sflag:s0] =	ssyncadd.s32 $0xFFFFFF80  }
0x39: {  	s29 =	sshll.u32 s22, $0x7;
	_ =	strace $0x9000004E  }
0x3a: {  	s0 =	sand.u32 $0x80, s29;
	_ =	strace $0x8000004F  }
0x3b: {  	v3 =	vld [tilespmem:s0+$0x10000];
	_ =	sdelay $0x4  }
0x3c: {  	v4 =	vshll.u32 v3, $0x3  }
0x3d: {  	v3 =	vand.u32 $0x7, v3;
	v4 =	vand.u32 $0xFFFFFFC0, v4  }
0x3e: {  	v3 =	vor.u32 v3, v4  }
0x3f: {  	v4 =	vperm.xlane v3, v0;
	_ =	sdelay $0x1  }
0x40: {  	v4 =	vadd.s32 v1, v4;
	_ =	sdelay $0x2  }
0x41: {  	s30 =	sshll.u32 s24, $0xF  }
0x42: {  	s28 =	sand.u32 $0x8000, s30  }
0x43: {  	[hbm4b:s26+s3] =	stream.indirect_vreg.scatter [tilespmem:s28], [sflag:$0x7], $0x80, v4, vm0, $0x2000b8;
	[tilespmem:$0x10200] =	vst v63  }
0x44: {  	s29 =	sor.u32 $0x800, s28;
	v3 =	vperm.xlane v3, v2  }
0x45: {  	[hbm4b:s11+s3] =	stream.indirect_vreg.scatter [tilespmem:s29], [sflag:$0x7], $0x80, v4, vm0, $0x2000b8;
	[tilespmem:$0x10200] =	vst v63  }
0x46: {  	s30 =	sor.u32 $0x1000, s28;
	v3 =	vadd.s32 v1, v3  }
0x47: {  	[hbm4b:s12+s3] =	stream.indirect_vreg.scatter [tilespmem:s30], [sflag:$0x7], $0x80, v4, vm0, $0x2000b8;
	[tilespmem:$0x10200] =	vst v63  }
0x48: {  	s31 =	sor.u32 $0x1800, s28  }
0x49: {  	[hbm4b:s13+s3] =	stream.indirect_vreg.scatter [tilespmem:s31], [sflag:$0x7], $0x80, v4, vm0, $0x2000b8;
	[tilespmem:$0x10200] =	vst v63  }
0x4a: {  	s4 =	sor.u32 $0x2000, s28  }
0x4b: {  	[hbm4b:s26+s3] =	stream.indirect_vreg.scatter [tilespmem:s4], [sflag:$0x7], $0x80, v3, vm0, $0x2000b8;
	[tilespmem:$0x10200] =	vst v63  }
0x4c: {  	s15 =	sor.u32 $0x2800, s28  }
0x4d: {  	[hbm4b:s11+s3] =	stream.indirect_vreg.scatter [tilespmem:s15], [sflag:$0x7], $0x80, v3, vm0, $0x2000b8;
	[tilespmem:$0x10200] =	vst v63  }
0x4e: {  	s16 =	sor.u32 $0x3000, s28  }
0x4f: {  	[hbm4b:s12+s3] =	stream.indirect_vreg.scatter [tilespmem:s16], [sflag:$0x7], $0x80, v3, vm0, $0x2000b8;
	[tilespmem:$0x10200] =	vst v63  }
0x50: {  	s8 =	sor.u32 $0x3800, s28  }
0x51: {  	[hbm4b:s13+s3] =	stream.indirect_vreg.scatter [tilespmem:s8], [sflag:$0x7], $0x80, v3, vm0, $0x2000b8;
	[tilespmem:$0x10200] =	vst v63  }
0x52: {  	v3 =	vld [tilespmem:s0+$0x10010];
	_ =	sdelay $0x4  }
0x53: {  	v61 =	vshll.u32 v3, $0x3  }
0x54: {  	v3 =	vand.u32 $0x7, v3;
	v4 =	vand.u32 $0xFFFFFFC0, v61  }
0x55: {  	v3 =	vor.u32 v3, v4  }
0x56: {  	v4 =	vperm.xlane v3, v0;
	_ =	sdelay $0x1  }
0x57: {  	v4 =	vadd.s32 v1, v4;
	_ =	sdelay $0x3  }
0x58: {  	s0 =	sor.u32 $0x4000, s28  }
0x59: {  	[hbm4b:s26+s3] =	stream.indirect_vreg.scatter [tilespmem:s0], [sflag:$0x7], $0x80, v4, vm0, $0x2000b8;
	[tilespmem:$0x10200] =	vst v63  }
0x5a: {  	s9 =	sor.u32 $0x4800, s28;
	v3 =	vperm.xlane v3, v2  }
0x5b: {  	[hbm4b:s11+s3] =	stream.indirect_vreg.scatter [tilespmem:s9], [sflag:$0x7], $0x80, v4, vm0, $0x2000b8;
	[tilespmem:$0x10200] =	vst v63  }
0x5c: {  	s10 =	sor.u32 $0x5000, s28;
	v3 =	vadd.s32 v1, v3  }
0x5d: {  	[hbm4b:s12+s3] =	stream.indirect_vreg.scatter [tilespmem:s10], [sflag:$0x7], $0x80, v4, vm0, $0x2000b8;
	[tilespmem:$0x10200] =	vst v63  }
0x5e: {  	s14 =	sor.u32 $0x5800, s28  }
0x5f: {  	[hbm4b:s13+s3] =	stream.indirect_vreg.scatter [tilespmem:s14], [sflag:$0x7], $0x80, v4, vm0, $0x2000b8;
	[tilespmem:$0x10200] =	vst v63  }
0x60: {  	s18 =	sor.u32 $0x6000, s28  }
0x61: {  	[hbm4b:s26+s3] =	stream.indirect_vreg.scatter [tilespmem:s18], [sflag:$0x7], $0x80, v3, vm0, $0x2000b8;
	[tilespmem:$0x10200] =	vst v63  }
0x62: {  	s1 =	sor.u32 $0x6800, s28  }
0x63: {  	[hbm4b:s11+s3] =	stream.indirect_vreg.scatter [tilespmem:s1], [sflag:$0x7], $0x80, v3, vm0, $0x2000b8;
	[tilespmem:$0x10200] =	vst v63  }
0x64: {  	s2 =	sor.u32 $0x7000, s28  }
0x65: {  	[hbm4b:s12+s3] =	stream.indirect_vreg.scatter [tilespmem:s2], [sflag:$0x7], $0x80, v3, vm0, $0x2000b8;
	[tilespmem:$0x10200] =	vst v63  }
0x66: {  	s5 =	sor.u32 $0x7800, s28  }
0x67: {  	[hbm4b:s13+s3] =	stream.indirect_vreg.scatter [tilespmem:s5], [sflag:$0x7], $0x80, v3, vm0, $0x2000b8;
	[tilespmem:$0x10200] =	vst v63  }
0x68: {  	_ =	swait.ge [sflag:s7], $0x8000  }
0x69: {  	s6 =	simm.s32 $0x7;
	[sflag:s7] =	ssyncset.done $0x0;
	s7 =	sshll.u32 s20, $0x7  }
0x6a: {  	[sflag:s6] =	ssyncadd.s32 $0xFFFF8000;
	s7 =	sand.u32 $0x80, s7  }
0x6b: {  	v3 =	vld [tilespmem:s7+$0x10100];
	_ =	sdelay $0x4  }
0x6c: {  	v62 =	vshll.u32 v3, $0x3  }
0x6d: {  	v3 =	vand.u32 $0x7, v3;
	v4 =	vand.u32 $0xFFFFFFC0, v62  }
0x6e: {  	v3 =	vor.u32 v3, v4  }
0x6f: {  	v4 =	vperm.xlane v3, v0;
	_ =	sdelay $0x1  }
0x70: {  	v4 =	vadd.s32 v1, v4;
	_ =	sdelay $0x4  }
0x71: {  	[hbm4b:s26+s3] =	stream.indirect_vreg.scatter [tilespmem:s28], [sflag:$0x7], $0x80, v4, vm0, $0x2000b8;
	[tilespmem:$0x10200] =	vst v63  }
0x72: {  	v3 =	vperm.xlane v3, v2  }
0x73: {  	[hbm4b:s11+s3] =	stream.indirect_vreg.scatter [tilespmem:s29], [sflag:$0x7], $0x80, v4, vm0, $0x2000b8;
	[tilespmem:$0x10200] =	vst v63  }
0x74: {  	v3 =	vadd.s32 v1, v3  }
0x75: {  	[hbm4b:s12+s3] =	stream.indirect_vreg.scatter [tilespmem:s30], [sflag:$0x7], $0x80, v4, vm0, $0x2000b8;
	[tilespmem:$0x10200] =	vst v63  }
0x76: {  	_ = 	snop  }
0x77: {  	[hbm4b:s13+s3] =	stream.indirect_vreg.scatter [tilespmem:s31], [sflag:$0x7], $0x80, v4, vm0, $0x2000b8;
	[tilespmem:$0x10200] =	vst v63  }
0x78: {  	_ = 	snop  }
0x79: {  	[hbm4b:s26+s3] =	stream.indirect_vreg.scatter [tilespmem:s4], [sflag:$0x7], $0x80, v3, vm0, $0x2000b8;
	[tilespmem:$0x10200] =	vst v63  }
0x7a: {  	_ = 	snop  }
0x7b: {  	[hbm4b:s11+s3] =	stream.indirect_vreg.scatter [tilespmem:s15], [sflag:$0x7], $0x80, v3, vm0, $0x2000b8;
	[tilespmem:$0x10200] =	vst v63  }
0x7c: {  	_ = 	snop  }
0x7d: {  	[hbm4b:s12+s3] =	stream.indirect_vreg.scatter [tilespmem:s16], [sflag:$0x7], $0x80, v3, vm0, $0x2000b8;
	[tilespmem:$0x10200] =	vst v63  }
0x7e: {  	_ = 	snop  }
0x7f: {  	[hbm4b:s13+s3] =	stream.indirect_vreg.scatter [tilespmem:s8], [sflag:$0x7], $0x80, v3, vm0, $0x2000b8;
	[tilespmem:$0x10200] =	vst v63  }
0x80: {  	v3 =	vld [tilespmem:s7+$0x10110];
	_ =	sdelay $0x4  }
0x81: {  	v63 =	vshll.u32 v3, $0x3  }
0x82: {  	v3 =	vand.u32 $0x7, v3;
	v4 =	vand.u32 $0xFFFFFFC0, v63  }
0x83: {  	v3 =	vor.u32 v3, v4  }
0x84: {  	v4 =	vperm.xlane v3, v0;
	_ =	sdelay $0x1  }
0x85: {  	v4 =	vadd.s32 v1, v4;
	_ =	sdelay $0x4  }
0x86: {  	[hbm4b:s26+s3] =	stream.indirect_vreg.scatter [tilespmem:s0], [sflag:$0x7], $0x80, v4, vm0, $0x2000b8;
	[tilespmem:$0x10200] =	vst v63  }
0x87: {  	v3 =	vperm.xlane v3, v2  }
0x88: {  	[hbm4b:s11+s3] =	stream.indirect_vreg.scatter [tilespmem:s9], [sflag:$0x7], $0x80, v4, vm0, $0x2000b8;
	[tilespmem:$0x10200] =	vst v63  }
0x89: {  	v3 =	vadd.s32 v1, v3  }
0x8a: {  	[hbm4b:s12+s3] =	stream.indirect_vreg.scatter [tilespmem:s10], [sflag:$0x7], $0x80, v4, vm0, $0x2000b8;
	[tilespmem:$0x10200] =	vst v63  }
0x8b: {  	p2 =	por !p2, !p1;
	s31 =	rddreg [dreg:$0xa]  }
0x8c: {  	[hbm4b:s13+s3] =	stream.indirect_vreg.scatter [tilespmem:s14], [sflag:$0x7], $0x80, v4, vm0, $0x2000b8;
	[tilespmem:$0x10200] =	vst v63  }
0x8d: {  	p6 =	sne.s32 s31, s19;
	s4 =	smov.u32 s25;
	s0 =	sadd.s32 @!p3 $0x1, s25  }
0x8e: {  	[hbm4b:s26+s3] =	stream.indirect_vreg.scatter [tilespmem:s18], [sflag:$0x7], $0x80, v3, vm0, $0x2000b8;
	[tilespmem:$0x10200] =	vst v63  }
0x8f: {  	p0 =	por p0, p6;
	s4 =	smov.u32 @p2 s0;
	s0 =	simm.s32 $0x0  }
0x90: {  	[hbm4b:s11+s3] =	stream.indirect_vreg.scatter [tilespmem:s1], [sflag:$0x7], $0x80, v3, vm0, $0x2000b8;
	[tilespmem:$0x10200] =	vst v63  }
0x91: {  	s7 =	simm.s32 $0x7;
	s0 =	simm.s32 @p2 $0x1;
	s25 =	smov.u32 @p1 s4  }
0x92: {  	[hbm4b:s12+s3] =	stream.indirect_vreg.scatter [tilespmem:s2], [sflag:$0x7], $0x80, v3, vm0, $0x2000b8;
	[tilespmem:$0x10200] =	vst v63  }
0x93: {  	s4 =	rddreg [dreg:$0x4];
	s1 =	sadd.s32 @!p3 $0x1, s23;
	s2 =	smov.u32 s23  }
0x94: {  	s0 =	simm.s32 @!p1 $0x0;
	s2 =	smov.u32 @p2 s1;
	s1 =	simm.s32 $0x1  }
0x95: {  	[hbm4b:s13+s3] =	stream.indirect_vreg.scatter [tilespmem:s5], [sflag:$0x7], $0x80, v3, vm0, $0x2000b8;
	[tilespmem:$0x10200] =	vst v63  }
.Ltmp0:
0x96: {  	s21 =	sadd.s32 s21, s0;
	s1 =	simm.s32 @!p0 $0x0;
	(pc) =	sbr.rel @p1 .LBB2_2-.Ltmp0, $4  }
0x97: {  	p2 =	por $0x0, $0x0;
	_ =	swait.ge [sflag:s7], $0x8000;
	s24 =	sadd.s32 s1, s24  }
0x98: {  	s22 =	sadd.s32 s1, s22;
	s0 =	rddreg [dreg:$0x0];
	[sflag:s7] =	ssyncset.done $0x0  }
0x99: {  	s20 =	sadd.s32 s1, s20;
	s1 =	rddreg [dreg:$0x1];
	[sflag:s7] =	ssyncadd.s32 $0xFFFF8000  }
0x9a: {  	s23 =	smov.u32 @p1 s2;
	p0 =	por $0x1, $0x1;
	_ =	strace $0x9000004F  }
0x9b: {  	s6 =	rddreg [dreg:$0x9]  }
0x9c: {  	s5 =	rddreg [dreg:$0x8];
	s6 =	sadd.s32 $0x1, s6  }
0x9d: {  	p0 =	sne.s32 s6, s5  }
.Ltmp1:
0x9e: {  	_ = 	snop;
	(pc) =	sbr.rel @p0 .LBB2_1-.Ltmp1, $1  }
0x9f: {  	_ =	sdelay $0x3  }
0xa0: {  	_ =	sfence.sel $0x180000  }
0xa1: {  	[bflag:$0x0] =	sbarrier.arrive $0xFFFF  }
0xa2: {  	_ =	strace $0x90000047  }
0xa3: {  	s0 =	stileid.u32;
	[bflag:$0x2] =	sbarrier.arrive $0xFFFF  }
0xa4: {  	p0 =	sne.s32 s0, $0x0;
	s0 =	rddreg [dreg:$0x3]  }
0xa5: {  	s0 =	sadd.s32 @!p0 $0x100000, s0  }
0xa6: {  	[sflag:s0] =	ssyncadd.tile.s32 @!p0 $0x1;
	_ =	shalt  }
.Lfunc_end2:
_tile_overlayer_lowered:
.L_overlay_start_2:
0xa7: {  	(tag) =	ssettag $0x2  }
0xa8: {  	s0 =	rddreg [dreg:$0x0];
	s2 =	stileid.u32  }
0xa9: {  	s1 =	rddreg [dreg:$0x1];
	p0 =	sne.s32 s2, $0x0  }
0xaa: {  	s3 =	rddreg [dreg:$0x2];
	[bflag:$0x3] =	sbarrier.arrive $0xFFFF;
	s2 =	simm.s32 @!p0 $0x1C01  }
0xab: {  	[timem:s3], [sflag:s2] =	dma.local @!p0 [hbm:s0], s1  }
0xac: {  	s0 =	simm.s32 @!p0 $0x1  }
0xad: {  	_ =	swait.ge @!p0 [sflag:s0], s1  }
0xae: {  	s1 =	ssub.s32 @!p0 $0x0, s1;
	[sflag:s0] =	ssyncset.done @!p0 $0x0  }
0xaf: {  	[sflag:s0] =	ssyncadd.s32 @!p0 s1  }
0xb0: {  	[bflag:$0x3] =	sbarrier.arrive $0xFFFF  }
0xb1: {  	_ =	shalt  }

</sc_bundles>
